<compile_context>
chip_gen: v7x
topology: tpu7x:2x2x1
jax: 0.10.2.dev20260603
libtpu: 0.0.44.dev20260713+nightly
codegen_flags: <defaults>
</compile_context>

<pallas_src>
import functools

import jax
import jax.numpy as jnp
import numpy as np
from jax import lax
from jax.experimental import pallas as pl
from jax.experimental.pallas import tpu as pltpu
from jax.experimental.pallas import tpu_sc as plsc

N = 10000
E = 320000
F = 128

NC = 2
NS = 16
NW = NC * NS
CHUNK = 128
NCHUNKS = E // CHUNK
BASE_CH = NCHUNKS // NW
REM_CH = NCHUNKS - BASE_CH * NW

_SC_MESH = dict(
    mesh=plsc.VectorSubcoreMesh(core_axis_name="c", subcore_axis_name="s"),
    compiler_params=pltpu.CompilerParams(needs_layout_passes=False),
)


NT = 80


def _worker_ids():
    cid = lax.axis_index("c")
    sid = lax.axis_index("s")
    wid = sid * NC + cid
    return cid, sid, wid


def _hist_accum(hist_ref, idx_ref, val16):
    for l in range(CHUNK // 16):
        idx16 = idx_ref[pl.ds(l * 16, 16)]
        plsc.addupdate_scatter(hist_ref, [idx16], val16)


def _k1_body(x_hbm, idxi_hbm, idxj_hbm, zeros2d_hbm, zeros1d_hbm,
             gj_hbm, ssum_hbm, hist_hbm,
             idxi0, idxi1, idxj0, idxj1, rj0, rj1,
             hist_v, ssum_sh, sj0, sj1):
    cid, sid, wid = _worker_ids()
    idxi = (idxi0, idxi1)
    idxj = (idxj0, idxj1)
    rj = (rj0, rj1)
    sj = (sj0, sj1)

    @pl.when(sid == 0)
    def _():
        pltpu.sync_copy(zeros2d_hbm, ssum_sh)

    pltpu.sync_copy(zeros1d_hbm, hist_v)
    plsc.subcore_barrier()

    ones16 = jnp.ones((16,), jnp.float32)

    def load_and_fire(t, b):
        c = wid + NW * t

        @pl.when(c < NCHUNKS)
        def _():
            base = c * CHUNK
            pltpu.sync_copy(idxi_hbm.at[pl.ds(base, CHUNK)], idxi[b])
            pltpu.sync_copy(idxj_hbm.at[pl.ds(base, CHUNK)], idxj[b])
            pltpu.async_copy(x_hbm.at[idxj[b]], rj[b], sj[b])

    for b in range(2):
        load_and_fire(jnp.int32(b), b)

    @pl.loop(0, NT, step=2)
    def _(t0):
        for b in range(2):
            t = t0 + b
            c = wid + NW * t

            @pl.when(c < NCHUNKS)
            def _():
                base = c * CHUNK
                pltpu.make_async_copy(x_hbm.at[idxj[b]], rj[b], sj[b]).wait()
                pltpu.sync_copy(rj[b], gj_hbm.at[pl.ds(base, CHUNK)])
                pltpu.sync_copy(rj[b], ssum_sh.at[idxi[b]], add=True)
                _hist_accum(hist_v, idxi[b], ones16)

            load_and_fire(t + 2, b)

    pltpu.sync_copy(hist_v, hist_hbm.at[wid])
    plsc.subcore_barrier()

    @pl.when(sid == 0)
    def _():
        pltpu.sync_copy(ssum_sh, ssum_hbm.at[cid])


def _k2_body(x_hbm, b_hbm, idxi_hbm, gi_hbm, bi_hbm,
             idxi0, idxi1, rx0, rx1, rb0, rb1, sx0, sx1, sb0, sb1):
    _, _, wid = _worker_ids()
    idxi = (idxi0, idxi1)
    rx = (rx0, rx1)
    rb = (rb0, rb1)
    sx = (sx0, sx1)
    sb = (sb0, sb1)

    def load_and_fire(t, b):
        c = wid + NW * t

        @pl.when(c < NCHUNKS)
        def _():
            base = c * CHUNK
            pltpu.sync_copy(idxi_hbm.at[pl.ds(base, CHUNK)], idxi[b])
            pltpu.async_copy(x_hbm.at[idxi[b]], rx[b], sx[b])
            pltpu.async_copy(b_hbm.at[idxi[b]], rb[b], sb[b])

    for b in range(2):
        load_and_fire(jnp.int32(b), b)

    @pl.loop(0, NT, step=2)
    def _(t0):
        for b in range(2):
            t = t0 + b
            c = wid + NW * t

            @pl.when(c < NCHUNKS)
            def _():
                base = c * CHUNK
                pltpu.make_async_copy(x_hbm.at[idxi[b]], rx[b], sx[b]).wait()
                pltpu.make_async_copy(b_hbm.at[idxi[b]], rb[b], sb[b]).wait()
                pltpu.sync_copy(rx[b], gi_hbm.at[pl.ds(base, CHUNK)])
                pltpu.sync_copy(rb[b], bi_hbm.at[pl.ds(base, CHUNK)])

            load_and_fire(t + 2, b)


def _k3_body(w_hbm, ex_hbm, idxi_hbm, zeros2d_hbm, zeros1d_hbm,
             wsum_hbm, dhist_hbm,
             idxi0, idxi1, r0, r1, ex0, ex1, dhist_v, wsum_sh, s0, s1):
    cid, sid, wid = _worker_ids()
    idxi = (idxi0, idxi1)
    rows = (r0, r1)
    exv = (ex0, ex1)
    sem = (s0, s1)

    @pl.when(sid == 0)
    def _():
        pltpu.sync_copy(zeros2d_hbm, wsum_sh)

    pltpu.sync_copy(zeros1d_hbm, dhist_v)
    plsc.subcore_barrier()

    def load_and_fire(t, b):
        c = wid + NW * t

        @pl.when(c < NCHUNKS)
        def _():
            base = c * CHUNK
            pltpu.sync_copy(idxi_hbm.at[pl.ds(base, CHUNK)], idxi[b])
            pltpu.sync_copy(ex_hbm.at[pl.ds(base, CHUNK)], exv[b])
            pltpu.async_copy(w_hbm.at[pl.ds(base, CHUNK)], rows[b], sem[b])

    for b in range(2):
        load_and_fire(jnp.int32(b), b)

    @pl.loop(0, NT, step=2)
    def _(t0):
        for b in range(2):
            t = t0 + b
            c = wid + NW * t

            @pl.when(c < NCHUNKS)
            def _():
                pltpu.make_async_copy(
                    w_hbm.at[pl.ds(c * CHUNK, CHUNK)], rows[b], sem[b]).wait()
                pltpu.sync_copy(rows[b], wsum_sh.at[idxi[b]], add=True)
                for l in range(CHUNK // 16):
                    idx16 = idxi[b][pl.ds(l * 16, 16)]
                    ex16 = exv[b][pl.ds(l * 16, 16)]
                    plsc.addupdate_scatter(dhist_v, [idx16], ex16)

            load_and_fire(t + 2, b)

    pltpu.sync_copy(dhist_v, dhist_hbm.at[wid])
    plsc.subcore_barrier()

    @pl.when(sid == 0)
    def _():
        pltpu.sync_copy(wsum_sh, wsum_hbm.at[cid])


_f32 = jnp.float32


def _sc_gather_scatter_pass1(x, idx_i, idx_j):
    zeros2d = jnp.zeros((N, F), _f32)
    zeros1d = jnp.zeros((N,), _f32)
    k1 = pl.kernel(
        _k1_body,
        out_type=(
            jax.ShapeDtypeStruct((E, F), _f32),
            jax.ShapeDtypeStruct((NC, N, F), _f32),
            jax.ShapeDtypeStruct((NW, N), _f32),
        ),
        scratch_types=(
            [pltpu.VMEM((CHUNK,), jnp.int32)] * 4
            + [pltpu.VMEM((CHUNK, F), _f32)] * 2
            + [pltpu.VMEM((N,), _f32), pltpu.VMEM_SHARED((N, F), _f32)]
            + [pltpu.SemaphoreType.DMA] * 2
        ),
        **_SC_MESH,
    )
    return k1(x, idx_i, idx_j, zeros2d, zeros1d)


def _sc_gather_xi_b(x, b_tab, idx_i):
    k2 = pl.kernel(
        _k2_body,
        out_type=(
            jax.ShapeDtypeStruct((E, F), _f32),
            jax.ShapeDtypeStruct((E, F), _f32),
        ),
        scratch_types=(
            [pltpu.VMEM((CHUNK,), jnp.int32)] * 2
            + [pltpu.VMEM((CHUNK, F), _f32)] * 4
            + [pltpu.SemaphoreType.DMA] * 4
        ),
        **_SC_MESH,
    )
    return k2(x, b_tab, idx_i)


def _sc_scatter_pass3(weighted, e_x, idx_i):
    zeros2d = jnp.zeros((N, F), _f32)
    zeros1d = jnp.zeros((N,), _f32)
    k3 = pl.kernel(
        _k3_body,
        out_type=(
            jax.ShapeDtypeStruct((NC, N, F), _f32),
            jax.ShapeDtypeStruct((NW, N), _f32),
        ),
        scratch_types=(
            [pltpu.VMEM((CHUNK,), jnp.int32)] * 2
            + [pltpu.VMEM((CHUNK, F), _f32)] * 2
            + [pltpu.VMEM((CHUNK,), _f32)] * 2
            + [pltpu.VMEM((N,), _f32), pltpu.VMEM_SHARED((N, F), _f32)]
            + [pltpu.SemaphoreType.DMA] * 2
        ),
        **_SC_MESH,
    )
    return k3(weighted, e_x, idx_i, zeros2d, zeros1d)



_TROWS = 1000


def _t1_body(x_ref, ssum_ref, histt_ref, w1b_ref, b_ref, counts_ref):
    counts = jnp.sum(histt_ref[...], axis=1, keepdims=True)
    cmax = jnp.maximum(counts, 1.0)
    ga = (counts * x_ref[...] + ssum_ref[0] + ssum_ref[1]) * 0.5 / cmax
    b_ref[...] = jnp.dot(ga, w1b_ref[...], preferred_element_type=_f32)
    counts_ref[...] = counts


def _tc_combine(x, ssum_p, hist, w1b):
    histt = hist.T
    grid = (N // _TROWS,)
    return pl.pallas_call(
        _t1_body,
        grid=grid,
        in_specs=[
            pl.BlockSpec((_TROWS, F), lambda b: (b, 0)),
            pl.BlockSpec((NC, _TROWS, F), lambda b: (0, b, 0)),
            pl.BlockSpec((_TROWS, NW), lambda b: (b, 0)),
            pl.BlockSpec((F, F), lambda b: (0, 0)),
        ],
        out_specs=[
            pl.BlockSpec((_TROWS, F), lambda b: (b, 0)),
            pl.BlockSpec((_TROWS, 1), lambda b: (b, 0)),
        ],
        out_shape=[
            jax.ShapeDtypeStruct((N, F), _f32),
            jax.ShapeDtypeStruct((N, 1), _f32),
        ],
    )(x, ssum_p, histt, w1b)


_EBLK = 4000
_BF = jnp.bfloat16


def _t2_body(gi_ref, gj_ref, bi_ref,
             w1m_ref, eb1_ref, gb1_ref, w2m_ref, b2m_ref, w3m_ref,
             eb3_ref, gb3_ref,
             sw1a_ref, sw1b_ref, sw1c_ref, sb1_ref, sw2_ref, sb2_ref,
             sw3_ref, sb3_ref,
             w_ref, ex_ref):
    gi = gi_ref[...]
    gj = gj_ref[...]
    gi16 = gi.astype(_BF)
    gj16 = gj.astype(_BF)
    nm16 = ((gi + gj) * 0.5).astype(_BF)

    def mm(a, b):
        return jnp.dot(a, b, preferred_element_type=_f32)

    t = mm(nm16, w1m_ref[...])
    h = jnp.maximum(t[:, :128] + eb1_ref[...], 0.0)
    g = jnp.maximum(t[:, 128:] + bi_ref[...] + gb1_ref[...], 0.0)
    hg = jnp.concatenate([h, g], axis=1).astype(_BF)
    u = jnp.maximum(mm(hg, w2m_ref[...]) + b2m_ref[...], 0.0)
    v = mm(u.astype(_BF), w3m_ref[...])
    eij = v[:, 0:1] + eb3_ref[...]
    edge = v[:, 1:2] + gb3_ref[...]
    e_x = jnp.exp(eij)

    s = jnp.maximum(mm(gi16, sw1a_ref[...]) + mm(gj16, sw1b_ref[...])
                    + edge * sw1c_ref[...] + sb1_ref[...], 0.0)
    s = jnp.maximum(mm(s.astype(_BF), sw2_ref[...]) + sb2_ref[...], 0.0)
    m = mm(s.astype(_BF), sw3_ref[...]) + sb3_ref[...]

    w_ref[...] = e_x * m
    ex_ref[...] = e_x


def _tc_mlp(gi, gj, bi, weights):
    grid = (E // _EBLK,)
    eblk = lambda b: (b, 0)
    full = lambda b: (0, 0)
    wspecs = [pl.BlockSpec(w.shape, full) for w in weights]
    return pl.pallas_call(
        _t2_body,
        grid=grid,
        in_specs=[pl.BlockSpec((_EBLK, F), eblk)] * 3 + wspecs,
        out_specs=[
            pl.BlockSpec((_EBLK, F), eblk),
            pl.BlockSpec((_EBLK, 1), eblk),
        ],
        out_shape=[
            jax.ShapeDtypeStruct((E, F), _f32),
            jax.ShapeDtypeStruct((E, 1), _f32),
        ],
    )(gi, gj, bi, *weights)


def _t3_body(x_ref, wsum_ref, dhistt_ref, counts_ref, out_ref):
    dsum = jnp.sum(dhistt_ref[...], axis=1, keepdims=True)
    cmax = jnp.maximum(counts_ref[...], 1.0)
    agg = (wsum_ref[0] + wsum_ref[1]) / ((dsum + 1e-9) * cmax)
    out_ref[...] = jnp.maximum(x_ref[...] + agg, 0.0)


def _tc_final(x, wsum_p, dhist, counts):
    dhistt = dhist.T
    grid = (N // _TROWS,)
    return pl.pallas_call(
        _t3_body,
        grid=grid,
        in_specs=[
            pl.BlockSpec((_TROWS, F), lambda b: (b, 0)),
            pl.BlockSpec((NC, _TROWS, F), lambda b: (0, b, 0)),
            pl.BlockSpec((_TROWS, NW), lambda b: (b, 0)),
            pl.BlockSpec((_TROWS, 1), lambda b: (b, 0)),
        ],
        out_specs=pl.BlockSpec((_TROWS, F), lambda b: (b, 0)),
        out_shape=jax.ShapeDtypeStruct((N, F), _f32),
    )(x, wsum_p, dhistt, counts)


def kernel(x, edge_index, e,
           enet_W1, enet_b1, enet_W2, enet_b2, enet_W3, enet_b3,
           edgenet_W1, edgenet_b1, edgenet_W2, edgenet_b2, edgenet_W3, edgenet_b3,
           snet_W1, snet_b1, snet_W2, snet_b2, snet_W3, snet_b3):
    idx_i = edge_index[0]
    idx_j = edge_index[1]

    gj, ssum_p, hist = _sc_gather_scatter_pass1(x, idx_i, idx_j)

    b_tab, counts = _tc_combine(x, ssum_p, hist, edgenet_W1[F:])

    gi, bi = _sc_gather_xi_b(x, b_tab, idx_i)

    w1m = jnp.concatenate([enet_W1, edgenet_W1[:F]], axis=1).astype(_BF)
    z128_64 = jnp.zeros((F, 64), _f32)
    w2m = jnp.concatenate([
        jnp.concatenate([enet_W2, z128_64], axis=1),
        jnp.concatenate([z128_64, edgenet_W2], axis=1),
    ], axis=0).astype(_BF)
    b2m = jnp.concatenate([enet_b2, edgenet_b2]).reshape(1, -1)
    z64_1 = jnp.zeros((64, 1), _f32)
    w3m = jnp.concatenate([
        jnp.concatenate([enet_W3, z64_1], axis=1),
        jnp.concatenate([z64_1, edgenet_W3], axis=1),
    ], axis=0).astype(_BF)
    weights = (
        w1m, enet_b1.reshape(1, -1), edgenet_b1.reshape(1, -1),
        w2m, b2m, w3m,
        enet_b3.reshape(1, -1), edgenet_b3.reshape(1, -1),
        snet_W1[:F].astype(_BF), snet_W1[F:2 * F].astype(_BF),
        snet_W1[2 * F:], snet_b1.reshape(1, -1),
        snet_W2.astype(_BF), snet_b2.reshape(1, -1),
        snet_W3.astype(_BF), snet_b3.reshape(1, -1),
    )
    weighted, e_x = _tc_mlp(gi, gj, bi, weights)

    wsum_p, dhist = _sc_scatter_pass3(weighted, e_x[:, 0], idx_i)

    return _tc_final(x, wsum_p, dhist, counts)

# --- scband reference (transcript-rebuilt; emitter-appended) ---
"""Pipeline reference for scband-net-32555852104135 (READ-ONLY COPY).

The authoritative reference and input builder live on the scoring server;
editing this copy changes nothing except your own understanding.
"""

import jax, jax.numpy as jnp
import numpy as np

N = 10000
E = 320000
F = 128
CH = 128


def _glorot(k, shape):
    lim = np.sqrt(6.0 / (shape[0] + shape[1]))
    return jax.random.uniform(k, shape, jnp.float32, -lim, lim)


def _mlp3(h, W1, b1, W2, b2, W3, b3):
    h = jax.nn.relu(h @ W1 + b1)
    h = jax.nn.relu(h @ W2 + b2)
    return h @ W3 + b3


def setup_inputs(seed: int = 0):
    key = jax.random.key(seed)
    ks = jax.random.split(key, 16)
    inp = {}
    inp['x'] = jax.random.normal(ks[0], (N, F), jnp.float32)
    inp['edge_index'] = jax.random.randint(ks[1], (2, E), 0, N, jnp.int32)
    inp['e'] = jax.random.uniform(ks[2], (E, 1), jnp.float32)
    # enet: F -> 128 -> 64 -> 1
    inp['enet_W1'] = _glorot(ks[3], (F, 128)); inp['enet_b1'] = jnp.zeros((128,), jnp.float32)
    inp['enet_W2'] = _glorot(ks[4], (128, 64)); inp['enet_b2'] = jnp.zeros((64,), jnp.float32)
    inp['enet_W3'] = _glorot(ks[5], (64, 1)); inp['enet_b3'] = jnp.zeros((1,), jnp.float32)
    # edgenet: 2F -> 128 -> 64 -> 1
    inp['edgenet_W1'] = _glorot(ks[6], (2 * F, 128)); inp['edgenet_b1'] = jnp.zeros((128,), jnp.float32)
    inp['edgenet_W2'] = _glorot(ks[7], (128, 64)); inp['edgenet_b2'] = jnp.zeros((64,), jnp.float32)
    inp['edgenet_W3'] = _glorot(ks[8], (64, 1)); inp['edgenet_b3'] = jnp.zeros((1,), jnp.float32)
    # snet: (2F + 1) -> 128 -> 64 -> CH
    inp['snet_W1'] = _glorot(ks[9], (2 * F + 1, 128)); inp['snet_b1'] = jnp.zeros((128,), jnp.float32)
    inp['snet_W2'] = _glorot(ks[10], (128, 64)); inp['snet_b2'] = jnp.zeros((64,), jnp.float32)
    inp['snet_W3'] = _glorot(ks[11], (64, CH)); inp['snet_b3'] = jnp.zeros((CH,), jnp.float32)
    return inp


def reference(x, edge_index, e,
              enet_W1, enet_b1, enet_W2, enet_b2, enet_W3, enet_b3,
              edgenet_W1, edgenet_b1, edgenet_W2, edgenet_b2, edgenet_W3, edgenet_b3,
              snet_W1, snet_b1, snet_W2, snet_b2, snet_W3, snet_b3):
    idx_i = edge_index[0]
    idx_j = edge_index[1]
    x_i = jnp.take(x, idx_i, axis=0)
    x_j = jnp.take(x, idx_j, axis=0)
    neighbors_mean = (x_i + x_j) / 2.0
    # scatter_mean of neighbors_mean over target nodes
    sums = jax.ops.segment_sum(neighbors_mean, idx_i, num_segments=N)
    counts = jax.ops.segment_sum(jnp.ones((E, 1), jnp.float32), idx_i, num_segments=N)
    global_attr = sums / jnp.maximum(counts, 1.0)
    gat = jnp.take(global_attr, idx_i, axis=0)
    neighbors = jnp.concatenate([neighbors_mean, gat], axis=-1)
    edge = _mlp3(neighbors, edgenet_W1, edgenet_b1, edgenet_W2, edgenet_b2, edgenet_W3, edgenet_b3)
    # auxiliary edge loss (add_loss side effect in the original; not part of the output)
    eloss = jnp.mean(jnp.abs(edge - e))
    eij = _mlp3(neighbors_mean, enet_W1, enet_b1, enet_W2, enet_b2, enet_W3, enet_b3)
    # unsorted segment softmax over incoming edges of each node
    e_x = jnp.exp(eij)
    denom = jax.ops.segment_sum(e_x, idx_i, num_segments=N) + 1e-09
    aij = e_x / jnp.take(denom, idx_i, axis=0)
    z = jnp.concatenate([x_i, x_j, edge], axis=-1)
    messages = aij * _mlp3(z, snet_W1, snet_b1, snet_W2, snet_b2, snet_W3, snet_b3)
    # aggregate = scatter_mean
    agg = jax.ops.segment_sum(messages, idx_i, num_segments=N) / jnp.maximum(counts, 1.0)
    # update = residual, then layer activation (relu)
    out = jax.nn.relu(x + agg)
    return out

if __name__ == "__main__":
    import jax
    _d = setup_inputs()
    print(jax.jit(kernel)(*tuple(_d.values())))

</pallas_src>

<mosaic_0001>
#map = affine_map<(d0, d1) -> (0, 0)>
#map1 = affine_map<(d0, d1) -> (0)>
#map2 = affine_map<(d0, d1) -> (0, 0, 0)>
module attributes {stable_mosaic.version = 14 : i64} {
  func.func @_k3_body(%arg0: i32, %arg1: i32, %arg2: memref<320000x128xf32, #tpu.memory_space<hbm>>, %arg3: memref<320000xf32, #tpu.memory_space<hbm>>, %arg4: memref<320000xi32, #tpu.memory_space<hbm>>, %arg5: memref<10000x128xf32, #tpu.memory_space<hbm>>, %arg6: memref<10000xf32, #tpu.memory_space<hbm>>, %arg7: memref<2x10000x128xf32, #tpu.memory_space<hbm>>, %arg8: memref<32x10000xf32, #tpu.memory_space<hbm>>, %arg9: memref<128xi32, #tpu.memory_space<vmem>>, %arg10: memref<128xi32, #tpu.memory_space<vmem>>, %arg11: memref<128x128xf32, #tpu.memory_space<vmem>>, %arg12: memref<128x128xf32, #tpu.memory_space<vmem>>, %arg13: memref<128xf32, #tpu.memory_space<vmem>>, %arg14: memref<128xf32, #tpu.memory_space<vmem>>, %arg15: memref<10000xf32, #tpu.memory_space<vmem>>, %arg16: memref<10000x128xf32, #tpu.memory_space<vmem_shared>>, %arg17: memref<!tpu.dma_semaphore, #tpu.memory_space<semaphore_mem>>, %arg18: memref<!tpu.dma_semaphore, #tpu.memory_space<semaphore_mem>>) attributes {dimension_semantics = [#tpu.dimension_semantics<core_parallel>, #tpu.dimension_semantics<subcore_parallel>], iteration_bounds = array<i64: 2, 16>, scalar_prefetch = 0 : i64, scratch_operands = 10 : i64, tpu.core_type = #tpu.core_type<sc_vector_subcore>, window_params = [{transform_indices = #map}, {transform_indices = #map1}, {transform_indices = #map1}, {transform_indices = #map}, {transform_indices = #map1}, {transform_indices = #map2}, {transform_indices = #map}]} {
    %mul3A = arith.constant 2 : i32
    %mul3A_0 = arith.muli %arg1, %mul3A : i32
    %add3A = arith.addi %mul3A_0, %arg0 : i32
    %eq3A = arith.constant 0 : i32
    %eq3A_1 = arith.cmpi eq, %arg1, %eq3A : i32
    %convert_element_type3A = arith.extui %eq3A_1 : i1 to i32
    %cond3A = arith.constant 0 : i32
    %cond3A_2 = arith.cmpi ne, %convert_element_type3A, %cond3A : i32
    scf.if %cond3A_2 {
      "tpu.region"() ({
        %run_scoped3A = tpu.sem_alloc : memref<!tpu.dma_semaphore, #tpu.memory_space<semaphore_mem>>
        tpu.enqueue_dma source(%arg5 : memref<10000x128xf32, #tpu.memory_space<hbm>>) target(%arg16 : memref<10000x128xf32, #tpu.memory_space<vmem_shared>>) target_semaphore(%run_scoped3A : memref<!tpu.dma_semaphore, #tpu.memory_space<semaphore_mem>>)
        tpu.wait_dma2 semaphore(%run_scoped3A : memref<!tpu.dma_semaphore, #tpu.memory_space<semaphore_mem>>) src(%arg5 : memref<10000x128xf32, #tpu.memory_space<hbm>>) dst(%arg16 : memref<10000x128xf32, #tpu.memory_space<vmem_shared>>)
        tpu.yield
      }) : () -> ()
    } else {
    }
    "tpu.region"() ({
      %run_scoped3A = tpu.sem_alloc : memref<!tpu.dma_semaphore, #tpu.memory_space<semaphore_mem>>
      tpu.enqueue_dma source(%arg6 : memref<10000xf32, #tpu.memory_space<hbm>>) target(%arg15 : memref<10000xf32, #tpu.memory_space<vmem>>) target_semaphore(%run_scoped3A : memref<!tpu.dma_semaphore, #tpu.memory_space<semaphore_mem>>)
      tpu.wait_dma2 semaphore(%run_scoped3A : memref<!tpu.dma_semaphore, #tpu.memory_space<semaphore_mem>>) src(%arg6 : memref<10000xf32, #tpu.memory_space<hbm>>) dst(%arg15 : memref<10000xf32, #tpu.memory_space<vmem>>)
      tpu.yield
    }) : () -> ()
    %barrier3A = arith.constant 0 : index
    tpu.barrier barrier_id(%barrier3A)
    %mul3A_3 = arith.constant 32 : i32
    %mul3A_4 = arith.constant 0 : i32
    %mul3A_5 = arith.muli %mul3A_3, %mul3A_4 : i32
    %add3A_6 = arith.addi %add3A, %mul3A_5 : i32
    %lt3A = arith.constant 2500 : i32
    %lt3A_7 = arith.cmpi slt, %add3A_6, %lt3A : i32
    %convert_element_type3A_8 = arith.extui %lt3A_7 : i1 to i32
    %cond3A_9 = arith.constant 0 : i32
    %cond3A_10 = arith.cmpi ne, %convert_element_type3A_8, %cond3A_9 : i32
    scf.if %cond3A_10 {
      %mul3A_30 = arith.constant 128 : i32
      %mul3A_31 = arith.muli %add3A_6, %mul3A_30 : i32
      "tpu.region"() ({
        %run_scoped3A = tpu.sem_alloc : memref<!tpu.dma_semaphore, #tpu.memory_space<semaphore_mem>>
        %dma_start3A_35 = tpu.memref_slice %arg4[%mul3A_31] : memref<320000xi32, #tpu.memory_space<hbm>> -> memref<128xi32, #tpu.memory_space<hbm>>
        %dma_start3A_36 = tpu.memref_slice %arg4[%mul3A_31] : memref<320000xi32, #tpu.memory_space<hbm>> -> memref<128xi32, #tpu.memory_space<hbm>>
        tpu.enqueue_dma source(%dma_start3A_36 : memref<128xi32, #tpu.memory_space<hbm>>) target(%arg9 : memref<128xi32, #tpu.memory_space<vmem>>) target_semaphore(%run_scoped3A : memref<!tpu.dma_semaphore, #tpu.memory_space<semaphore_mem>>)
        %dma_wait3A = tpu.memref_slice %arg4[%mul3A_31] : memref<320000xi32, #tpu.memory_space<hbm>> -> memref<128xi32, #tpu.memory_space<hbm>>
        %dma_wait3A_37 = tpu.memref_slice %arg4[%mul3A_31] : memref<320000xi32, #tpu.memory_space<hbm>> -> memref<128xi32, #tpu.memory_space<hbm>>
        tpu.wait_dma2 semaphore(%run_scoped3A : memref<!tpu.dma_semaphore, #tpu.memory_space<semaphore_mem>>) src(%dma_wait3A_37 : memref<128xi32, #tpu.memory_space<hbm>>) dst(%arg9 : memref<128xi32, #tpu.memory_space<vmem>>)
        tpu.yield
      }) : () -> ()
      "tpu.region"() ({
        %run_scoped3A = tpu.sem_alloc : memref<!tpu.dma_semaphore, #tpu.memory_space<semaphore_mem>>
        %dma_start3A_35 = tpu.memref_slice %arg3[%mul3A_31] : memref<320000xf32, #tpu.memory_space<hbm>> -> memref<128xf32, #tpu.memory_space<hbm>>
        %dma_start3A_36 = tpu.memref_slice %arg3[%mul3A_31] : memref<320000xf32, #tpu.memory_space<hbm>> -> memref<128xf32, #tpu.memory_space<hbm>>
        tpu.enqueue_dma source(%dma_start3A_36 : memref<128xf32, #tpu.memory_space<hbm>>) target(%arg13 : memref<128xf32, #tpu.memory_space<vmem>>) target_semaphore(%run_scoped3A : memref<!tpu.dma_semaphore, #tpu.memory_space<semaphore_mem>>)
        %dma_wait3A = tpu.memref_slice %arg3[%mul3A_31] : memref<320000xf32, #tpu.memory_space<hbm>> -> memref<128xf32, #tpu.memory_space<hbm>>
        %dma_wait3A_37 = tpu.memref_slice %arg3[%mul3A_31] : memref<320000xf32, #tpu.memory_space<hbm>> -> memref<128xf32, #tpu.memory_space<hbm>>
        tpu.wait_dma2 semaphore(%run_scoped3A : memref<!tpu.dma_semaphore, #tpu.memory_space<semaphore_mem>>) src(%dma_wait3A_37 : memref<128xf32, #tpu.memory_space<hbm>>) dst(%arg13 : memref<128xf32, #tpu.memory_space<vmem>>)
        tpu.yield
      }) : () -> ()
      %dma_start3A = arith.constant 0 : i32
      %dma_start3A_32 = tpu.memref_slice %arg2[%mul3A_31, %dma_start3A] : memref<320000x128xf32, #tpu.memory_space<hbm>> -> memref<128x128xf32, #tpu.memory_space<hbm>>
      %dma_start3A_33 = arith.constant 0 : i32
      %dma_start3A_34 = tpu.memref_slice %arg2[%mul3A_31, %dma_start3A_33] : memref<320000x128xf32, #tpu.memory_space<hbm>> -> memref<128x128xf32, #tpu.memory_space<hbm>>
      tpu.enqueue_dma source(%dma_start3A_34 : memref<128x128xf32, #tpu.memory_space<hbm>>) target(%arg11 : memref<128x128xf32, #tpu.memory_space<vmem>>) target_semaphore(%arg17 : memref<!tpu.dma_semaphore, #tpu.memory_space<semaphore_mem>>)
    } else {
    }
    %mul3A_11 = arith.constant 32 : i32
    %mul3A_12 = arith.constant 1 : i32
    %mul3A_13 = arith.muli %mul3A_11, %mul3A_12 : i32
    %add3A_14 = arith.addi %add3A, %mul3A_13 : i32
    %lt3A_15 = arith.constant 2500 : i32
    %lt3A_16 = arith.cmpi slt, %add3A_14, %lt3A_15 : i32
    %convert_element_type3A_17 = arith.extui %lt3A_16 : i1 to i32
    %cond3A_18 = arith.constant 0 : i32
    %cond3A_19 = arith.cmpi ne, %convert_element_type3A_17, %cond3A_18 : i32
    scf.if %cond3A_19 {
      %mul3A_30 = arith.constant 128 : i32
      %mul3A_31 = arith.muli %add3A_14, %mul3A_30 : i32
      "tpu.region"() ({
        %run_scoped3A = tpu.sem_alloc : memref<!tpu.dma_semaphore, #tpu.memory_space<semaphore_mem>>
        %dma_start3A_35 = tpu.memref_slice %arg4[%mul3A_31] : memref<320000xi32, #tpu.memory_space<hbm>> -> memref<128xi32, #tpu.memory_space<hbm>>
        %dma_start3A_36 = tpu.memref_slice %arg4[%mul3A_31] : memref<320000xi32, #tpu.memory_space<hbm>> -> memref<128xi32, #tpu.memory_space<hbm>>
        tpu.enqueue_dma source(%dma_start3A_36 : memref<128xi32, #tpu.memory_space<hbm>>) target(%arg10 : memref<128xi32, #tpu.memory_space<vmem>>) target_semaphore(%run_scoped3A : memref<!tpu.dma_semaphore, #tpu.memory_space<semaphore_mem>>)
        %dma_wait3A = tpu.memref_slice %arg4[%mul3A_31] : memref<320000xi32, #tpu.memory_space<hbm>> -> memref<128xi32, #tpu.memory_space<hbm>>
        %dma_wait3A_37 = tpu.memref_slice %arg4[%mul3A_31] : memref<320000xi32, #tpu.memory_space<hbm>> -> memref<128xi32, #tpu.memory_space<hbm>>
        tpu.wait_dma2 semaphore(%run_scoped3A : memref<!tpu.dma_semaphore, #tpu.memory_space<semaphore_mem>>) src(%dma_wait3A_37 : memref<128xi32, #tpu.memory_space<hbm>>) dst(%arg10 : memref<128xi32, #tpu.memory_space<vmem>>)
        tpu.yield
      }) : () -> ()
      "tpu.region"() ({
        %run_scoped3A = tpu.sem_alloc : memref<!tpu.dma_semaphore, #tpu.memory_space<semaphore_mem>>
        %dma_start3A_35 = tpu.memref_slice %arg3[%mul3A_31] : memref<320000xf32, #tpu.memory_space<hbm>> -> memref<128xf32, #tpu.memory_space<hbm>>
        %dma_start3A_36 = tpu.memref_slice %arg3[%mul3A_31] : memref<320000xf32, #tpu.memory_space<hbm>> -> memref<128xf32, #tpu.memory_space<hbm>>
        tpu.enqueue_dma source(%dma_start3A_36 : memref<128xf32, #tpu.memory_space<hbm>>) target(%arg14 : memref<128xf32, #tpu.memory_space<vmem>>) target_semaphore(%run_scoped3A : memref<!tpu.dma_semaphore, #tpu.memory_space<semaphore_mem>>)
        %dma_wait3A = tpu.memref_slice %arg3[%mul3A_31] : memref<320000xf32, #tpu.memory_space<hbm>> -> memref<128xf32, #tpu.memory_space<hbm>>
        %dma_wait3A_37 = tpu.memref_slice %arg3[%mul3A_31] : memref<320000xf32, #tpu.memory_space<hbm>> -> memref<128xf32, #tpu.memory_space<hbm>>
        tpu.wait_dma2 semaphore(%run_scoped3A : memref<!tpu.dma_semaphore, #tpu.memory_space<semaphore_mem>>) src(%dma_wait3A_37 : memref<128xf32, #tpu.memory_space<hbm>>) dst(%arg14 : memref<128xf32, #tpu.memory_space<vmem>>)
        tpu.yield
      }) : () -> ()
      %dma_start3A = arith.constant 0 : i32
      %dma_start3A_32 = tpu.memref_slice %arg2[%mul3A_31, %dma_start3A] : memref<320000x128xf32, #tpu.memory_space<hbm>> -> memref<128x128xf32, #tpu.memory_space<hbm>>
      %dma_start3A_33 = arith.constant 0 : i32
      %dma_start3A_34 = tpu.memref_slice %arg2[%mul3A_31, %dma_start3A_33] : memref<320000x128xf32, #tpu.memory_space<hbm>> -> memref<128x128xf32, #tpu.memory_space<hbm>>
      tpu.enqueue_dma source(%dma_start3A_34 : memref<128x128xf32, #tpu.memory_space<hbm>>) target(%arg12 : memref<128x128xf32, #tpu.memory_space<vmem>>) target_semaphore(%arg18 : memref<!tpu.dma_semaphore, #tpu.memory_space<semaphore_mem>>)
    } else {
    }
    %scan3A = arith.constant 0 : i32
    %scan3A_20 = arith.constant 40 : i32
    %scan3A_21 = arith.addi %scan3A, %scan3A_20 : i32
    %scan3A_22 = arith.constant 1 : i32
    scf.for %scan3A_30 = %scan3A to %scan3A_21 step %scan3A_22  : i32 {
      %mul3A_31 = arith.constant 2 : i32
      %mul3A_32 = arith.muli %scan3A_30, %mul3A_31 : i32
      %add3A_33 = arith.constant 0 : i32
      %add3A_34 = arith.addi %add3A_33, %mul3A_32 : i32
      %add3A_35 = arith.constant 0 : i32
      %add3A_36 = arith.addi %add3A_34, %add3A_35 : i32
      %mul3A_37 = arith.constant 32 : i32
      %mul3A_38 = arith.muli %mul3A_37, %add3A_36 : i32
      %add3A_39 = arith.addi %add3A, %mul3A_38 : i32
      %lt3A_40 = arith.constant 2500 : i32
      %lt3A_41 = arith.cmpi slt, %add3A_39, %lt3A_40 : i32
      %convert_element_type3A_42 = arith.extui %lt3A_41 : i1 to i32
      %cond3A_43 = arith.constant 0 : i32
      %cond3A_44 = arith.cmpi ne, %convert_element_type3A_42, %cond3A_43 : i32
      scf.if %cond3A_44 {
        %mul3A_75 = arith.constant 128 : i32
        %mul3A_76 = arith.muli %add3A_39, %mul3A_75 : i32
        %dma_wait3A = arith.constant 0 : i32
        %dma_wait3A_77 = tpu.memref_slice %arg2[%mul3A_76, %dma_wait3A] : memref<320000x128xf32, #tpu.memory_space<hbm>> -> memref<128x128xf32, #tpu.memory_space<hbm>>
        %dma_wait3A_78 = arith.constant 0 : i32
        %dma_wait3A_79 = tpu.memref_slice %arg2[%mul3A_76, %dma_wait3A_78] : memref<320000x128xf32, #tpu.memory_space<hbm>> -> memref<128x128xf32, #tpu.memory_space<hbm>>
        tpu.wait_dma2 semaphore(%arg17 : memref<!tpu.dma_semaphore, #tpu.memory_space<semaphore_mem>>) src(%dma_wait3A_79 : memref<128x128xf32, #tpu.memory_space<hbm>>) dst(%arg11 : memref<128x128xf32, #tpu.memory_space<vmem>>)
        "tpu.region"() ({
          %run_scoped3A = tpu.sem_alloc : memref<!tpu.dma_semaphore, #tpu.memory_space<semaphore_mem>>
          %dma_start3A = arith.constant 0 : i32
          %dma_start3A_111 = arith.constant 0 : i32
          %dma_start3A_112 = tpu.memref_slice %arg16[%dma_start3A, %dma_start3A_111] : memref<10000x128xf32, #tpu.memory_space<vmem_shared>> -> memref<10000x128xf32, #tpu.memory_space<vmem_shared>>
          tpu.enqueue_indirect_dma source(%arg11 : memref<128x128xf32, #tpu.memory_space<vmem>>) target(%dma_start3A_112 : memref<10000x128xf32, #tpu.memory_space<vmem_shared>>) offsets(%arg9 : memref<128xi32, #tpu.memory_space<vmem>>) semaphore(%run_scoped3A : memref<!tpu.dma_semaphore, #tpu.memory_space<semaphore_mem>>) {add = true}
          %dma_wait3A_113 = arith.constant 0 : i32
          %dma_wait3A_114 = arith.constant 0 : i32
          %dma_wait3A_115 = tpu.memref_slice %arg16[%dma_wait3A_113, %dma_wait3A_114] : memref<10000x128xf32, #tpu.memory_space<vmem_shared>> -> memref<10000x128xf32, #tpu.memory_space<vmem_shared>>
          tpu.wait_indirect_dma semaphore(%run_scoped3A : memref<!tpu.dma_semaphore, #tpu.memory_space<semaphore_mem>>) src(%arg11 : memref<128x128xf32, #tpu.memory_space<vmem>>) dst(%dma_wait3A_115 : memref<10000x128xf32, #tpu.memory_space<vmem_shared>>)
          tpu.yield
        }) : () -> ()
        %get3A = arith.constant 0 : index
        %get3A_80 = tpu.vector_load %arg9[%get3A] {strides = array<i32>} : memref<128xi32, #tpu.memory_space<vmem>>, vector<16xi32>,
        %get3A_81 = arith.constant 0 : index
        %get3A_82 = tpu.vector_load %arg13[%get3A_81] {strides = array<i32>} : memref<128xf32, #tpu.memory_space<vmem>>, vector<16xf32>,
        tpu.vector_store_idx %arg15[%get3A_80], %get3A_82 {add = true} : memref<10000xf32, #tpu.memory_space<vmem>>[vector<16xi32>], vector<16xf32>,
        %get3A_83 = arith.constant 16 : index
        %get3A_84 = tpu.vector_load %arg9[%get3A_83] {strides = array<i32>} : memref<128xi32, #tpu.memory_space<vmem>>, vector<16xi32>,
        %get3A_85 = arith.constant 16 : index
        %get3A_86 = tpu.vector_load %arg13[%get3A_85] {strides = array<i32>} : memref<128xf32, #tpu.memory_space<vmem>>, vector<16xf32>,
        tpu.vector_store_idx %arg15[%get3A_84], %get3A_86 {add = true} : memref<10000xf32, #tpu.memory_space<vmem>>[vector<16xi32>], vector<16xf32>,
        %get3A_87 = arith.constant 32 : index
        %get3A_88 = tpu.vector_load %arg9[%get3A_87] {strides = array<i32>} : memref<128xi32, #tpu.memory_space<vmem>>, vector<16xi32>,
        %get3A_89 = arith.constant 32 : index
        %get3A_90 = tpu.vector_load %arg13[%get3A_89] {strides = array<i32>} : memref<128xf32, #tpu.memory_space<vmem>>, vector<16xf32>,
        tpu.vector_store_idx %arg15[%get3A_88], %get3A_90 {add = true} : memref<10000xf32, #tpu.memory_space<vmem>>[vector<16xi32>], vector<16xf32>,
        %get3A_91 = arith.constant 48 : index
        %get3A_92 = tpu.vector_load %arg9[%get3A_91] {strides = array<i32>} : memref<128xi32, #tpu.memory_space<vmem>>, vector<16xi32>,
        %get3A_93 = arith.constant 48 : index
        %get3A_94 = tpu.vector_load %arg13[%get3A_93] {strides = array<i32>} : memref<128xf32, #tpu.memory_space<vmem>>, vector<16xf32>,
        tpu.vector_store_idx %arg15[%get3A_92], %get3A_94 {add = true} : memref<10000xf32, #tpu.memory_space<vmem>>[vector<16xi32>], vector<16xf32>,
        %get3A_95 = arith.constant 64 : index
        %get3A_96 = tpu.vector_load %arg9[%get3A_95] {strides = array<i32>} : memref<128xi32, #tpu.memory_space<vmem>>, vector<16xi32>,
        %get3A_97 = arith.constant 64 : index
        %get3A_98 = tpu.vector_load %arg13[%get3A_97] {strides = array<i32>} : memref<128xf32, #tpu.memory_space<vmem>>, vector<16xf32>,
        tpu.vector_store_idx %arg15[%get3A_96], %get3A_98 {add = true} : memref<10000xf32, #tpu.memory_space<vmem>>[vector<16xi32>], vector<16xf32>,
        %get3A_99 = arith.constant 80 : index
        %get3A_100 = tpu.vector_load %arg9[%get3A_99] {strides = array<i32>} : memref<128xi32, #tpu.memory_space<vmem>>, vector<16xi32>,
        %get3A_101 = arith.constant 80 : index
        %get3A_102 = tpu.vector_load %arg13[%get3A_101] {strides = array<i32>} : memref<128xf32, #tpu.memory_space<vmem>>, vector<16xf32>,
        tpu.vector_store_idx %arg15[%get3A_100], %get3A_102 {add = true} : memref<10000xf32, #tpu.memory_space<vmem>>[vector<16xi32>], vector<16xf32>,
        %get3A_103 = arith.constant 96 : index
        %get3A_104 = tpu.vector_load %arg9[%get3A_103] {strides = array<i32>} : memref<128xi32, #tpu.memory_space<vmem>>, vector<16xi32>,
        %get3A_105 = arith.constant 96 : index
        %get3A_106 = tpu.vector_load %arg13[%get3A_105] {strides = array<i32>} : memref<128xf32, #tpu.memory_space<vmem>>, vector<16xf32>,
        tpu.vector_store_idx %arg15[%get3A_104], %get3A_106 {add = true} : memref<10000xf32, #tpu.memory_space<vmem>>[vector<16xi32>], vector<16xf32>,
        %get3A_107 = arith.constant 112 : index
        %get3A_108 = tpu.vector_load %arg9[%get3A_107] {strides = array<i32>} : memref<128xi32, #tpu.memory_space<vmem>>, vector<16xi32>,
        %get3A_109 = arith.constant 112 : index
        %get3A_110 = tpu.vector_load %arg13[%get3A_109] {strides = array<i32>} : memref<128xf32, #tpu.memory_space<vmem>>, vector<16xf32>,
        tpu.vector_store_idx %arg15[%get3A_108], %get3A_110 {add = true} : memref<10000xf32, #tpu.memory_space<vmem>>[vector<16xi32>], vector<16xf32>,
      } else {
      }
      %add3A_45 = arith.constant 2 : i32
      %add3A_46 = arith.addi %add3A_36, %add3A_45 : i32
      %mul3A_47 = arith.constant 32 : i32
      %mul3A_48 = arith.muli %mul3A_47, %add3A_46 : i32
      %add3A_49 = arith.addi %add3A, %mul3A_48 : i32
      %lt3A_50 = arith.constant 2500 : i32
      %lt3A_51 = arith.cmpi slt, %add3A_49, %lt3A_50 : i32
      %convert_element_type3A_52 = arith.extui %lt3A_51 : i1 to i32
      %cond3A_53 = arith.constant 0 : i32
      %cond3A_54 = arith.cmpi ne, %convert_element_type3A_52, %cond3A_53 : i32
      scf.if %cond3A_54 {
        %mul3A_75 = arith.constant 128 : i32
        %mul3A_76 = arith.muli %add3A_49, %mul3A_75 : i32
        "tpu.region"() ({
          %run_scoped3A = tpu.sem_alloc : memref<!tpu.dma_semaphore, #tpu.memory_space<semaphore_mem>>
          %dma_start3A_80 = tpu.memref_slice %arg4[%mul3A_76] : memref<320000xi32, #tpu.memory_space<hbm>> -> memref<128xi32, #tpu.memory_space<hbm>>
          %dma_start3A_81 = tpu.memref_slice %arg4[%mul3A_76] : memref<320000xi32, #tpu.memory_space<hbm>> -> memref<128xi32, #tpu.memory_space<hbm>>
          tpu.enqueue_dma source(%dma_start3A_81 : memref<128xi32, #tpu.memory_space<hbm>>) target(%arg9 : memref<128xi32, #tpu.memory_space<vmem>>) target_semaphore(%run_scoped3A : memref<!tpu.dma_semaphore, #tpu.memory_space<semaphore_mem>>)
          %dma_wait3A = tpu.memref_slice %arg4[%mul3A_76] : memref<320000xi32, #tpu.memory_space<hbm>> -> memref<128xi32, #tpu.memory_space<hbm>>
          %dma_wait3A_82 = tpu.memref_slice %arg4[%mul3A_76] : memref<320000xi32, #tpu.memory_space<hbm>> -> memref<128xi32, #tpu.memory_space<hbm>>
          tpu.wait_dma2 semaphore(%run_scoped3A : memref<!tpu.dma_semaphore, #tpu.memory_space<semaphore_mem>>) src(%dma_wait3A_82 : memref<128xi32, #tpu.memory_space<hbm>>) dst(%arg9 : memref<128xi32, #tpu.memory_space<vmem>>)
          tpu.yield
        }) : () -> ()
        "tpu.region"() ({
          %run_scoped3A = tpu.sem_alloc : memref<!tpu.dma_semaphore, #tpu.memory_space<semaphore_mem>>
          %dma_start3A_80 = tpu.memref_slice %arg3[%mul3A_76] : memref<320000xf32, #tpu.memory_space<hbm>> -> memref<128xf32, #tpu.memory_space<hbm>>
          %dma_start3A_81 = tpu.memref_slice %arg3[%mul3A_76] : memref<320000xf32, #tpu.memory_space<hbm>> -> memref<128xf32, #tpu.memory_space<hbm>>
          tpu.enqueue_dma source(%dma_start3A_81 : memref<128xf32, #tpu.memory_space<hbm>>) target(%arg13 : memref<128xf32, #tpu.memory_space<vmem>>) target_semaphore(%run_scoped3A : memref<!tpu.dma_semaphore, #tpu.memory_space<semaphore_mem>>)
          %dma_wait3A = tpu.memref_slice %arg3[%mul3A_76] : memref<320000xf32, #tpu.memory_space<hbm>> -> memref<128xf32, #tpu.memory_space<hbm>>
          %dma_wait3A_82 = tpu.memref_slice %arg3[%mul3A_76] : memref<320000xf32, #tpu.memory_space<hbm>> -> memref<128xf32, #tpu.memory_space<hbm>>
          tpu.wait_dma2 semaphore(%run_scoped3A : memref<!tpu.dma_semaphore, #tpu.memory_space<semaphore_mem>>) src(%dma_wait3A_82 : memref<128xf32, #tpu.memory_space<hbm>>) dst(%arg13 : memref<128xf32, #tpu.memory_space<vmem>>)
          tpu.yield
        }) : () -> ()
        %dma_start3A = arith.constant 0 : i32
        %dma_start3A_77 = tpu.memref_slice %arg2[%mul3A_76, %dma_start3A] : memref<320000x128xf32, #tpu.memory_space<hbm>> -> memref<128x128xf32, #tpu.memory_space<hbm>>
        %dma_start3A_78 = arith.constant 0 : i32
        %dma_start3A_79 = tpu.memref_slice %arg2[%mul3A_76, %dma_start3A_78] : memref<320000x128xf32, #tpu.memory_space<hbm>> -> memref<128x128xf32, #tpu.memory_space<hbm>>
        tpu.enqueue_dma source(%dma_start3A_79 : memref<128x128xf32, #tpu.memory_space<hbm>>) target(%arg11 : memref<128x128xf32, #tpu.memory_space<vmem>>) target_semaphore(%arg17 : memref<!tpu.dma_semaphore, #tpu.memory_space<semaphore_mem>>)
      } else {
      }
      %add3A_55 = arith.constant 1 : i32
      %add3A_56 = arith.addi %add3A_34, %add3A_55 : i32
      %mul3A_57 = arith.constant 32 : i32
      %mul3A_58 = arith.muli %mul3A_57, %add3A_56 : i32
      %add3A_59 = arith.addi %add3A, %mul3A_58 : i32
      %lt3A_60 = arith.constant 2500 : i32
      %lt3A_61 = arith.cmpi slt, %add3A_59, %lt3A_60 : i32
      %convert_element_type3A_62 = arith.extui %lt3A_61 : i1 to i32
      %cond3A_63 = arith.constant 0 : i32
      %cond3A_64 = arith.cmpi ne, %convert_element_type3A_62, %cond3A_63 : i32
      scf.if %cond3A_64 {
        %mul3A_75 = arith.constant 128 : i32
        %mul3A_76 = arith.muli %add3A_59, %mul3A_75 : i32
        %dma_wait3A = arith.constant 0 : i32
        %dma_wait3A_77 = tpu.memref_slice %arg2[%mul3A_76, %dma_wait3A] : memref<320000x128xf32, #tpu.memory_space<hbm>> -> memref<128x128xf32, #tpu.memory_space<hbm>>
        %dma_wait3A_78 = arith.constant 0 : i32
        %dma_wait3A_79 = tpu.memref_slice %arg2[%mul3A_76, %dma_wait3A_78] : memref<320000x128xf32, #tpu.memory_space<hbm>> -> memref<128x128xf32, #tpu.memory_space<hbm>>
        tpu.wait_dma2 semaphore(%arg18 : memref<!tpu.dma_semaphore, #tpu.memory_space<semaphore_mem>>) src(%dma_wait3A_79 : memref<128x128xf32, #tpu.memory_space<hbm>>) dst(%arg12 : memref<128x128xf32, #tpu.memory_space<vmem>>)
        "tpu.region"() ({
          %run_scoped3A = tpu.sem_alloc : memref<!tpu.dma_semaphore, #tpu.memory_space<semaphore_mem>>
          %dma_start3A = arith.constant 0 : i32
          %dma_start3A_111 = arith.constant 0 : i32
          %dma_start3A_112 = tpu.memref_slice %arg16[%dma_start3A, %dma_start3A_111] : memref<10000x128xf32, #tpu.memory_space<vmem_shared>> -> memref<10000x128xf32, #tpu.memory_space<vmem_shared>>
          tpu.enqueue_indirect_dma source(%arg12 : memref<128x128xf32, #tpu.memory_space<vmem>>) target(%dma_start3A_112 : memref<10000x128xf32, #tpu.memory_space<vmem_shared>>) offsets(%arg10 : memref<128xi32, #tpu.memory_space<vmem>>) semaphore(%run_scoped3A : memref<!tpu.dma_semaphore, #tpu.memory_space<semaphore_mem>>) {add = true}
          %dma_wait3A_113 = arith.constant 0 : i32
          %dma_wait3A_114 = arith.constant 0 : i32
          %dma_wait3A_115 = tpu.memref_slice %arg16[%dma_wait3A_113, %dma_wait3A_114] : memref<10000x128xf32, #tpu.memory_space<vmem_shared>> -> memref<10000x128xf32, #tpu.memory_space<vmem_shared>>
          tpu.wait_indirect_dma semaphore(%run_scoped3A : memref<!tpu.dma_semaphore, #tpu.memory_space<semaphore_mem>>) src(%arg12 : memref<128x128xf32, #tpu.memory_space<vmem>>) dst(%dma_wait3A_115 : memref<10000x128xf32, #tpu.memory_space<vmem_shared>>)
          tpu.yield
        }) : () -> ()
        %get3A = arith.constant 0 : index
        %get3A_80 = tpu.vector_load %arg10[%get3A] {strides = array<i32>} : memref<128xi32, #tpu.memory_space<vmem>>, vector<16xi32>,
        %get3A_81 = arith.constant 0 : index
        %get3A_82 = tpu.vector_load %arg14[%get3A_81] {strides = array<i32>} : memref<128xf32, #tpu.memory_space<vmem>>, vector<16xf32>,
        tpu.vector_store_idx %arg15[%get3A_80], %get3A_82 {add = true} : memref<10000xf32, #tpu.memory_space<vmem>>[vector<16xi32>], vector<16xf32>,
        %get3A_83 = arith.constant 16 : index
        %get3A_84 = tpu.vector_load %arg10[%get3A_83] {strides = array<i32>} : memref<128xi32, #tpu.memory_space<vmem>>, vector<16xi32>,
        %get3A_85 = arith.constant 16 : index
        %get3A_86 = tpu.vector_load %arg14[%get3A_85] {strides = array<i32>} : memref<128xf32, #tpu.memory_space<vmem>>, vector<16xf32>,
        tpu.vector_store_idx %arg15[%get3A_84], %get3A_86 {add = true} : memref<10000xf32, #tpu.memory_space<vmem>>[vector<16xi32>], vector<16xf32>,
        %get3A_87 = arith.constant 32 : index
        %get3A_88 = tpu.vector_load %arg10[%get3A_87] {strides = array<i32>} : memref<128xi32, #tpu.memory_space<vmem>>, vector<16xi32>,
        %get3A_89 = arith.constant 32 : index
        %get3A_90 = tpu.vector_load %arg14[%get3A_89] {strides = array<i32>} : memref<128xf32, #tpu.memory_space<vmem>>, vector<16xf32>,
        tpu.vector_store_idx %arg15[%get3A_88], %get3A_90 {add = true} : memref<10000xf32, #tpu.memory_space<vmem>>[vector<16xi32>], vector<16xf32>,
        %get3A_91 = arith.constant 48 : index
        %get3A_92 = tpu.vector_load %arg10[%get3A_91] {strides = array<i32>} : memref<128xi32, #tpu.memory_space<vmem>>, vector<16xi32>,
        %get3A_93 = arith.constant 48 : index
        %get3A_94 = tpu.vector_load %arg14[%get3A_93] {strides = array<i32>} : memref<128xf32, #tpu.memory_space<vmem>>, vector<16xf32>,
        tpu.vector_store_idx %arg15[%get3A_92], %get3A_94 {add = true} : memref<10000xf32, #tpu.memory_space<vmem>>[vector<16xi32>], vector<16xf32>,
        %get3A_95 = arith.constant 64 : index
        %get3A_96 = tpu.vector_load %arg10[%get3A_95] {strides = array<i32>} : memref<128xi32, #tpu.memory_space<vmem>>, vector<16xi32>,
        %get3A_97 = arith.constant 64 : index
        %get3A_98 = tpu.vector_load %arg14[%get3A_97] {strides = array<i32>} : memref<128xf32, #tpu.memory_space<vmem>>, vector<16xf32>,
        tpu.vector_store_idx %arg15[%get3A_96], %get3A_98 {add = true} : memref<10000xf32, #tpu.memory_space<vmem>>[vector<16xi32>], vector<16xf32>,
        %get3A_99 = arith.constant 80 : index
        %get3A_100 = tpu.vector_load %arg10[%get3A_99] {strides = array<i32>} : memref<128xi32, #tpu.memory_space<vmem>>, vector<16xi32>,
        %get3A_101 = arith.constant 80 : index
        %get3A_102 = tpu.vector_load %arg14[%get3A_101] {strides = array<i32>} : memref<128xf32, #tpu.memory_space<vmem>>, vector<16xf32>,
        tpu.vector_store_idx %arg15[%get3A_100], %get3A_102 {add = true} : memref<10000xf32, #tpu.memory_space<vmem>>[vector<16xi32>], vector<16xf32>,
        %get3A_103 = arith.constant 96 : index
        %get3A_104 = tpu.vector_load %arg10[%get3A_103] {strides = array<i32>} : memref<128xi32, #tpu.memory_space<vmem>>, vector<16xi32>,
        %get3A_105 = arith.constant 96 : index
        %get3A_106 = tpu.vector_load %arg14[%get3A_105] {strides = array<i32>} : memref<128xf32, #tpu.memory_space<vmem>>, vector<16xf32>,
        tpu.vector_store_idx %arg15[%get3A_104], %get3A_106 {add = true} : memref<10000xf32, #tpu.memory_space<vmem>>[vector<16xi32>], vector<16xf32>,
        %get3A_107 = arith.constant 112 : index
        %get3A_108 = tpu.vector_load %arg10[%get3A_107] {strides = array<i32>} : memref<128xi32, #tpu.memory_space<vmem>>, vector<16xi32>,
        %get3A_109 = arith.constant 112 : index
        %get3A_110 = tpu.vector_load %arg14[%get3A_109] {strides = array<i32>} : memref<128xf32, #tpu.memory_space<vmem>>, vector<16xf32>,
        tpu.vector_store_idx %arg15[%get3A_108], %get3A_110 {add = true} : memref<10000xf32, #tpu.memory_space<vmem>>[vector<16xi32>], vector<16xf32>,
      } else {
      }
      %add3A_65 = arith.constant 2 : i32
      %add3A_66 = arith.addi %add3A_56, %add3A_65 : i32
      %mul3A_67 = arith.constant 32 : i32
      %mul3A_68 = arith.muli %mul3A_67, %add3A_66 : i32
      %add3A_69 = arith.addi %add3A, %mul3A_68 : i32
      %lt3A_70 = arith.constant 2500 : i32
      %lt3A_71 = arith.cmpi slt, %add3A_69, %lt3A_70 : i32
      %convert_element_type3A_72 = arith.extui %lt3A_71 : i1 to i32
      %cond3A_73 = arith.constant 0 : i32
      %cond3A_74 = arith.cmpi ne, %convert_element_type3A_72, %cond3A_73 : i32
      scf.if %cond3A_74 {
        %mul3A_75 = arith.constant 128 : i32
        %mul3A_76 = arith.muli %add3A_69, %mul3A_75 : i32
        "tpu.region"() ({
          %run_scoped3A = tpu.sem_alloc : memref<!tpu.dma_semaphore, #tpu.memory_space<semaphore_mem>>
          %dma_start3A_80 = tpu.memref_slice %arg4[%mul3A_76] : memref<320000xi32, #tpu.memory_space<hbm>> -> memref<128xi32, #tpu.memory_space<hbm>>
          %dma_start3A_81 = tpu.memref_slice %arg4[%mul3A_76] : memref<320000xi32, #tpu.memory_space<hbm>> -> memref<128xi32, #tpu.memory_space<hbm>>
          tpu.enqueue_dma source(%dma_start3A_81 : memref<128xi32, #tpu.memory_space<hbm>>) target(%arg10 : memref<128xi32, #tpu.memory_space<vmem>>) target_semaphore(%run_scoped3A : memref<!tpu.dma_semaphore, #tpu.memory_space<semaphore_mem>>)
          %dma_wait3A = tpu.memref_slice %arg4[%mul3A_76] : memref<320000xi32, #tpu.memory_space<hbm>> -> memref<128xi32, #tpu.memory_space<hbm>>
          %dma_wait3A_82 = tpu.memref_slice %arg4[%mul3A_76] : memref<320000xi32, #tpu.memory_space<hbm>> -> memref<128xi32, #tpu.memory_space<hbm>>
          tpu.wait_dma2 semaphore(%run_scoped3A : memref<!tpu.dma_semaphore, #tpu.memory_space<semaphore_mem>>) src(%dma_wait3A_82 : memref<128xi32, #tpu.memory_space<hbm>>) dst(%arg10 : memref<128xi32, #tpu.memory_space<vmem>>)
          tpu.yield
        }) : () -> ()
        "tpu.region"() ({
          %run_scoped3A = tpu.sem_alloc : memref<!tpu.dma_semaphore, #tpu.memory_space<semaphore_mem>>
          %dma_start3A_80 = tpu.memref_slice %arg3[%mul3A_76] : memref<320000xf32, #tpu.memory_space<hbm>> -> memref<128xf32, #tpu.memory_space<hbm>>
          %dma_start3A_81 = tpu.memref_slice %arg3[%mul3A_76] : memref<320000xf32, #tpu.memory_space<hbm>> -> memref<128xf32, #tpu.memory_space<hbm>>
          tpu.enqueue_dma source(%dma_start3A_81 : memref<128xf32, #tpu.memory_space<hbm>>) target(%arg14 : memref<128xf32, #tpu.memory_space<vmem>>) target_semaphore(%run_scoped3A : memref<!tpu.dma_semaphore, #tpu.memory_space<semaphore_mem>>)
          %dma_wait3A = tpu.memref_slice %arg3[%mul3A_76] : memref<320000xf32, #tpu.memory_space<hbm>> -> memref<128xf32, #tpu.memory_space<hbm>>
          %dma_wait3A_82 = tpu.memref_slice %arg3[%mul3A_76] : memref<320000xf32, #tpu.memory_space<hbm>> -> memref<128xf32, #tpu.memory_space<hbm>>
          tpu.wait_dma2 semaphore(%run_scoped3A : memref<!tpu.dma_semaphore, #tpu.memory_space<semaphore_mem>>) src(%dma_wait3A_82 : memref<128xf32, #tpu.memory_space<hbm>>) dst(%arg14 : memref<128xf32, #tpu.memory_space<vmem>>)
          tpu.yield
        }) : () -> ()
        %dma_start3A = arith.constant 0 : i32
        %dma_start3A_77 = tpu.memref_slice %arg2[%mul3A_76, %dma_start3A] : memref<320000x128xf32, #tpu.memory_space<hbm>> -> memref<128x128xf32, #tpu.memory_space<hbm>>
        %dma_start3A_78 = arith.constant 0 : i32
        %dma_start3A_79 = tpu.memref_slice %arg2[%mul3A_76, %dma_start3A_78] : memref<320000x128xf32, #tpu.memory_space<hbm>> -> memref<128x128xf32, #tpu.memory_space<hbm>>
        tpu.enqueue_dma source(%dma_start3A_79 : memref<128x128xf32, #tpu.memory_space<hbm>>) target(%arg12 : memref<128x128xf32, #tpu.memory_space<vmem>>) target_semaphore(%arg18 : memref<!tpu.dma_semaphore, #tpu.memory_space<semaphore_mem>>)
      } else {
      }
    }
    %scan3A_23 = arith.constant 40 : i32
    "tpu.region"() ({
      %run_scoped3A = tpu.sem_alloc : memref<!tpu.dma_semaphore, #tpu.memory_space<semaphore_mem>>
      %dma_start3A = arith.constant 0 : i32
      %dma_start3A_30 = tpu.memref_slice %arg8[%add3A, %dma_start3A] : memref<32x10000xf32, #tpu.memory_space<hbm>> -> memref<1x10000xf32, #tpu.memory_space<hbm>>
      %dma_start3A_31 = tpu.memref_squeeze %dma_start3A_30 : memref<1x10000xf32, #tpu.memory_space<hbm>> -> memref<10000xf32, #tpu.memory_space<hbm>>
      %dma_start3A_32 = arith.constant 0 : i32
      %dma_start3A_33 = tpu.memref_slice %arg8[%add3A, %dma_start3A_32] : memref<32x10000xf32, #tpu.memory_space<hbm>> -> memref<1x10000xf32, #tpu.memory_space<hbm>>
      %dma_start3A_34 = tpu.memref_squeeze %dma_start3A_33 : memref<1x10000xf32, #tpu.memory_space<hbm>> -> memref<10000xf32, #tpu.memory_space<hbm>>
      tpu.enqueue_dma source(%arg15 : memref<10000xf32, #tpu.memory_space<vmem>>) target(%dma_start3A_34 : memref<10000xf32, #tpu.memory_space<hbm>>) target_semaphore(%run_scoped3A : memref<!tpu.dma_semaphore, #tpu.memory_space<semaphore_mem>>)
      %dma_wait3A = arith.constant 0 : i32
      %dma_wait3A_35 = tpu.memref_slice %arg8[%add3A, %dma_wait3A] : memref<32x10000xf32, #tpu.memory_space<hbm>> -> memref<1x10000xf32, #tpu.memory_space<hbm>>
      %dma_wait3A_36 = tpu.memref_squeeze %dma_wait3A_35 : memref<1x10000xf32, #tpu.memory_space<hbm>> -> memref<10000xf32, #tpu.memory_space<hbm>>
      %dma_wait3A_37 = arith.constant 0 : i32
      %dma_wait3A_38 = tpu.memref_slice %arg8[%add3A, %dma_wait3A_37] : memref<32x10000xf32, #tpu.memory_space<hbm>> -> memref<1x10000xf32, #tpu.memory_space<hbm>>
      %dma_wait3A_39 = tpu.memref_squeeze %dma_wait3A_38 : memref<1x10000xf32, #tpu.memory_space<hbm>> -> memref<10000xf32, #tpu.memory_space<hbm>>
      tpu.wait_dma2 semaphore(%run_scoped3A : memref<!tpu.dma_semaphore, #tpu.memory_space<semaphore_mem>>) src(%arg15 : memref<10000xf32, #tpu.memory_space<vmem>>) dst(%dma_wait3A_39 : memref<10000xf32, #tpu.memory_space<hbm>>)
      tpu.yield
    }) : () -> ()
    %barrier3A_24 = arith.constant 0 : index
    tpu.barrier barrier_id(%barrier3A_24)
    %eq3A_25 = arith.constant 0 : i32
    %eq3A_26 = arith.cmpi eq, %arg1, %eq3A_25 : i32
    %convert_element_type3A_27 = arith.extui %eq3A_26 : i1 to i32
    %cond3A_28 = arith.constant 0 : i32
    %cond3A_29 = arith.cmpi ne, %convert_element_type3A_27, %cond3A_28 : i32
    scf.if %cond3A_29 {
      "tpu.region"() ({
        %run_scoped3A = tpu.sem_alloc : memref<!tpu.dma_semaphore, #tpu.memory_space<semaphore_mem>>
        %dma_start3A = arith.constant 0 : i32
        %dma_start3A_30 = arith.constant 0 : i32
        %dma_start3A_31 = tpu.memref_slice %arg7[%arg0, %dma_start3A, %dma_start3A_30] : memref<2x10000x128xf32, #tpu.memory_space<hbm>> -> memref<1x10000x128xf32, #tpu.memory_space<hbm>>
        %dma_start3A_32 = tpu.memref_squeeze %dma_start3A_31 : memref<1x10000x128xf32, #tpu.memory_space<hbm>> -> memref<10000x128xf32, #tpu.memory_space<hbm>>
        tpu.enqueue_dma source(%arg16 : memref<10000x128xf32, #tpu.memory_space<vmem_shared>>) target(%dma_start3A_32 : memref<10000x128xf32, #tpu.memory_space<hbm>>) target_semaphore(%run_scoped3A : memref<!tpu.dma_semaphore, #tpu.memory_space<semaphore_mem>>)
        %dma_wait3A = arith.constant 0 : i32
        %dma_wait3A_33 = arith.constant 0 : i32
        %dma_wait3A_34 = tpu.memref_slice %arg7[%arg0, %dma_wait3A, %dma_wait3A_33] : memref<2x10000x128xf32, #tpu.memory_space<hbm>> -> memref<1x10000x128xf32, #tpu.memory_space<hbm>>
        %dma_wait3A_35 = tpu.memref_squeeze %dma_wait3A_34 : memref<1x10000x128xf32, #tpu.memory_space<hbm>> -> memref<10000x128xf32, #tpu.memory_space<hbm>>
        tpu.wait_dma2 semaphore(%run_scoped3A : memref<!tpu.dma_semaphore, #tpu.memory_space<semaphore_mem>>) src(%arg16 : memref<10000x128xf32, #tpu.memory_space<vmem_shared>>) dst(%dma_wait3A_35 : memref<10000x128xf32, #tpu.memory_space<hbm>>)
        tpu.yield
      }) : () -> ()
    } else {
    }
    return
  }
}

#map = affine_map<(d0, d1) -> (0, 0)>
#map1 = affine_map<(d0, d1) -> (0)>
#map2 = affine_map<(d0, d1) -> (0, 0, 0)>
module attributes {stable_mosaic.version = 14 : i64} {
  func.func @_k1_body(%arg0: i32, %arg1: i32, %arg2: memref<10000x128xf32, #tpu.memory_space<hbm>>, %arg3: memref<320000xi32, #tpu.memory_space<hbm>>, %arg4: memref<320000xi32, #tpu.memory_space<hbm>>, %arg5: memref<10000x128xf32, #tpu.memory_space<hbm>>, %arg6: memref<10000xf32, #tpu.memory_space<hbm>>, %arg7: memref<320000x128xf32, #tpu.memory_space<hbm>>, %arg8: memref<2x10000x128xf32, #tpu.memory_space<hbm>>, %arg9: memref<32x10000xf32, #tpu.memory_space<hbm>>, %arg10: memref<128xi32, #tpu.memory_space<vmem>>, %arg11: memref<128xi32, #tpu.memory_space<vmem>>, %arg12: memref<128xi32, #tpu.memory_space<vmem>>, %arg13: memref<128xi32, #tpu.memory_space<vmem>>, %arg14: memref<128x128xf32, #tpu.memory_space<vmem>>, %arg15: memref<128x128xf32, #tpu.memory_space<vmem>>, %arg16: memref<10000xf32, #tpu.memory_space<vmem>>, %arg17: memref<10000x128xf32, #tpu.memory_space<vmem_shared>>, %arg18: memref<!tpu.dma_semaphore, #tpu.memory_space<semaphore_mem>>, %arg19: memref<!tpu.dma_semaphore, #tpu.memory_space<semaphore_mem>>) attributes {dimension_semantics = [#tpu.dimension_semantics<core_parallel>, #tpu.dimension_semantics<subcore_parallel>], iteration_bounds = array<i64: 2, 16>, scalar_prefetch = 0 : i64, scratch_operands = 10 : i64, tpu.core_type = #tpu.core_type<sc_vector_subcore>, window_params = [{transform_indices = #map}, {transform_indices = #map1}, {transform_indices = #map1}, {transform_indices = #map}, {transform_indices = #map1}, {transform_indices = #map}, {transform_indices = #map2}, {transform_indices = #map}]} {
    %mul3A = arith.constant 2 : i32
    %mul3A_0 = arith.muli %arg1, %mul3A : i32
    %add3A = arith.addi %mul3A_0, %arg0 : i32
    %eq3A = arith.constant 0 : i32
    %eq3A_1 = arith.cmpi eq, %arg1, %eq3A : i32
    %convert_element_type3A = arith.extui %eq3A_1 : i1 to i32
    %cond3A = arith.constant 0 : i32
    %cond3A_2 = arith.cmpi ne, %convert_element_type3A, %cond3A : i32
    scf.if %cond3A_2 {
      "tpu.region"() ({
        %run_scoped3A = tpu.sem_alloc : memref<!tpu.dma_semaphore, #tpu.memory_space<semaphore_mem>>
        tpu.enqueue_dma source(%arg5 : memref<10000x128xf32, #tpu.memory_space<hbm>>) target(%arg17 : memref<10000x128xf32, #tpu.memory_space<vmem_shared>>) target_semaphore(%run_scoped3A : memref<!tpu.dma_semaphore, #tpu.memory_space<semaphore_mem>>)
        tpu.wait_dma2 semaphore(%run_scoped3A : memref<!tpu.dma_semaphore, #tpu.memory_space<semaphore_mem>>) src(%arg5 : memref<10000x128xf32, #tpu.memory_space<hbm>>) dst(%arg17 : memref<10000x128xf32, #tpu.memory_space<vmem_shared>>)
        tpu.yield
      }) : () -> ()
    } else {
    }
    "tpu.region"() ({
      %run_scoped3A = tpu.sem_alloc : memref<!tpu.dma_semaphore, #tpu.memory_space<semaphore_mem>>
      tpu.enqueue_dma source(%arg6 : memref<10000xf32, #tpu.memory_space<hbm>>) target(%arg16 : memref<10000xf32, #tpu.memory_space<vmem>>) target_semaphore(%run_scoped3A : memref<!tpu.dma_semaphore, #tpu.memory_space<semaphore_mem>>)
      tpu.wait_dma2 semaphore(%run_scoped3A : memref<!tpu.dma_semaphore, #tpu.memory_space<semaphore_mem>>) src(%arg6 : memref<10000xf32, #tpu.memory_space<hbm>>) dst(%arg16 : memref<10000xf32, #tpu.memory_space<vmem>>)
      tpu.yield
    }) : () -> ()
    %barrier3A = arith.constant 0 : index
    tpu.barrier barrier_id(%barrier3A)
    %broadcast_in_dim3A = arith.constant 1.000000e+00 : f32
    %broadcast_in_dim3A_3 = vector.broadcast %broadcast_in_dim3A : f32 to vector<16xf32>
    %mul3A_4 = arith.constant 32 : i32
    %mul3A_5 = arith.constant 0 : i32
    %mul3A_6 = arith.muli %mul3A_4, %mul3A_5 : i32
    %add3A_7 = arith.addi %add3A, %mul3A_6 : i32
    %lt3A = arith.constant 2500 : i32
    %lt3A_8 = arith.cmpi slt, %add3A_7, %lt3A : i32
    %convert_element_type3A_9 = arith.extui %lt3A_8 : i1 to i32
    %cond3A_10 = arith.constant 0 : i32
    %cond3A_11 = arith.cmpi ne, %convert_element_type3A_9, %cond3A_10 : i32
    scf.if %cond3A_11 {
      %mul3A_31 = arith.constant 128 : i32
      %mul3A_32 = arith.muli %add3A_7, %mul3A_31 : i32
      "tpu.region"() ({
        %run_scoped3A = tpu.sem_alloc : memref<!tpu.dma_semaphore, #tpu.memory_space<semaphore_mem>>
        %dma_start3A_35 = tpu.memref_slice %arg3[%mul3A_32] : memref<320000xi32, #tpu.memory_space<hbm>> -> memref<128xi32, #tpu.memory_space<hbm>>
        %dma_start3A_36 = tpu.memref_slice %arg3[%mul3A_32] : memref<320000xi32, #tpu.memory_space<hbm>> -> memref<128xi32, #tpu.memory_space<hbm>>
        tpu.enqueue_dma source(%dma_start3A_36 : memref<128xi32, #tpu.memory_space<hbm>>) target(%arg10 : memref<128xi32, #tpu.memory_space<vmem>>) target_semaphore(%run_scoped3A : memref<!tpu.dma_semaphore, #tpu.memory_space<semaphore_mem>>)
        %dma_wait3A = tpu.memref_slice %arg3[%mul3A_32] : memref<320000xi32, #tpu.memory_space<hbm>> -> memref<128xi32, #tpu.memory_space<hbm>>
        %dma_wait3A_37 = tpu.memref_slice %arg3[%mul3A_32] : memref<320000xi32, #tpu.memory_space<hbm>> -> memref<128xi32, #tpu.memory_space<hbm>>
        tpu.wait_dma2 semaphore(%run_scoped3A : memref<!tpu.dma_semaphore, #tpu.memory_space<semaphore_mem>>) src(%dma_wait3A_37 : memref<128xi32, #tpu.memory_space<hbm>>) dst(%arg10 : memref<128xi32, #tpu.memory_space<vmem>>)
        tpu.yield
      }) : () -> ()
      "tpu.region"() ({
        %run_scoped3A = tpu.sem_alloc : memref<!tpu.dma_semaphore, #tpu.memory_space<semaphore_mem>>
        %dma_start3A_35 = tpu.memref_slice %arg4[%mul3A_32] : memref<320000xi32, #tpu.memory_space<hbm>> -> memref<128xi32, #tpu.memory_space<hbm>>
        %dma_start3A_36 = tpu.memref_slice %arg4[%mul3A_32] : memref<320000xi32, #tpu.memory_space<hbm>> -> memref<128xi32, #tpu.memory_space<hbm>>
        tpu.enqueue_dma source(%dma_start3A_36 : memref<128xi32, #tpu.memory_space<hbm>>) target(%arg12 : memref<128xi32, #tpu.memory_space<vmem>>) target_semaphore(%run_scoped3A : memref<!tpu.dma_semaphore, #tpu.memory_space<semaphore_mem>>)
        %dma_wait3A = tpu.memref_slice %arg4[%mul3A_32] : memref<320000xi32, #tpu.memory_space<hbm>> -> memref<128xi32, #tpu.memory_space<hbm>>
        %dma_wait3A_37 = tpu.memref_slice %arg4[%mul3A_32] : memref<320000xi32, #tpu.memory_space<hbm>> -> memref<128xi32, #tpu.memory_space<hbm>>
        tpu.wait_dma2 semaphore(%run_scoped3A : memref<!tpu.dma_semaphore, #tpu.memory_space<semaphore_mem>>) src(%dma_wait3A_37 : memref<128xi32, #tpu.memory_space<hbm>>) dst(%arg12 : memref<128xi32, #tpu.memory_space<vmem>>)
        tpu.yield
      }) : () -> ()
      %dma_start3A = arith.constant 0 : i32
      %dma_start3A_33 = arith.constant 0 : i32
      %dma_start3A_34 = tpu.memref_slice %arg2[%dma_start3A, %dma_start3A_33] : memref<10000x128xf32, #tpu.memory_space<hbm>> -> memref<10000x128xf32, #tpu.memory_space<hbm>>
      tpu.enqueue_indirect_dma source(%dma_start3A_34 : memref<10000x128xf32, #tpu.memory_space<hbm>>) target(%arg14 : memref<128x128xf32, #tpu.memory_space<vmem>>) offsets(%arg12 : memref<128xi32, #tpu.memory_space<vmem>>) semaphore(%arg18 : memref<!tpu.dma_semaphore, #tpu.memory_space<semaphore_mem>>)
    } else {
    }
    %mul3A_12 = arith.constant 32 : i32
    %mul3A_13 = arith.constant 1 : i32
    %mul3A_14 = arith.muli %mul3A_12, %mul3A_13 : i32
    %add3A_15 = arith.addi %add3A, %mul3A_14 : i32
    %lt3A_16 = arith.constant 2500 : i32
    %lt3A_17 = arith.cmpi slt, %add3A_15, %lt3A_16 : i32
    %convert_element_type3A_18 = arith.extui %lt3A_17 : i1 to i32
    %cond3A_19 = arith.constant 0 : i32
    %cond3A_20 = arith.cmpi ne, %convert_element_type3A_18, %cond3A_19 : i32
    scf.if %cond3A_20 {
      %mul3A_31 = arith.constant 128 : i32
      %mul3A_32 = arith.muli %add3A_15, %mul3A_31 : i32
      "tpu.region"() ({
        %run_scoped3A = tpu.sem_alloc : memref<!tpu.dma_semaphore, #tpu.memory_space<semaphore_mem>>
        %dma_start3A_35 = tpu.memref_slice %arg3[%mul3A_32] : memref<320000xi32, #tpu.memory_space<hbm>> -> memref<128xi32, #tpu.memory_space<hbm>>
        %dma_start3A_36 = tpu.memref_slice %arg3[%mul3A_32] : memref<320000xi32, #tpu.memory_space<hbm>> -> memref<128xi32, #tpu.memory_space<hbm>>
        tpu.enqueue_dma source(%dma_start3A_36 : memref<128xi32, #tpu.memory_space<hbm>>) target(%arg11 : memref<128xi32, #tpu.memory_space<vmem>>) target_semaphore(%run_scoped3A : memref<!tpu.dma_semaphore, #tpu.memory_space<semaphore_mem>>)
        %dma_wait3A = tpu.memref_slice %arg3[%mul3A_32] : memref<320000xi32, #tpu.memory_space<hbm>> -> memref<128xi32, #tpu.memory_space<hbm>>
        %dma_wait3A_37 = tpu.memref_slice %arg3[%mul3A_32] : memref<320000xi32, #tpu.memory_space<hbm>> -> memref<128xi32, #tpu.memory_space<hbm>>
        tpu.wait_dma2 semaphore(%run_scoped3A : memref<!tpu.dma_semaphore, #tpu.memory_space<semaphore_mem>>) src(%dma_wait3A_37 : memref<128xi32, #tpu.memory_space<hbm>>) dst(%arg11 : memref<128xi32, #tpu.memory_space<vmem>>)
        tpu.yield
      }) : () -> ()
      "tpu.region"() ({
        %run_scoped3A = tpu.sem_alloc : memref<!tpu.dma_semaphore, #tpu.memory_space<semaphore_mem>>
        %dma_start3A_35 = tpu.memref_slice %arg4[%mul3A_32] : memref<320000xi32, #tpu.memory_space<hbm>> -> memref<128xi32, #tpu.memory_space<hbm>>
        %dma_start3A_36 = tpu.memref_slice %arg4[%mul3A_32] : memref<320000xi32, #tpu.memory_space<hbm>> -> memref<128xi32, #tpu.memory_space<hbm>>
        tpu.enqueue_dma source(%dma_start3A_36 : memref<128xi32, #tpu.memory_space<hbm>>) target(%arg13 : memref<128xi32, #tpu.memory_space<vmem>>) target_semaphore(%run_scoped3A : memref<!tpu.dma_semaphore, #tpu.memory_space<semaphore_mem>>)
        %dma_wait3A = tpu.memref_slice %arg4[%mul3A_32] : memref<320000xi32, #tpu.memory_space<hbm>> -> memref<128xi32, #tpu.memory_space<hbm>>
        %dma_wait3A_37 = tpu.memref_slice %arg4[%mul3A_32] : memref<320000xi32, #tpu.memory_space<hbm>> -> memref<128xi32, #tpu.memory_space<hbm>>
        tpu.wait_dma2 semaphore(%run_scoped3A : memref<!tpu.dma_semaphore, #tpu.memory_space<semaphore_mem>>) src(%dma_wait3A_37 : memref<128xi32, #tpu.memory_space<hbm>>) dst(%arg13 : memref<128xi32, #tpu.memory_space<vmem>>)
        tpu.yield
      }) : () -> ()
      %dma_start3A = arith.constant 0 : i32
      %dma_start3A_33 = arith.constant 0 : i32
      %dma_start3A_34 = tpu.memref_slice %arg2[%dma_start3A, %dma_start3A_33] : memref<10000x128xf32, #tpu.memory_space<hbm>> -> memref<10000x128xf32, #tpu.memory_space<hbm>>
      tpu.enqueue_indirect_dma source(%dma_start3A_34 : memref<10000x128xf32, #tpu.memory_space<hbm>>) target(%arg15 : memref<128x128xf32, #tpu.memory_space<vmem>>) offsets(%arg13 : memref<128xi32, #tpu.memory_space<vmem>>) semaphore(%arg19 : memref<!tpu.dma_semaphore, #tpu.memory_space<semaphore_mem>>)
    } else {
    }
    %scan3A = arith.constant 0 : i32
    %scan3A_21 = arith.constant 40 : i32
    %scan3A_22 = arith.addi %scan3A, %scan3A_21 : i32
    %scan3A_23 = arith.constant 1 : i32
    scf.for %scan3A_31 = %scan3A to %scan3A_22 step %scan3A_23  : i32 {
      %mul3A_32 = arith.constant 2 : i32
      %mul3A_33 = arith.muli %scan3A_31, %mul3A_32 : i32
      %add3A_34 = arith.constant 0 : i32
      %add3A_35 = arith.addi %add3A_34, %mul3A_33 : i32
      %add3A_36 = arith.constant 0 : i32
      %add3A_37 = arith.addi %add3A_35, %add3A_36 : i32
      %mul3A_38 = arith.constant 32 : i32
      %mul3A_39 = arith.muli %mul3A_38, %add3A_37 : i32
      %add3A_40 = arith.addi %add3A, %mul3A_39 : i32
      %lt3A_41 = arith.constant 2500 : i32
      %lt3A_42 = arith.cmpi slt, %add3A_40, %lt3A_41 : i32
      %convert_element_type3A_43 = arith.extui %lt3A_42 : i1 to i32
      %cond3A_44 = arith.constant 0 : i32
      %cond3A_45 = arith.cmpi ne, %convert_element_type3A_43, %cond3A_44 : i32
      scf.if %cond3A_45 {
        %mul3A_76 = arith.constant 128 : i32
        %mul3A_77 = arith.muli %add3A_40, %mul3A_76 : i32
        %dma_wait3A = arith.constant 0 : i32
        %dma_wait3A_78 = arith.constant 0 : i32
        %dma_wait3A_79 = tpu.memref_slice %arg2[%dma_wait3A, %dma_wait3A_78] : memref<10000x128xf32, #tpu.memory_space<hbm>> -> memref<10000x128xf32, #tpu.memory_space<hbm>>
        tpu.wait_indirect_dma semaphore(%arg18 : memref<!tpu.dma_semaphore, #tpu.memory_space<semaphore_mem>>) src(%dma_wait3A_79 : memref<10000x128xf32, #tpu.memory_space<hbm>>) dst(%arg14 : memref<128x128xf32, #tpu.memory_space<vmem>>)
        "tpu.region"() ({
          %run_scoped3A = tpu.sem_alloc : memref<!tpu.dma_semaphore, #tpu.memory_space<semaphore_mem>>
          %dma_start3A = arith.constant 0 : i32
          %dma_start3A_95 = tpu.memref_slice %arg7[%mul3A_77, %dma_start3A] : memref<320000x128xf32, #tpu.memory_space<hbm>> -> memref<128x128xf32, #tpu.memory_space<hbm>>
          %dma_start3A_96 = arith.constant 0 : i32
          %dma_start3A_97 = tpu.memref_slice %arg7[%mul3A_77, %dma_start3A_96] : memref<320000x128xf32, #tpu.memory_space<hbm>> -> memref<128x128xf32, #tpu.memory_space<hbm>>
          tpu.enqueue_dma source(%arg14 : memref<128x128xf32, #tpu.memory_space<vmem>>) target(%dma_start3A_97 : memref<128x128xf32, #tpu.memory_space<hbm>>) target_semaphore(%run_scoped3A : memref<!tpu.dma_semaphore, #tpu.memory_space<semaphore_mem>>)
          %dma_wait3A_98 = arith.constant 0 : i32
          %dma_wait3A_99 = tpu.memref_slice %arg7[%mul3A_77, %dma_wait3A_98] : memref<320000x128xf32, #tpu.memory_space<hbm>> -> memref<128x128xf32, #tpu.memory_space<hbm>>
          %dma_wait3A_100 = arith.constant 0 : i32
          %dma_wait3A_101 = tpu.memref_slice %arg7[%mul3A_77, %dma_wait3A_100] : memref<320000x128xf32, #tpu.memory_space<hbm>> -> memref<128x128xf32, #tpu.memory_space<hbm>>
          tpu.wait_dma2 semaphore(%run_scoped3A : memref<!tpu.dma_semaphore, #tpu.memory_space<semaphore_mem>>) src(%arg14 : memref<128x128xf32, #tpu.memory_space<vmem>>) dst(%dma_wait3A_101 : memref<128x128xf32, #tpu.memory_space<hbm>>)
          tpu.yield
        }) : () -> ()
        "tpu.region"() ({
          %run_scoped3A = tpu.sem_alloc : memref<!tpu.dma_semaphore, #tpu.memory_space<semaphore_mem>>
          %dma_start3A = arith.constant 0 : i32
          %dma_start3A_95 = arith.constant 0 : i32
          %dma_start3A_96 = tpu.memref_slice %arg17[%dma_start3A, %dma_start3A_95] : memref<10000x128xf32, #tpu.memory_space<vmem_shared>> -> memref<10000x128xf32, #tpu.memory_space<vmem_shared>>
          tpu.enqueue_indirect_dma source(%arg14 : memref<128x128xf32, #tpu.memory_space<vmem>>) target(%dma_start3A_96 : memref<10000x128xf32, #tpu.memory_space<vmem_shared>>) offsets(%arg10 : memref<128xi32, #tpu.memory_space<vmem>>) semaphore(%run_scoped3A : memref<!tpu.dma_semaphore, #tpu.memory_space<semaphore_mem>>) {add = true}
          %dma_wait3A_97 = arith.constant 0 : i32
          %dma_wait3A_98 = arith.constant 0 : i32
          %dma_wait3A_99 = tpu.memref_slice %arg17[%dma_wait3A_97, %dma_wait3A_98] : memref<10000x128xf32, #tpu.memory_space<vmem_shared>> -> memref<10000x128xf32, #tpu.memory_space<vmem_shared>>
          tpu.wait_indirect_dma semaphore(%run_scoped3A : memref<!tpu.dma_semaphore, #tpu.memory_space<semaphore_mem>>) src(%arg14 : memref<128x128xf32, #tpu.memory_space<vmem>>) dst(%dma_wait3A_99 : memref<10000x128xf32, #tpu.memory_space<vmem_shared>>)
          tpu.yield
        }) : () -> ()
        %get3A = arith.constant 0 : index
        %get3A_80 = tpu.vector_load %arg10[%get3A] {strides = array<i32>} : memref<128xi32, #tpu.memory_space<vmem>>, vector<16xi32>,
        tpu.vector_store_idx %arg16[%get3A_80], %broadcast_in_dim3A_3 {add = true} : memref<10000xf32, #tpu.memory_space<vmem>>[vector<16xi32>], vector<16xf32>,
        %get3A_81 = arith.constant 16 : index
        %get3A_82 = tpu.vector_load %arg10[%get3A_81] {strides = array<i32>} : memref<128xi32, #tpu.memory_space<vmem>>, vector<16xi32>,
        tpu.vector_store_idx %arg16[%get3A_82], %broadcast_in_dim3A_3 {add = true} : memref<10000xf32, #tpu.memory_space<vmem>>[vector<16xi32>], vector<16xf32>,
        %get3A_83 = arith.constant 32 : index
        %get3A_84 = tpu.vector_load %arg10[%get3A_83] {strides = array<i32>} : memref<128xi32, #tpu.memory_space<vmem>>, vector<16xi32>,
        tpu.vector_store_idx %arg16[%get3A_84], %broadcast_in_dim3A_3 {add = true} : memref<10000xf32, #tpu.memory_space<vmem>>[vector<16xi32>], vector<16xf32>,
        %get3A_85 = arith.constant 48 : index
        %get3A_86 = tpu.vector_load %arg10[%get3A_85] {strides = array<i32>} : memref<128xi32, #tpu.memory_space<vmem>>, vector<16xi32>,
        tpu.vector_store_idx %arg16[%get3A_86], %broadcast_in_dim3A_3 {add = true} : memref<10000xf32, #tpu.memory_space<vmem>>[vector<16xi32>], vector<16xf32>,
        %get3A_87 = arith.constant 64 : index
        %get3A_88 = tpu.vector_load %arg10[%get3A_87] {strides = array<i32>} : memref<128xi32, #tpu.memory_space<vmem>>, vector<16xi32>,
        tpu.vector_store_idx %arg16[%get3A_88], %broadcast_in_dim3A_3 {add = true} : memref<10000xf32, #tpu.memory_space<vmem>>[vector<16xi32>], vector<16xf32>,
        %get3A_89 = arith.constant 80 : index
        %get3A_90 = tpu.vector_load %arg10[%get3A_89] {strides = array<i32>} : memref<128xi32, #tpu.memory_space<vmem>>, vector<16xi32>,
        tpu.vector_store_idx %arg16[%get3A_90], %broadcast_in_dim3A_3 {add = true} : memref<10000xf32, #tpu.memory_space<vmem>>[vector<16xi32>], vector<16xf32>,
        %get3A_91 = arith.constant 96 : index
        %get3A_92 = tpu.vector_load %arg10[%get3A_91] {strides = array<i32>} : memref<128xi32, #tpu.memory_space<vmem>>, vector<16xi32>,
        tpu.vector_store_idx %arg16[%get3A_92], %broadcast_in_dim3A_3 {add = true} : memref<10000xf32, #tpu.memory_space<vmem>>[vector<16xi32>], vector<16xf32>,
        %get3A_93 = arith.constant 112 : index
        %get3A_94 = tpu.vector_load %arg10[%get3A_93] {strides = array<i32>} : memref<128xi32, #tpu.memory_space<vmem>>, vector<16xi32>,
        tpu.vector_store_idx %arg16[%get3A_94], %broadcast_in_dim3A_3 {add = true} : memref<10000xf32, #tpu.memory_space<vmem>>[vector<16xi32>], vector<16xf32>,
      } else {
      }
      %add3A_46 = arith.constant 2 : i32
      %add3A_47 = arith.addi %add3A_37, %add3A_46 : i32
      %mul3A_48 = arith.constant 32 : i32
      %mul3A_49 = arith.muli %mul3A_48, %add3A_47 : i32
      %add3A_50 = arith.addi %add3A, %mul3A_49 : i32
      %lt3A_51 = arith.constant 2500 : i32
      %lt3A_52 = arith.cmpi slt, %add3A_50, %lt3A_51 : i32
      %convert_element_type3A_53 = arith.extui %lt3A_52 : i1 to i32
      %cond3A_54 = arith.constant 0 : i32
      %cond3A_55 = arith.cmpi ne, %convert_element_type3A_53, %cond3A_54 : i32
      scf.if %cond3A_55 {
        %mul3A_76 = arith.constant 128 : i32
        %mul3A_77 = arith.muli %add3A_50, %mul3A_76 : i32
        "tpu.region"() ({
          %run_scoped3A = tpu.sem_alloc : memref<!tpu.dma_semaphore, #tpu.memory_space<semaphore_mem>>
          %dma_start3A_80 = tpu.memref_slice %arg3[%mul3A_77] : memref<320000xi32, #tpu.memory_space<hbm>> -> memref<128xi32, #tpu.memory_space<hbm>>
          %dma_start3A_81 = tpu.memref_slice %arg3[%mul3A_77] : memref<320000xi32, #tpu.memory_space<hbm>> -> memref<128xi32, #tpu.memory_space<hbm>>
          tpu.enqueue_dma source(%dma_start3A_81 : memref<128xi32, #tpu.memory_space<hbm>>) target(%arg10 : memref<128xi32, #tpu.memory_space<vmem>>) target_semaphore(%run_scoped3A : memref<!tpu.dma_semaphore, #tpu.memory_space<semaphore_mem>>)
          %dma_wait3A = tpu.memref_slice %arg3[%mul3A_77] : memref<320000xi32, #tpu.memory_space<hbm>> -> memref<128xi32, #tpu.memory_space<hbm>>
          %dma_wait3A_82 = tpu.memref_slice %arg3[%mul3A_77] : memref<320000xi32, #tpu.memory_space<hbm>> -> memref<128xi32, #tpu.memory_space<hbm>>
          tpu.wait_dma2 semaphore(%run_scoped3A : memref<!tpu.dma_semaphore, #tpu.memory_space<semaphore_mem>>) src(%dma_wait3A_82 : memref<128xi32, #tpu.memory_space<hbm>>) dst(%arg10 : memref<128xi32, #tpu.memory_space<vmem>>)
          tpu.yield
        }) : () -> ()
        "tpu.region"() ({
          %run_scoped3A = tpu.sem_alloc : memref<!tpu.dma_semaphore, #tpu.memory_space<semaphore_mem>>
          %dma_start3A_80 = tpu.memref_slice %arg4[%mul3A_77] : memref<320000xi32, #tpu.memory_space<hbm>> -> memref<128xi32, #tpu.memory_space<hbm>>
          %dma_start3A_81 = tpu.memref_slice %arg4[%mul3A_77] : memref<320000xi32, #tpu.memory_space<hbm>> -> memref<128xi32, #tpu.memory_space<hbm>>
          tpu.enqueue_dma source(%dma_start3A_81 : memref<128xi32, #tpu.memory_space<hbm>>) target(%arg12 : memref<128xi32, #tpu.memory_space<vmem>>) target_semaphore(%run_scoped3A : memref<!tpu.dma_semaphore, #tpu.memory_space<semaphore_mem>>)
          %dma_wait3A = tpu.memref_slice %arg4[%mul3A_77] : memref<320000xi32, #tpu.memory_space<hbm>> -> memref<128xi32, #tpu.memory_space<hbm>>
          %dma_wait3A_82 = tpu.memref_slice %arg4[%mul3A_77] : memref<320000xi32, #tpu.memory_space<hbm>> -> memref<128xi32, #tpu.memory_space<hbm>>
          tpu.wait_dma2 semaphore(%run_scoped3A : memref<!tpu.dma_semaphore, #tpu.memory_space<semaphore_mem>>) src(%dma_wait3A_82 : memref<128xi32, #tpu.memory_space<hbm>>) dst(%arg12 : memref<128xi32, #tpu.memory_space<vmem>>)
          tpu.yield
        }) : () -> ()
        %dma_start3A = arith.constant 0 : i32
        %dma_start3A_78 = arith.constant 0 : i32
        %dma_start3A_79 = tpu.memref_slice %arg2[%dma_start3A, %dma_start3A_78] : memref<10000x128xf32, #tpu.memory_space<hbm>> -> memref<10000x128xf32, #tpu.memory_space<hbm>>
        tpu.enqueue_indirect_dma source(%dma_start3A_79 : memref<10000x128xf32, #tpu.memory_space<hbm>>) target(%arg14 : memref<128x128xf32, #tpu.memory_space<vmem>>) offsets(%arg12 : memref<128xi32, #tpu.memory_space<vmem>>) semaphore(%arg18 : memref<!tpu.dma_semaphore, #tpu.memory_space<semaphore_mem>>)
      } else {
      }
      %add3A_56 = arith.constant 1 : i32
      %add3A_57 = arith.addi %add3A_35, %add3A_56 : i32
      %mul3A_58 = arith.constant 32 : i32
      %mul3A_59 = arith.muli %mul3A_58, %add3A_57 : i32
      %add3A_60 = arith.addi %add3A, %mul3A_59 : i32
      %lt3A_61 = arith.constant 2500 : i32
      %lt3A_62 = arith.cmpi slt, %add3A_60, %lt3A_61 : i32
      %convert_element_type3A_63 = arith.extui %lt3A_62 : i1 to i32
      %cond3A_64 = arith.constant 0 : i32
      %cond3A_65 = arith.cmpi ne, %convert_element_type3A_63, %cond3A_64 : i32
      scf.if %cond3A_65 {
        %mul3A_76 = arith.constant 128 : i32
        %mul3A_77 = arith.muli %add3A_60, %mul3A_76 : i32
        %dma_wait3A = arith.constant 0 : i32
        %dma_wait3A_78 = arith.constant 0 : i32
        %dma_wait3A_79 = tpu.memref_slice %arg2[%dma_wait3A, %dma_wait3A_78] : memref<10000x128xf32, #tpu.memory_space<hbm>> -> memref<10000x128xf32, #tpu.memory_space<hbm>>
        tpu.wait_indirect_dma semaphore(%arg19 : memref<!tpu.dma_semaphore, #tpu.memory_space<semaphore_mem>>) src(%dma_wait3A_79 : memref<10000x128xf32, #tpu.memory_space<hbm>>) dst(%arg15 : memref<128x128xf32, #tpu.memory_space<vmem>>)
        "tpu.region"() ({
          %run_scoped3A = tpu.sem_alloc : memref<!tpu.dma_semaphore, #tpu.memory_space<semaphore_mem>>
          %dma_start3A = arith.constant 0 : i32
          %dma_start3A_95 = tpu.memref_slice %arg7[%mul3A_77, %dma_start3A] : memref<320000x128xf32, #tpu.memory_space<hbm>> -> memref<128x128xf32, #tpu.memory_space<hbm>>
          %dma_start3A_96 = arith.constant 0 : i32
          %dma_start3A_97 = tpu.memref_slice %arg7[%mul3A_77, %dma_start3A_96] : memref<320000x128xf32, #tpu.memory_space<hbm>> -> memref<128x128xf32, #tpu.memory_space<hbm>>
          tpu.enqueue_dma source(%arg15 : memref<128x128xf32, #tpu.memory_space<vmem>>) target(%dma_start3A_97 : memref<128x128xf32, #tpu.memory_space<hbm>>) target_semaphore(%run_scoped3A : memref<!tpu.dma_semaphore, #tpu.memory_space<semaphore_mem>>)
          %dma_wait3A_98 = arith.constant 0 : i32
          %dma_wait3A_99 = tpu.memref_slice %arg7[%mul3A_77, %dma_wait3A_98] : memref<320000x128xf32, #tpu.memory_space<hbm>> -> memref<128x128xf32, #tpu.memory_space<hbm>>
          %dma_wait3A_100 = arith.constant 0 : i32
          %dma_wait3A_101 = tpu.memref_slice %arg7[%mul3A_77, %dma_wait3A_100] : memref<320000x128xf32, #tpu.memory_space<hbm>> -> memref<128x128xf32, #tpu.memory_space<hbm>>
          tpu.wait_dma2 semaphore(%run_scoped3A : memref<!tpu.dma_semaphore, #tpu.memory_space<semaphore_mem>>) src(%arg15 : memref<128x128xf32, #tpu.memory_space<vmem>>) dst(%dma_wait3A_101 : memref<128x128xf32, #tpu.memory_space<hbm>>)
          tpu.yield
        }) : () -> ()
        "tpu.region"() ({
          %run_scoped3A = tpu.sem_alloc : memref<!tpu.dma_semaphore, #tpu.memory_space<semaphore_mem>>
          %dma_start3A = arith.constant 0 : i32
          %dma_start3A_95 = arith.constant 0 : i32
          %dma_start3A_96 = tpu.memref_slice %arg17[%dma_start3A, %dma_start3A_95] : memref<10000x128xf32, #tpu.memory_space<vmem_shared>> -> memref<10000x128xf32, #tpu.memory_space<vmem_shared>>
          tpu.enqueue_indirect_dma source(%arg15 : memref<128x128xf32, #tpu.memory_space<vmem>>) target(%dma_start3A_96 : memref<10000x128xf32, #tpu.memory_space<vmem_shared>>) offsets(%arg11 : memref<128xi32, #tpu.memory_space<vmem>>) semaphore(%run_scoped3A : memref<!tpu.dma_semaphore, #tpu.memory_space<semaphore_mem>>) {add = true}
          %dma_wait3A_97 = arith.constant 0 : i32
          %dma_wait3A_98 = arith.constant 0 : i32
          %dma_wait3A_99 = tpu.memref_slice %arg17[%dma_wait3A_97, %dma_wait3A_98] : memref<10000x128xf32, #tpu.memory_space<vmem_shared>> -> memref<10000x128xf32, #tpu.memory_space<vmem_shared>>
          tpu.wait_indirect_dma semaphore(%run_scoped3A : memref<!tpu.dma_semaphore, #tpu.memory_space<semaphore_mem>>) src(%arg15 : memref<128x128xf32, #tpu.memory_space<vmem>>) dst(%dma_wait3A_99 : memref<10000x128xf32, #tpu.memory_space<vmem_shared>>)
          tpu.yield
        }) : () -> ()
        %get3A = arith.constant 0 : index
        %get3A_80 = tpu.vector_load %arg11[%get3A] {strides = array<i32>} : memref<128xi32, #tpu.memory_space<vmem>>, vector<16xi32>,
        tpu.vector_store_idx %arg16[%get3A_80], %broadcast_in_dim3A_3 {add = true} : memref<10000xf32, #tpu.memory_space<vmem>>[vector<16xi32>], vector<16xf32>,
        %get3A_81 = arith.constant 16 : index
        %get3A_82 = tpu.vector_load %arg11[%get3A_81] {strides = array<i32>} : memref<128xi32, #tpu.memory_space<vmem>>, vector<16xi32>,
        tpu.vector_store_idx %arg16[%get3A_82], %broadcast_in_dim3A_3 {add = true} : memref<10000xf32, #tpu.memory_space<vmem>>[vector<16xi32>], vector<16xf32>,
        %get3A_83 = arith.constant 32 : index
        %get3A_84 = tpu.vector_load %arg11[%get3A_83] {strides = array<i32>} : memref<128xi32, #tpu.memory_space<vmem>>, vector<16xi32>,
        tpu.vector_store_idx %arg16[%get3A_84], %broadcast_in_dim3A_3 {add = true} : memref<10000xf32, #tpu.memory_space<vmem>>[vector<16xi32>], vector<16xf32>,
        %get3A_85 = arith.constant 48 : index
        %get3A_86 = tpu.vector_load %arg11[%get3A_85] {strides = array<i32>} : memref<128xi32, #tpu.memory_space<vmem>>, vector<16xi32>,
        tpu.vector_store_idx %arg16[%get3A_86], %broadcast_in_dim3A_3 {add = true} : memref<10000xf32, #tpu.memory_space<vmem>>[vector<16xi32>], vector<16xf32>,
        %get3A_87 = arith.constant 64 : index
        %get3A_88 = tpu.vector_load %arg11[%get3A_87] {strides = array<i32>} : memref<128xi32, #tpu.memory_space<vmem>>, vector<16xi32>,
        tpu.vector_store_idx %arg16[%get3A_88], %broadcast_in_dim3A_3 {add = true} : memref<10000xf32, #tpu.memory_space<vmem>>[vector<16xi32>], vector<16xf32>,
        %get3A_89 = arith.constant 80 : index
        %get3A_90 = tpu.vector_load %arg11[%get3A_89] {strides = array<i32>} : memref<128xi32, #tpu.memory_space<vmem>>, vector<16xi32>,
        tpu.vector_store_idx %arg16[%get3A_90], %broadcast_in_dim3A_3 {add = true} : memref<10000xf32, #tpu.memory_space<vmem>>[vector<16xi32>], vector<16xf32>,
        %get3A_91 = arith.constant 96 : index
        %get3A_92 = tpu.vector_load %arg11[%get3A_91] {strides = array<i32>} : memref<128xi32, #tpu.memory_space<vmem>>, vector<16xi32>,
        tpu.vector_store_idx %arg16[%get3A_92], %broadcast_in_dim3A_3 {add = true} : memref<10000xf32, #tpu.memory_space<vmem>>[vector<16xi32>], vector<16xf32>,
        %get3A_93 = arith.constant 112 : index
        %get3A_94 = tpu.vector_load %arg11[%get3A_93] {strides = array<i32>} : memref<128xi32, #tpu.memory_space<vmem>>, vector<16xi32>,
        tpu.vector_store_idx %arg16[%get3A_94], %broadcast_in_dim3A_3 {add = true} : memref<10000xf32, #tpu.memory_space<vmem>>[vector<16xi32>], vector<16xf32>,
      } else {
      }
      %add3A_66 = arith.constant 2 : i32
      %add3A_67 = arith.addi %add3A_57, %add3A_66 : i32
      %mul3A_68 = arith.constant 32 : i32
      %mul3A_69 = arith.muli %mul3A_68, %add3A_67 : i32
      %add3A_70 = arith.addi %add3A, %mul3A_69 : i32
      %lt3A_71 = arith.constant 2500 : i32
      %lt3A_72 = arith.cmpi slt, %add3A_70, %lt3A_71 : i32
      %convert_element_type3A_73 = arith.extui %lt3A_72 : i1 to i32
      %cond3A_74 = arith.constant 0 : i32
      %cond3A_75 = arith.cmpi ne, %convert_element_type3A_73, %cond3A_74 : i32
      scf.if %cond3A_75 {
        %mul3A_76 = arith.constant 128 : i32
        %mul3A_77 = arith.muli %add3A_70, %mul3A_76 : i32
        "tpu.region"() ({
          %run_scoped3A = tpu.sem_alloc : memref<!tpu.dma_semaphore, #tpu.memory_space<semaphore_mem>>
          %dma_start3A_80 = tpu.memref_slice %arg3[%mul3A_77] : memref<320000xi32, #tpu.memory_space<hbm>> -> memref<128xi32, #tpu.memory_space<hbm>>
          %dma_start3A_81 = tpu.memref_slice %arg3[%mul3A_77] : memref<320000xi32, #tpu.memory_space<hbm>> -> memref<128xi32, #tpu.memory_space<hbm>>
          tpu.enqueue_dma source(%dma_start3A_81 : memref<128xi32, #tpu.memory_space<hbm>>) target(%arg11 : memref<128xi32, #tpu.memory_space<vmem>>) target_semaphore(%run_scoped3A : memref<!tpu.dma_semaphore, #tpu.memory_space<semaphore_mem>>)
          %dma_wait3A = tpu.memref_slice %arg3[%mul3A_77] : memref<320000xi32, #tpu.memory_space<hbm>> -> memref<128xi32, #tpu.memory_space<hbm>>
          %dma_wait3A_82 = tpu.memref_slice %arg3[%mul3A_77] : memref<320000xi32, #tpu.memory_space<hbm>> -> memref<128xi32, #tpu.memory_space<hbm>>
          tpu.wait_dma2 semaphore(%run_scoped3A : memref<!tpu.dma_semaphore, #tpu.memory_space<semaphore_mem>>) src(%dma_wait3A_82 : memref<128xi32, #tpu.memory_space<hbm>>) dst(%arg11 : memref<128xi32, #tpu.memory_space<vmem>>)
          tpu.yield
        }) : () -> ()
        "tpu.region"() ({
          %run_scoped3A = tpu.sem_alloc : memref<!tpu.dma_semaphore, #tpu.memory_space<semaphore_mem>>
          %dma_start3A_80 = tpu.memref_slice %arg4[%mul3A_77] : memref<320000xi32, #tpu.memory_space<hbm>> -> memref<128xi32, #tpu.memory_space<hbm>>
          %dma_start3A_81 = tpu.memref_slice %arg4[%mul3A_77] : memref<320000xi32, #tpu.memory_space<hbm>> -> memref<128xi32, #tpu.memory_space<hbm>>
          tpu.enqueue_dma source(%dma_start3A_81 : memref<128xi32, #tpu.memory_space<hbm>>) target(%arg13 : memref<128xi32, #tpu.memory_space<vmem>>) target_semaphore(%run_scoped3A : memref<!tpu.dma_semaphore, #tpu.memory_space<semaphore_mem>>)
          %dma_wait3A = tpu.memref_slice %arg4[%mul3A_77] : memref<320000xi32, #tpu.memory_space<hbm>> -> memref<128xi32, #tpu.memory_space<hbm>>
          %dma_wait3A_82 = tpu.memref_slice %arg4[%mul3A_77] : memref<320000xi32, #tpu.memory_space<hbm>> -> memref<128xi32, #tpu.memory_space<hbm>>
          tpu.wait_dma2 semaphore(%run_scoped3A : memref<!tpu.dma_semaphore, #tpu.memory_space<semaphore_mem>>) src(%dma_wait3A_82 : memref<128xi32, #tpu.memory_space<hbm>>) dst(%arg13 : memref<128xi32, #tpu.memory_space<vmem>>)
          tpu.yield
        }) : () -> ()
        %dma_start3A = arith.constant 0 : i32
        %dma_start3A_78 = arith.constant 0 : i32
        %dma_start3A_79 = tpu.memref_slice %arg2[%dma_start3A, %dma_start3A_78] : memref<10000x128xf32, #tpu.memory_space<hbm>> -> memref<10000x128xf32, #tpu.memory_space<hbm>>
        tpu.enqueue_indirect_dma source(%dma_start3A_79 : memref<10000x128xf32, #tpu.memory_space<hbm>>) target(%arg15 : memref<128x128xf32, #tpu.memory_space<vmem>>) offsets(%arg13 : memref<128xi32, #tpu.memory_space<vmem>>) semaphore(%arg19 : memref<!tpu.dma_semaphore, #tpu.memory_space<semaphore_mem>>)
      } else {
      }
    }
    %scan3A_24 = arith.constant 40 : i32
    "tpu.region"() ({
      %run_scoped3A = tpu.sem_alloc : memref<!tpu.dma_semaphore, #tpu.memory_space<semaphore_mem>>
      %dma_start3A = arith.constant 0 : i32
      %dma_start3A_31 = tpu.memref_slice %arg9[%add3A, %dma_start3A] : memref<32x10000xf32, #tpu.memory_space<hbm>> -> memref<1x10000xf32, #tpu.memory_space<hbm>>
      %dma_start3A_32 = tpu.memref_squeeze %dma_start3A_31 : memref<1x10000xf32, #tpu.memory_space<hbm>> -> memref<10000xf32, #tpu.memory_space<hbm>>
      %dma_start3A_33 = arith.constant 0 : i32
      %dma_start3A_34 = tpu.memref_slice %arg9[%add3A, %dma_start3A_33] : memref<32x10000xf32, #tpu.memory_space<hbm>> -> memref<1x10000xf32, #tpu.memory_space<hbm>>
      %dma_start3A_35 = tpu.memref_squeeze %dma_start3A_34 : memref<1x10000xf32, #tpu.memory_space<hbm>> -> memref<10000xf32, #tpu.memory_space<hbm>>
      tpu.enqueue_dma source(%arg16 : memref<10000xf32, #tpu.memory_space<vmem>>) target(%dma_start3A_35 : memref<10000xf32, #tpu.memory_space<hbm>>) target_semaphore(%run_scoped3A : memref<!tpu.dma_semaphore, #tpu.memory_space<semaphore_mem>>)
      %dma_wait3A = arith.constant 0 : i32
      %dma_wait3A_36 = tpu.memref_slice %arg9[%add3A, %dma_wait3A] : memref<32x10000xf32, #tpu.memory_space<hbm>> -> memref<1x10000xf32, #tpu.memory_space<hbm>>
      %dma_wait3A_37 = tpu.memref_squeeze %dma_wait3A_36 : memref<1x10000xf32, #tpu.memory_space<hbm>> -> memref<10000xf32, #tpu.memory_space<hbm>>
      %dma_wait3A_38 = arith.constant 0 : i32
      %dma_wait3A_39 = tpu.memref_slice %arg9[%add3A, %dma_wait3A_38] : memref<32x10000xf32, #tpu.memory_space<hbm>> -> memref<1x10000xf32, #tpu.memory_space<hbm>>
      %dma_wait3A_40 = tpu.memref_squeeze %dma_wait3A_39 : memref<1x10000xf32, #tpu.memory_space<hbm>> -> memref<10000xf32, #tpu.memory_space<hbm>>
      tpu.wait_dma2 semaphore(%run_scoped3A : memref<!tpu.dma_semaphore, #tpu.memory_space<semaphore_mem>>) src(%arg16 : memref<10000xf32, #tpu.memory_space<vmem>>) dst(%dma_wait3A_40 : memref<10000xf32, #tpu.memory_space<hbm>>)
      tpu.yield
    }) : () -> ()
    %barrier3A_25 = arith.constant 0 : index
    tpu.barrier barrier_id(%barrier3A_25)
    %eq3A_26 = arith.constant 0 : i32
    %eq3A_27 = arith.cmpi eq, %arg1, %eq3A_26 : i32
    %convert_element_type3A_28 = arith.extui %eq3A_27 : i1 to i32
    %cond3A_29 = arith.constant 0 : i32
    %cond3A_30 = arith.cmpi ne, %convert_element_type3A_28, %cond3A_29 : i32
    scf.if %cond3A_30 {
      "tpu.region"() ({
        %run_scoped3A = tpu.sem_alloc : memref<!tpu.dma_semaphore, #tpu.memory_space<semaphore_mem>>
        %dma_start3A = arith.constant 0 : i32
        %dma_start3A_31 = arith.constant 0 : i32
        %dma_start3A_32 = tpu.memref_slice %arg8[%arg0, %dma_start3A, %dma_start3A_31] : memref<2x10000x128xf32, #tpu.memory_space<hbm>> -> memref<1x10000x128xf32, #tpu.memory_space<hbm>>
        %dma_start3A_33 = tpu.memref_squeeze %dma_start3A_32 : memref<1x10000x128xf32, #tpu.memory_space<hbm>> -> memref<10000x128xf32, #tpu.memory_space<hbm>>
        tpu.enqueue_dma source(%arg17 : memref<10000x128xf32, #tpu.memory_space<vmem_shared>>) target(%dma_start3A_33 : memref<10000x128xf32, #tpu.memory_space<hbm>>) target_semaphore(%run_scoped3A : memref<!tpu.dma_semaphore, #tpu.memory_space<semaphore_mem>>)
        %dma_wait3A = arith.constant 0 : i32
        %dma_wait3A_34 = arith.constant 0 : i32
        %dma_wait3A_35 = tpu.memref_slice %arg8[%arg0, %dma_wait3A, %dma_wait3A_34] : memref<2x10000x128xf32, #tpu.memory_space<hbm>> -> memref<1x10000x128xf32, #tpu.memory_space<hbm>>
        %dma_wait3A_36 = tpu.memref_squeeze %dma_wait3A_35 : memref<1x10000x128xf32, #tpu.memory_space<hbm>> -> memref<10000x128xf32, #tpu.memory_space<hbm>>
        tpu.wait_dma2 semaphore(%run_scoped3A : memref<!tpu.dma_semaphore, #tpu.memory_space<semaphore_mem>>) src(%arg17 : memref<10000x128xf32, #tpu.memory_space<vmem_shared>>) dst(%dma_wait3A_36 : memref<10000x128xf32, #tpu.memory_space<hbm>>)
        tpu.yield
      }) : () -> ()
    } else {
    }
    return
  }
}

#map = affine_map<(d0, d1) -> (0, 0)>
#map1 = affine_map<(d0, d1) -> (0)>
module attributes {stable_mosaic.version = 14 : i64} {
  func.func @_k2_body(%arg0: i32, %arg1: i32, %arg2: memref<10000x128xf32, #tpu.memory_space<hbm>>, %arg3: memref<10000x128xf32, #tpu.memory_space<hbm>>, %arg4: memref<320000xi32, #tpu.memory_space<hbm>>, %arg5: memref<320000x128xf32, #tpu.memory_space<hbm>>, %arg6: memref<320000x128xf32, #tpu.memory_space<hbm>>, %arg7: memref<128xi32, #tpu.memory_space<vmem>>, %arg8: memref<128xi32, #tpu.memory_space<vmem>>, %arg9: memref<128x128xf32, #tpu.memory_space<vmem>>, %arg10: memref<128x128xf32, #tpu.memory_space<vmem>>, %arg11: memref<128x128xf32, #tpu.memory_space<vmem>>, %arg12: memref<128x128xf32, #tpu.memory_space<vmem>>, %arg13: memref<!tpu.dma_semaphore, #tpu.memory_space<semaphore_mem>>, %arg14: memref<!tpu.dma_semaphore, #tpu.memory_space<semaphore_mem>>, %arg15: memref<!tpu.dma_semaphore, #tpu.memory_space<semaphore_mem>>, %arg16: memref<!tpu.dma_semaphore, #tpu.memory_space<semaphore_mem>>) attributes {dimension_semantics = [#tpu.dimension_semantics<core_parallel>, #tpu.dimension_semantics<subcore_parallel>], iteration_bounds = array<i64: 2, 16>, scalar_prefetch = 0 : i64, scratch_operands = 10 : i64, tpu.core_type = #tpu.core_type<sc_vector_subcore>, window_params = [{transform_indices = #map}, {transform_indices = #map}, {transform_indices = #map1}, {transform_indices = #map}, {transform_indices = #map}]} {
    %mul3A = arith.constant 2 : i32
    %mul3A_0 = arith.muli %arg1, %mul3A : i32
    %add3A = arith.addi %mul3A_0, %arg0 : i32
    %mul3A_1 = arith.constant 32 : i32
    %mul3A_2 = arith.constant 0 : i32
    %mul3A_3 = arith.muli %mul3A_1, %mul3A_2 : i32
    %add3A_4 = arith.addi %add3A, %mul3A_3 : i32
    %lt3A = arith.constant 2500 : i32
    %lt3A_5 = arith.cmpi slt, %add3A_4, %lt3A : i32
    %convert_element_type3A = arith.extui %lt3A_5 : i1 to i32
    %cond3A = arith.constant 0 : i32
    %cond3A_6 = arith.cmpi ne, %convert_element_type3A, %cond3A : i32
    scf.if %cond3A_6 {
      %mul3A_20 = arith.constant 128 : i32
      %mul3A_21 = arith.muli %add3A_4, %mul3A_20 : i32
      "tpu.region"() ({
        %run_scoped3A = tpu.sem_alloc : memref<!tpu.dma_semaphore, #tpu.memory_space<semaphore_mem>>
        %dma_start3A_27 = tpu.memref_slice %arg4[%mul3A_21] : memref<320000xi32, #tpu.memory_space<hbm>> -> memref<128xi32, #tpu.memory_space<hbm>>
        %dma_start3A_28 = tpu.memref_slice %arg4[%mul3A_21] : memref<320000xi32, #tpu.memory_space<hbm>> -> memref<128xi32, #tpu.memory_space<hbm>>
        tpu.enqueue_dma source(%dma_start3A_28 : memref<128xi32, #tpu.memory_space<hbm>>) target(%arg7 : memref<128xi32, #tpu.memory_space<vmem>>) target_semaphore(%run_scoped3A : memref<!tpu.dma_semaphore, #tpu.memory_space<semaphore_mem>>)
        %dma_wait3A = tpu.memref_slice %arg4[%mul3A_21] : memref<320000xi32, #tpu.memory_space<hbm>> -> memref<128xi32, #tpu.memory_space<hbm>>
        %dma_wait3A_29 = tpu.memref_slice %arg4[%mul3A_21] : memref<320000xi32, #tpu.memory_space<hbm>> -> memref<128xi32, #tpu.memory_space<hbm>>
        tpu.wait_dma2 semaphore(%run_scoped3A : memref<!tpu.dma_semaphore, #tpu.memory_space<semaphore_mem>>) src(%dma_wait3A_29 : memref<128xi32, #tpu.memory_space<hbm>>) dst(%arg7 : memref<128xi32, #tpu.memory_space<vmem>>)
        tpu.yield
      }) : () -> ()
      %dma_start3A = arith.constant 0 : i32
      %dma_start3A_22 = arith.constant 0 : i32
      %dma_start3A_23 = tpu.memref_slice %arg2[%dma_start3A, %dma_start3A_22] : memref<10000x128xf32, #tpu.memory_space<hbm>> -> memref<10000x128xf32, #tpu.memory_space<hbm>>
      tpu.enqueue_indirect_dma source(%dma_start3A_23 : memref<10000x128xf32, #tpu.memory_space<hbm>>) target(%arg9 : memref<128x128xf32, #tpu.memory_space<vmem>>) offsets(%arg7 : memref<128xi32, #tpu.memory_space<vmem>>) semaphore(%arg13 : memref<!tpu.dma_semaphore, #tpu.memory_space<semaphore_mem>>)
      %dma_start3A_24 = arith.constant 0 : i32
      %dma_start3A_25 = arith.constant 0 : i32
      %dma_start3A_26 = tpu.memref_slice %arg3[%dma_start3A_24, %dma_start3A_25] : memref<10000x128xf32, #tpu.memory_space<hbm>> -> memref<10000x128xf32, #tpu.memory_space<hbm>>
      tpu.enqueue_indirect_dma source(%dma_start3A_26 : memref<10000x128xf32, #tpu.memory_space<hbm>>) target(%arg11 : memref<128x128xf32, #tpu.memory_space<vmem>>) offsets(%arg7 : memref<128xi32, #tpu.memory_space<vmem>>) semaphore(%arg15 : memref<!tpu.dma_semaphore, #tpu.memory_space<semaphore_mem>>)
    } else {
    }
    %mul3A_7 = arith.constant 32 : i32
    %mul3A_8 = arith.constant 1 : i32
    %mul3A_9 = arith.muli %mul3A_7, %mul3A_8 : i32
    %add3A_10 = arith.addi %add3A, %mul3A_9 : i32
    %lt3A_11 = arith.constant 2500 : i32
    %lt3A_12 = arith.cmpi slt, %add3A_10, %lt3A_11 : i32
    %convert_element_type3A_13 = arith.extui %lt3A_12 : i1 to i32
    %cond3A_14 = arith.constant 0 : i32
    %cond3A_15 = arith.cmpi ne, %convert_element_type3A_13, %cond3A_14 : i32
    scf.if %cond3A_15 {
      %mul3A_20 = arith.constant 128 : i32
      %mul3A_21 = arith.muli %add3A_10, %mul3A_20 : i32
      "tpu.region"() ({
        %run_scoped3A = tpu.sem_alloc : memref<!tpu.dma_semaphore, #tpu.memory_space<semaphore_mem>>
        %dma_start3A_27 = tpu.memref_slice %arg4[%mul3A_21] : memref<320000xi32, #tpu.memory_space<hbm>> -> memref<128xi32, #tpu.memory_space<hbm>>
        %dma_start3A_28 = tpu.memref_slice %arg4[%mul3A_21] : memref<320000xi32, #tpu.memory_space<hbm>> -> memref<128xi32, #tpu.memory_space<hbm>>
        tpu.enqueue_dma source(%dma_start3A_28 : memref<128xi32, #tpu.memory_space<hbm>>) target(%arg8 : memref<128xi32, #tpu.memory_space<vmem>>) target_semaphore(%run_scoped3A : memref<!tpu.dma_semaphore, #tpu.memory_space<semaphore_mem>>)
        %dma_wait3A = tpu.memref_slice %arg4[%mul3A_21] : memref<320000xi32, #tpu.memory_space<hbm>> -> memref<128xi32, #tpu.memory_space<hbm>>
        %dma_wait3A_29 = tpu.memref_slice %arg4[%mul3A_21] : memref<320000xi32, #tpu.memory_space<hbm>> -> memref<128xi32, #tpu.memory_space<hbm>>
        tpu.wait_dma2 semaphore(%run_scoped3A : memref<!tpu.dma_semaphore, #tpu.memory_space<semaphore_mem>>) src(%dma_wait3A_29 : memref<128xi32, #tpu.memory_space<hbm>>) dst(%arg8 : memref<128xi32, #tpu.memory_space<vmem>>)
        tpu.yield
      }) : () -> ()
      %dma_start3A = arith.constant 0 : i32
      %dma_start3A_22 = arith.constant 0 : i32
      %dma_start3A_23 = tpu.memref_slice %arg2[%dma_start3A, %dma_start3A_22] : memref<10000x128xf32, #tpu.memory_space<hbm>> -> memref<10000x128xf32, #tpu.memory_space<hbm>>
      tpu.enqueue_indirect_dma source(%dma_start3A_23 : memref<10000x128xf32, #tpu.memory_space<hbm>>) target(%arg10 : memref<128x128xf32, #tpu.memory_space<vmem>>) offsets(%arg8 : memref<128xi32, #tpu.memory_space<vmem>>) semaphore(%arg14 : memref<!tpu.dma_semaphore, #tpu.memory_space<semaphore_mem>>)
      %dma_start3A_24 = arith.constant 0 : i32
      %dma_start3A_25 = arith.constant 0 : i32
      %dma_start3A_26 = tpu.memref_slice %arg3[%dma_start3A_24, %dma_start3A_25] : memref<10000x128xf32, #tpu.memory_space<hbm>> -> memref<10000x128xf32, #tpu.memory_space<hbm>>
      tpu.enqueue_indirect_dma source(%dma_start3A_26 : memref<10000x128xf32, #tpu.memory_space<hbm>>) target(%arg12 : memref<128x128xf32, #tpu.memory_space<vmem>>) offsets(%arg8 : memref<128xi32, #tpu.memory_space<vmem>>) semaphore(%arg16 : memref<!tpu.dma_semaphore, #tpu.memory_space<semaphore_mem>>)
    } else {
    }
    %scan3A = arith.constant 0 : i32
    %scan3A_16 = arith.constant 40 : i32
    %scan3A_17 = arith.addi %scan3A, %scan3A_16 : i32
    %scan3A_18 = arith.constant 1 : i32
    scf.for %scan3A_20 = %scan3A to %scan3A_17 step %scan3A_18  : i32 {
      %mul3A_21 = arith.constant 2 : i32
      %mul3A_22 = arith.muli %scan3A_20, %mul3A_21 : i32
      %add3A_23 = arith.constant 0 : i32
      %add3A_24 = arith.addi %add3A_23, %mul3A_22 : i32
      %add3A_25 = arith.constant 0 : i32
      %add3A_26 = arith.addi %add3A_24, %add3A_25 : i32
      %mul3A_27 = arith.constant 32 : i32
      %mul3A_28 = arith.muli %mul3A_27, %add3A_26 : i32
      %add3A_29 = arith.addi %add3A, %mul3A_28 : i32
      %lt3A_30 = arith.constant 2500 : i32
      %lt3A_31 = arith.cmpi slt, %add3A_29, %lt3A_30 : i32
      %convert_element_type3A_32 = arith.extui %lt3A_31 : i1 to i32
      %cond3A_33 = arith.constant 0 : i32
      %cond3A_34 = arith.cmpi ne, %convert_element_type3A_32, %cond3A_33 : i32
      scf.if %cond3A_34 {
        %mul3A_65 = arith.constant 128 : i32
        %mul3A_66 = arith.muli %add3A_29, %mul3A_65 : i32
        %dma_wait3A = arith.constant 0 : i32
        %dma_wait3A_67 = arith.constant 0 : i32
        %dma_wait3A_68 = tpu.memref_slice %arg2[%dma_wait3A, %dma_wait3A_67] : memref<10000x128xf32, #tpu.memory_space<hbm>> -> memref<10000x128xf32, #tpu.memory_space<hbm>>
        tpu.wait_indirect_dma semaphore(%arg13 : memref<!tpu.dma_semaphore, #tpu.memory_space<semaphore_mem>>) src(%dma_wait3A_68 : memref<10000x128xf32, #tpu.memory_space<hbm>>) dst(%arg9 : memref<128x128xf32, #tpu.memory_space<vmem>>)
        %dma_wait3A_69 = arith.constant 0 : i32
        %dma_wait3A_70 = arith.constant 0 : i32
        %dma_wait3A_71 = tpu.memref_slice %arg3[%dma_wait3A_69, %dma_wait3A_70] : memref<10000x128xf32, #tpu.memory_space<hbm>> -> memref<10000x128xf32, #tpu.memory_space<hbm>>
        tpu.wait_indirect_dma semaphore(%arg15 : memref<!tpu.dma_semaphore, #tpu.memory_space<semaphore_mem>>) src(%dma_wait3A_71 : memref<10000x128xf32, #tpu.memory_space<hbm>>) dst(%arg11 : memref<128x128xf32, #tpu.memory_space<vmem>>)
        "tpu.region"() ({
          %run_scoped3A = tpu.sem_alloc : memref<!tpu.dma_semaphore, #tpu.memory_space<semaphore_mem>>
          %dma_start3A = arith.constant 0 : i32
          %dma_start3A_72 = tpu.memref_slice %arg5[%mul3A_66, %dma_start3A] : memref<320000x128xf32, #tpu.memory_space<hbm>> -> memref<128x128xf32, #tpu.memory_space<hbm>>
          %dma_start3A_73 = arith.constant 0 : i32
          %dma_start3A_74 = tpu.memref_slice %arg5[%mul3A_66, %dma_start3A_73] : memref<320000x128xf32, #tpu.memory_space<hbm>> -> memref<128x128xf32, #tpu.memory_space<hbm>>
          tpu.enqueue_dma source(%arg9 : memref<128x128xf32, #tpu.memory_space<vmem>>) target(%dma_start3A_74 : memref<128x128xf32, #tpu.memory_space<hbm>>) target_semaphore(%run_scoped3A : memref<!tpu.dma_semaphore, #tpu.memory_space<semaphore_mem>>)
          %dma_wait3A_75 = arith.constant 0 : i32
          %dma_wait3A_76 = tpu.memref_slice %arg5[%mul3A_66, %dma_wait3A_75] : memref<320000x128xf32, #tpu.memory_space<hbm>> -> memref<128x128xf32, #tpu.memory_space<hbm>>
          %dma_wait3A_77 = arith.constant 0 : i32
          %dma_wait3A_78 = tpu.memref_slice %arg5[%mul3A_66, %dma_wait3A_77] : memref<320000x128xf32, #tpu.memory_space<hbm>> -> memref<128x128xf32, #tpu.memory_space<hbm>>
          tpu.wait_dma2 semaphore(%run_scoped3A : memref<!tpu.dma_semaphore, #tpu.memory_space<semaphore_mem>>) src(%arg9 : memref<128x128xf32, #tpu.memory_space<vmem>>) dst(%dma_wait3A_78 : memref<128x128xf32, #tpu.memory_space<hbm>>)
          tpu.yield
        }) : () -> ()
        "tpu.region"() ({
          %run_scoped3A = tpu.sem_alloc : memref<!tpu.dma_semaphore, #tpu.memory_space<semaphore_mem>>
          %dma_start3A = arith.constant 0 : i32
          %dma_start3A_72 = tpu.memref_slice %arg6[%mul3A_66, %dma_start3A] : memref<320000x128xf32, #tpu.memory_space<hbm>> -> memref<128x128xf32, #tpu.memory_space<hbm>>
          %dma_start3A_73 = arith.constant 0 : i32
          %dma_start3A_74 = tpu.memref_slice %arg6[%mul3A_66, %dma_start3A_73] : memref<320000x128xf32, #tpu.memory_space<hbm>> -> memref<128x128xf32, #tpu.memory_space<hbm>>
          tpu.enqueue_dma source(%arg11 : memref<128x128xf32, #tpu.memory_space<vmem>>) target(%dma_start3A_74 : memref<128x128xf32, #tpu.memory_space<hbm>>) target_semaphore(%run_scoped3A : memref<!tpu.dma_semaphore, #tpu.memory_space<semaphore_mem>>)
          %dma_wait3A_75 = arith.constant 0 : i32
          %dma_wait3A_76 = tpu.memref_slice %arg6[%mul3A_66, %dma_wait3A_75] : memref<320000x128xf32, #tpu.memory_space<hbm>> -> memref<128x128xf32, #tpu.memory_space<hbm>>
          %dma_wait3A_77 = arith.constant 0 : i32
          %dma_wait3A_78 = tpu.memref_slice %arg6[%mul3A_66, %dma_wait3A_77] : memref<320000x128xf32, #tpu.memory_space<hbm>> -> memref<128x128xf32, #tpu.memory_space<hbm>>
          tpu.wait_dma2 semaphore(%run_scoped3A : memref<!tpu.dma_semaphore, #tpu.memory_space<semaphore_mem>>) src(%arg11 : memref<128x128xf32, #tpu.memory_space<vmem>>) dst(%dma_wait3A_78 : memref<128x128xf32, #tpu.memory_space<hbm>>)
          tpu.yield
        }) : () -> ()
      } else {
      }
      %add3A_35 = arith.constant 2 : i32
      %add3A_36 = arith.addi %add3A_26, %add3A_35 : i32
      %mul3A_37 = arith.constant 32 : i32
      %mul3A_38 = arith.muli %mul3A_37, %add3A_36 : i32
      %add3A_39 = arith.addi %add3A, %mul3A_38 : i32
      %lt3A_40 = arith.constant 2500 : i32
      %lt3A_41 = arith.cmpi slt, %add3A_39, %lt3A_40 : i32
      %convert_element_type3A_42 = arith.extui %lt3A_41 : i1 to i32
      %cond3A_43 = arith.constant 0 : i32
      %cond3A_44 = arith.cmpi ne, %convert_element_type3A_42, %cond3A_43 : i32
      scf.if %cond3A_44 {
        %mul3A_65 = arith.constant 128 : i32
        %mul3A_66 = arith.muli %add3A_39, %mul3A_65 : i32
        "tpu.region"() ({
          %run_scoped3A = tpu.sem_alloc : memref<!tpu.dma_semaphore, #tpu.memory_space<semaphore_mem>>
          %dma_start3A_72 = tpu.memref_slice %arg4[%mul3A_66] : memref<320000xi32, #tpu.memory_space<hbm>> -> memref<128xi32, #tpu.memory_space<hbm>>
          %dma_start3A_73 = tpu.memref_slice %arg4[%mul3A_66] : memref<320000xi32, #tpu.memory_space<hbm>> -> memref<128xi32, #tpu.memory_space<hbm>>
          tpu.enqueue_dma source(%dma_start3A_73 : memref<128xi32, #tpu.memory_space<hbm>>) target(%arg7 : memref<128xi32, #tpu.memory_space<vmem>>) target_semaphore(%run_scoped3A : memref<!tpu.dma_semaphore, #tpu.memory_space<semaphore_mem>>)
          %dma_wait3A = tpu.memref_slice %arg4[%mul3A_66] : memref<320000xi32, #tpu.memory_space<hbm>> -> memref<128xi32, #tpu.memory_space<hbm>>
          %dma_wait3A_74 = tpu.memref_slice %arg4[%mul3A_66] : memref<320000xi32, #tpu.memory_space<hbm>> -> memref<128xi32, #tpu.memory_space<hbm>>
          tpu.wait_dma2 semaphore(%run_scoped3A : memref<!tpu.dma_semaphore, #tpu.memory_space<semaphore_mem>>) src(%dma_wait3A_74 : memref<128xi32, #tpu.memory_space<hbm>>) dst(%arg7 : memref<128xi32, #tpu.memory_space<vmem>>)
          tpu.yield
        }) : () -> ()
        %dma_start3A = arith.constant 0 : i32
        %dma_start3A_67 = arith.constant 0 : i32
        %dma_start3A_68 = tpu.memref_slice %arg2[%dma_start3A, %dma_start3A_67] : memref<10000x128xf32, #tpu.memory_space<hbm>> -> memref<10000x128xf32, #tpu.memory_space<hbm>>
        tpu.enqueue_indirect_dma source(%dma_start3A_68 : memref<10000x128xf32, #tpu.memory_space<hbm>>) target(%arg9 : memref<128x128xf32, #tpu.memory_space<vmem>>) offsets(%arg7 : memref<128xi32, #tpu.memory_space<vmem>>) semaphore(%arg13 : memref<!tpu.dma_semaphore, #tpu.memory_space<semaphore_mem>>)
        %dma_start3A_69 = arith.constant 0 : i32
        %dma_start3A_70 = arith.constant 0 : i32
        %dma_start3A_71 = tpu.memref_slice %arg3[%dma_start3A_69, %dma_start3A_70] : memref<10000x128xf32, #tpu.memory_space<hbm>> -> memref<10000x128xf32, #tpu.memory_space<hbm>>
        tpu.enqueue_indirect_dma source(%dma_start3A_71 : memref<10000x128xf32, #tpu.memory_space<hbm>>) target(%arg11 : memref<128x128xf32, #tpu.memory_space<vmem>>) offsets(%arg7 : memref<128xi32, #tpu.memory_space<vmem>>) semaphore(%arg15 : memref<!tpu.dma_semaphore, #tpu.memory_space<semaphore_mem>>)
      } else {
      }
      %add3A_45 = arith.constant 1 : i32
      %add3A_46 = arith.addi %add3A_24, %add3A_45 : i32
      %mul3A_47 = arith.constant 32 : i32
      %mul3A_48 = arith.muli %mul3A_47, %add3A_46 : i32
      %add3A_49 = arith.addi %add3A, %mul3A_48 : i32
      %lt3A_50 = arith.constant 2500 : i32
      %lt3A_51 = arith.cmpi slt, %add3A_49, %lt3A_50 : i32
      %convert_element_type3A_52 = arith.extui %lt3A_51 : i1 to i32
      %cond3A_53 = arith.constant 0 : i32
      %cond3A_54 = arith.cmpi ne, %convert_element_type3A_52, %cond3A_53 : i32
      scf.if %cond3A_54 {
        %mul3A_65 = arith.constant 128 : i32
        %mul3A_66 = arith.muli %add3A_49, %mul3A_65 : i32
        %dma_wait3A = arith.constant 0 : i32
        %dma_wait3A_67 = arith.constant 0 : i32
        %dma_wait3A_68 = tpu.memref_slice %arg2[%dma_wait3A, %dma_wait3A_67] : memref<10000x128xf32, #tpu.memory_space<hbm>> -> memref<10000x128xf32, #tpu.memory_space<hbm>>
        tpu.wait_indirect_dma semaphore(%arg14 : memref<!tpu.dma_semaphore, #tpu.memory_space<semaphore_mem>>) src(%dma_wait3A_68 : memref<10000x128xf32, #tpu.memory_space<hbm>>) dst(%arg10 : memref<128x128xf32, #tpu.memory_space<vmem>>)
        %dma_wait3A_69 = arith.constant 0 : i32
        %dma_wait3A_70 = arith.constant 0 : i32
        %dma_wait3A_71 = tpu.memref_slice %arg3[%dma_wait3A_69, %dma_wait3A_70] : memref<10000x128xf32, #tpu.memory_space<hbm>> -> memref<10000x128xf32, #tpu.memory_space<hbm>>
        tpu.wait_indirect_dma semaphore(%arg16 : memref<!tpu.dma_semaphore, #tpu.memory_space<semaphore_mem>>) src(%dma_wait3A_71 : memref<10000x128xf32, #tpu.memory_space<hbm>>) dst(%arg12 : memref<128x128xf32, #tpu.memory_space<vmem>>)
        "tpu.region"() ({
          %run_scoped3A = tpu.sem_alloc : memref<!tpu.dma_semaphore, #tpu.memory_space<semaphore_mem>>
          %dma_start3A = arith.constant 0 : i32
          %dma_start3A_72 = tpu.memref_slice %arg5[%mul3A_66, %dma_start3A] : memref<320000x128xf32, #tpu.memory_space<hbm>> -> memref<128x128xf32, #tpu.memory_space<hbm>>
          %dma_start3A_73 = arith.constant 0 : i32
          %dma_start3A_74 = tpu.memref_slice %arg5[%mul3A_66, %dma_start3A_73] : memref<320000x128xf32, #tpu.memory_space<hbm>> -> memref<128x128xf32, #tpu.memory_space<hbm>>
          tpu.enqueue_dma source(%arg10 : memref<128x128xf32, #tpu.memory_space<vmem>>) target(%dma_start3A_74 : memref<128x128xf32, #tpu.memory_space<hbm>>) target_semaphore(%run_scoped3A : memref<!tpu.dma_semaphore, #tpu.memory_space<semaphore_mem>>)
          %dma_wait3A_75 = arith.constant 0 : i32
          %dma_wait3A_76 = tpu.memref_slice %arg5[%mul3A_66, %dma_wait3A_75] : memref<320000x128xf32, #tpu.memory_space<hbm>> -> memref<128x128xf32, #tpu.memory_space<hbm>>
          %dma_wait3A_77 = arith.constant 0 : i32
          %dma_wait3A_78 = tpu.memref_slice %arg5[%mul3A_66, %dma_wait3A_77] : memref<320000x128xf32, #tpu.memory_space<hbm>> -> memref<128x128xf32, #tpu.memory_space<hbm>>
          tpu.wait_dma2 semaphore(%run_scoped3A : memref<!tpu.dma_semaphore, #tpu.memory_space<semaphore_mem>>) src(%arg10 : memref<128x128xf32, #tpu.memory_space<vmem>>) dst(%dma_wait3A_78 : memref<128x128xf32, #tpu.memory_space<hbm>>)
          tpu.yield
        }) : () -> ()
        "tpu.region"() ({
          %run_scoped3A = tpu.sem_alloc : memref<!tpu.dma_semaphore, #tpu.memory_space<semaphore_mem>>
          %dma_start3A = arith.constant 0 : i32
          %dma_start3A_72 = tpu.memref_slice %arg6[%mul3A_66, %dma_start3A] : memref<320000x128xf32, #tpu.memory_space<hbm>> -> memref<128x128xf32, #tpu.memory_space<hbm>>
          %dma_start3A_73 = arith.constant 0 : i32
          %dma_start3A_74 = tpu.memref_slice %arg6[%mul3A_66, %dma_start3A_73] : memref<320000x128xf32, #tpu.memory_space<hbm>> -> memref<128x128xf32, #tpu.memory_space<hbm>>
          tpu.enqueue_dma source(%arg12 : memref<128x128xf32, #tpu.memory_space<vmem>>) target(%dma_start3A_74 : memref<128x128xf32, #tpu.memory_space<hbm>>) target_semaphore(%run_scoped3A : memref<!tpu.dma_semaphore, #tpu.memory_space<semaphore_mem>>)
          %dma_wait3A_75 = arith.constant 0 : i32
          %dma_wait3A_76 = tpu.memref_slice %arg6[%mul3A_66, %dma_wait3A_75] : memref<320000x128xf32, #tpu.memory_space<hbm>> -> memref<128x128xf32, #tpu.memory_space<hbm>>
          %dma_wait3A_77 = arith.constant 0 : i32
          %dma_wait3A_78 = tpu.memref_slice %arg6[%mul3A_66, %dma_wait3A_77] : memref<320000x128xf32, #tpu.memory_space<hbm>> -> memref<128x128xf32, #tpu.memory_space<hbm>>
          tpu.wait_dma2 semaphore(%run_scoped3A : memref<!tpu.dma_semaphore, #tpu.memory_space<semaphore_mem>>) src(%arg12 : memref<128x128xf32, #tpu.memory_space<vmem>>) dst(%dma_wait3A_78 : memref<128x128xf32, #tpu.memory_space<hbm>>)
          tpu.yield
        }) : () -> ()
      } else {
      }
      %add3A_55 = arith.constant 2 : i32
      %add3A_56 = arith.addi %add3A_46, %add3A_55 : i32
      %mul3A_57 = arith.constant 32 : i32
      %mul3A_58 = arith.muli %mul3A_57, %add3A_56 : i32
      %add3A_59 = arith.addi %add3A, %mul3A_58 : i32
      %lt3A_60 = arith.constant 2500 : i32
      %lt3A_61 = arith.cmpi slt, %add3A_59, %lt3A_60 : i32
      %convert_element_type3A_62 = arith.extui %lt3A_61 : i1 to i32
      %cond3A_63 = arith.constant 0 : i32
      %cond3A_64 = arith.cmpi ne, %convert_element_type3A_62, %cond3A_63 : i32
      scf.if %cond3A_64 {
        %mul3A_65 = arith.constant 128 : i32
        %mul3A_66 = arith.muli %add3A_59, %mul3A_65 : i32
        "tpu.region"() ({
          %run_scoped3A = tpu.sem_alloc : memref<!tpu.dma_semaphore, #tpu.memory_space<semaphore_mem>>
          %dma_start3A_72 = tpu.memref_slice %arg4[%mul3A_66] : memref<320000xi32, #tpu.memory_space<hbm>> -> memref<128xi32, #tpu.memory_space<hbm>>
          %dma_start3A_73 = tpu.memref_slice %arg4[%mul3A_66] : memref<320000xi32, #tpu.memory_space<hbm>> -> memref<128xi32, #tpu.memory_space<hbm>>
          tpu.enqueue_dma source(%dma_start3A_73 : memref<128xi32, #tpu.memory_space<hbm>>) target(%arg8 : memref<128xi32, #tpu.memory_space<vmem>>) target_semaphore(%run_scoped3A : memref<!tpu.dma_semaphore, #tpu.memory_space<semaphore_mem>>)
          %dma_wait3A = tpu.memref_slice %arg4[%mul3A_66] : memref<320000xi32, #tpu.memory_space<hbm>> -> memref<128xi32, #tpu.memory_space<hbm>>
          %dma_wait3A_74 = tpu.memref_slice %arg4[%mul3A_66] : memref<320000xi32, #tpu.memory_space<hbm>> -> memref<128xi32, #tpu.memory_space<hbm>>
          tpu.wait_dma2 semaphore(%run_scoped3A : memref<!tpu.dma_semaphore, #tpu.memory_space<semaphore_mem>>) src(%dma_wait3A_74 : memref<128xi32, #tpu.memory_space<hbm>>) dst(%arg8 : memref<128xi32, #tpu.memory_space<vmem>>)
          tpu.yield
        }) : () -> ()
        %dma_start3A = arith.constant 0 : i32
        %dma_start3A_67 = arith.constant 0 : i32
        %dma_start3A_68 = tpu.memref_slice %arg2[%dma_start3A, %dma_start3A_67] : memref<10000x128xf32, #tpu.memory_space<hbm>> -> memref<10000x128xf32, #tpu.memory_space<hbm>>
        tpu.enqueue_indirect_dma source(%dma_start3A_68 : memref<10000x128xf32, #tpu.memory_space<hbm>>) target(%arg10 : memref<128x128xf32, #tpu.memory_space<vmem>>) offsets(%arg8 : memref<128xi32, #tpu.memory_space<vmem>>) semaphore(%arg14 : memref<!tpu.dma_semaphore, #tpu.memory_space<semaphore_mem>>)
        %dma_start3A_69 = arith.constant 0 : i32
        %dma_start3A_70 = arith.constant 0 : i32
        %dma_start3A_71 = tpu.memref_slice %arg3[%dma_start3A_69, %dma_start3A_70] : memref<10000x128xf32, #tpu.memory_space<hbm>> -> memref<10000x128xf32, #tpu.memory_space<hbm>>
        tpu.enqueue_indirect_dma source(%dma_start3A_71 : memref<10000x128xf32, #tpu.memory_space<hbm>>) target(%arg12 : memref<128x128xf32, #tpu.memory_space<vmem>>) offsets(%arg8 : memref<128xi32, #tpu.memory_space<vmem>>) semaphore(%arg16 : memref<!tpu.dma_semaphore, #tpu.memory_space<semaphore_mem>>)
      } else {
      }
    }
    %scan3A_19 = arith.constant 40 : i32
    return
  }
}

module attributes {stable_mosaic.version = 14 : i64} {
  func.func @_t1_body(%arg0: i32, %arg1: memref<1000x128xf32, #tpu.memory_space<vmem>>, %arg2: memref<2x1000x128xf32, #tpu.memory_space<vmem>>, %arg3: memref<1000x32xf32, #tpu.memory_space<vmem>>, %arg4: memref<128x128xf32, #tpu.memory_space<vmem>>, %arg5: memref<1000x128xf32, #tpu.memory_space<vmem>>, %arg6: memref<1000x1xf32, #tpu.memory_space<vmem>>) attributes {dimension_semantics = [#tpu.dimension_semantics<arbitrary>], iteration_bounds = array<i64: 10>, scalar_prefetch = 0 : i64, scratch_operands = 0 : i64, tpu.core_type = #tpu.core_type<tc>, window_params = [{transform_indices = @transform_0, window_bounds = array<i64: 1000, 128>}, {transform_indices = @transform_1, window_bounds = array<i64: 2, 1000, 128>}, {transform_indices = @transform_2, window_bounds = array<i64: 1000, 32>}, {pipeline_mode = #tpu.pipeline_mode<synchronous>, transform_indices = @transform_3, window_bounds = array<i64: 128, 128>}, {transform_indices = @transform_4, window_bounds = array<i64: 1000, 128>}, {transform_indices = @transform_5, window_bounds = array<i64: 1000, 1>}]} {
    %get3A = arith.constant 0 : index
    %get3A_0 = arith.constant 0 : index
    %get3A_1 = vector.load %arg3[%get3A, %get3A_0] : memref<1000x32xf32, #tpu.memory_space<vmem>>, vector<1000x32xf32>
    %reduce_sum3A = arith.constant dense<0.000000e+00> : vector<1000xf32>
    %reduce_sum3A_2 = vector.multi_reduction <add>, %get3A_1, %reduce_sum3A [1] : vector<1000x32xf32> to vector<1000xf32>
    %broadcast_in_dim3A = vector.shape_cast %reduce_sum3A_2 : vector<1000xf32> to vector<1000x1xf32>
    %max3A = arith.constant 1.000000e+00 : f32
    %max3A_3 = vector.broadcast %max3A : f32 to vector<1000x1xf32>
    %max3A_4 = arith.maximumf %broadcast_in_dim3A, %max3A_3 : vector<1000x1xf32>
    %get3A_5 = arith.constant 0 : index
    %get3A_6 = arith.constant 0 : index
    %get3A_7 = vector.load %arg1[%get3A_5, %get3A_6] : memref<1000x128xf32, #tpu.memory_space<vmem>>, vector<1000x128xf32>
    %mul3A = vector.broadcast %broadcast_in_dim3A : vector<1000x1xf32> to vector<1000x128xf32>
    %mul3A_8 = arith.mulf %mul3A, %get3A_7 : vector<1000x128xf32>
    %get3A_9 = arith.constant 0 : index
    %get3A_10 = arith.constant 0 : index
    %get3A_11 = arith.constant 0 : index
    %get3A_12 = vector.load %arg2[%get3A_9, %get3A_10, %get3A_11] : memref<2x1000x128xf32, #tpu.memory_space<vmem>>, vector<1x1000x128xf32>
    %get3A_13 = vector.shape_cast %get3A_12 : vector<1x1000x128xf32> to vector<1000x128xf32>
    %add3A = arith.addf %mul3A_8, %get3A_13 : vector<1000x128xf32>
    %get3A_14 = arith.constant 1 : index
    %get3A_15 = arith.constant 0 : index
    %get3A_16 = arith.constant 0 : index
    %get3A_17 = vector.load %arg2[%get3A_14, %get3A_15, %get3A_16] : memref<2x1000x128xf32, #tpu.memory_space<vmem>>, vector<1x1000x128xf32>
    %get3A_18 = vector.shape_cast %get3A_17 : vector<1x1000x128xf32> to vector<1000x128xf32>
    %add3A_19 = arith.addf %add3A, %get3A_18 : vector<1000x128xf32>
    %mul3A_20 = arith.constant 5.000000e-01 : f32
    %mul3A_21 = vector.broadcast %mul3A_20 : f32 to vector<1000x128xf32>
    %mul3A_22 = arith.mulf %add3A_19, %mul3A_21 : vector<1000x128xf32>
    %div3A = vector.broadcast %max3A_4 : vector<1000x1xf32> to vector<1000x128xf32>
    %div3A_23 = arith.divf %mul3A_22, %div3A : vector<1000x128xf32>
    %get3A_24 = arith.constant 0 : index
    %get3A_25 = arith.constant 0 : index
    %get3A_26 = vector.load %arg4[%get3A_24, %get3A_25] : memref<128x128xf32, #tpu.memory_space<vmem>>, vector<128x128xf32>
    %dot_general3A = arith.constant dense<0.000000e+00> : vector<1000x128xf32>
    %dot_general3A_27 = tpu.matmul %div3A_23, %get3A_26, %dot_general3A {dimension_numbers = #tpu.dot_dimension_numbers<[1], [0], [0], [1], [0, 0, 1, 1], [], []>, transpose_lhs_hint = false} : vector<1000x128xf32>, vector<128x128xf32>, vector<1000x128xf32> -> vector<1000x128xf32>
    %swap3A = arith.constant 0 : index
    %swap3A_28 = arith.constant 0 : index
    %swap3A_29 = vector.load %arg5[%swap3A, %swap3A_28] : memref<1000x128xf32, #tpu.memory_space<vmem>>, vector<1000x128xf32>
    tpu.vector_store %arg5[%swap3A, %swap3A_28], %dot_general3A_27 {strides = array<i32>} : memref<1000x128xf32, #tpu.memory_space<vmem>>, vector<1000x128xf32>,
    %swap3A_30 = arith.constant 0 : index
    %swap3A_31 = arith.constant 0 : index
    %swap3A_32 = vector.load %arg6[%swap3A_30, %swap3A_31] : memref<1000x1xf32, #tpu.memory_space<vmem>>, vector<1000x1xf32>
    tpu.vector_store %arg6[%swap3A_30, %swap3A_31], %broadcast_in_dim3A {strides = array<i32>} : memref<1000x1xf32, #tpu.memory_space<vmem>>, vector<1000x1xf32>,
    return
  }
  func.func @transform_0(%arg0: i32) -> (i32, i32) {
    %c0_i32 = arith.constant 0 : i32
    %c0_i32_0 = arith.constant 0 : i32
    return %arg0, %c0_i32 : i32, i32
  }
  func.func @transform_1(%arg0: i32) -> (i32, i32, i32) {
    %c0_i32 = arith.constant 0 : i32
    %c0_i32_0 = arith.constant 0 : i32
    %c0_i32_1 = arith.constant 0 : i32
    return %c0_i32, %arg0, %c0_i32_0 : i32, i32, i32
  }
  func.func @transform_2(%arg0: i32) -> (i32, i32) {
    %c0_i32 = arith.constant 0 : i32
    %c0_i32_0 = arith.constant 0 : i32
    return %arg0, %c0_i32 : i32, i32
  }
  func.func @transform_3(%arg0: i32) -> (i32, i32) {
    %c0_i32 = arith.constant 0 : i32
    %c0_i32_0 = arith.constant 0 : i32
    %c0_i32_1 = arith.constant 0 : i32
    return %c0_i32, %c0_i32_0 : i32, i32
  }
  func.func @transform_4(%arg0: i32) -> (i32, i32) {
    %c0_i32 = arith.constant 0 : i32
    %c0_i32_0 = arith.constant 0 : i32
    return %arg0, %c0_i32 : i32, i32
  }
  func.func @transform_5(%arg0: i32) -> (i32, i32) {
    %c0_i32 = arith.constant 0 : i32
    %c0_i32_0 = arith.constant 0 : i32
    return %arg0, %c0_i32 : i32, i32
  }
}

module attributes {stable_mosaic.version = 14 : i64} {
  func.func @_t2_body(%arg0: i32, %arg1: memref<4000x128xf32, #tpu.memory_space<vmem>>, %arg2: memref<4000x128xf32, #tpu.memory_space<vmem>>, %arg3: memref<4000x128xf32, #tpu.memory_space<vmem>>, %arg4: memref<128x256xbf16, #tpu.memory_space<vmem>>, %arg5: memref<1x128xf32, #tpu.memory_space<vmem>>, %arg6: memref<1x128xf32, #tpu.memory_space<vmem>>, %arg7: memref<256x128xbf16, #tpu.memory_space<vmem>>, %arg8: memref<1x128xf32, #tpu.memory_space<vmem>>, %arg9: memref<128x2xbf16, #tpu.memory_space<vmem>>, %arg10: memref<1x1xf32, #tpu.memory_space<vmem>>, %arg11: memref<1x1xf32, #tpu.memory_space<vmem>>, %arg12: memref<128x128xbf16, #tpu.memory_space<vmem>>, %arg13: memref<128x128xbf16, #tpu.memory_space<vmem>>, %arg14: memref<1x128xf32, #tpu.memory_space<vmem>>, %arg15: memref<1x128xf32, #tpu.memory_space<vmem>>, %arg16: memref<128x64xbf16, #tpu.memory_space<vmem>>, %arg17: memref<1x64xf32, #tpu.memory_space<vmem>>, %arg18: memref<64x128xbf16, #tpu.memory_space<vmem>>, %arg19: memref<1x128xf32, #tpu.memory_space<vmem>>, %arg20: memref<4000x128xf32, #tpu.memory_space<vmem>>, %arg21: memref<4000x1xf32, #tpu.memory_space<vmem>>) attributes {dimension_semantics = [#tpu.dimension_semantics<arbitrary>], iteration_bounds = array<i64: 80>, scalar_prefetch = 0 : i64, scratch_operands = 0 : i64, tpu.core_type = #tpu.core_type<tc>, window_params = [{transform_indices = @transform_0, window_bounds = array<i64: 4000, 128>}, {transform_indices = @transform_1, window_bounds = array<i64: 4000, 128>}, {transform_indices = @transform_2, window_bounds = array<i64: 4000, 128>}, {pipeline_mode = #tpu.pipeline_mode<synchronous>, transform_indices = @transform_3, window_bounds = array<i64: 128, 256>}, {pipeline_mode = #tpu.pipeline_mode<synchronous>, transform_indices = @transform_4, window_bounds = array<i64: 1, 128>}, {pipeline_mode = #tpu.pipeline_mode<synchronous>, transform_indices = @transform_5, window_bounds = array<i64: 1, 128>}, {pipeline_mode = #tpu.pipeline_mode<synchronous>, transform_indices = @transform_6, window_bounds = array<i64: 256, 128>}, {pipeline_mode = #tpu.pipeline_mode<synchronous>, transform_indices = @transform_7, window_bounds = array<i64: 1, 128>}, {pipeline_mode = #tpu.pipeline_mode<synchronous>, transform_indices = @transform_8, window_bounds = array<i64: 128, 2>}, {pipeline_mode = #tpu.pipeline_mode<synchronous>, transform_indices = @transform_9, window_bounds = array<i64: 1, 1>}, {pipeline_mode = #tpu.pipeline_mode<synchronous>, transform_indices = @transform_10, window_bounds = array<i64: 1, 1>}, {pipeline_mode = #tpu.pipeline_mode<synchronous>, transform_indices = @transform_11, window_bounds = array<i64: 128, 128>}, {pipeline_mode = #tpu.pipeline_mode<synchronous>, transform_indices = @transform_12, window_bounds = array<i64: 128, 128>}, {pipeline_mode = #tpu.pipeline_mode<synchronous>, transform_indices = @transform_13, window_bounds = array<i64: 1, 128>}, {pipeline_mode = #tpu.pipeline_mode<synchronous>, transform_indices = @transform_14, window_bounds = array<i64: 1, 128>}, {pipeline_mode = #tpu.pipeline_mode<synchronous>, transform_indices = @transform_15, window_bounds = array<i64: 128, 64>}, {pipeline_mode = #tpu.pipeline_mode<synchronous>, transform_indices = @transform_16, window_bounds = array<i64: 1, 64>}, {pipeline_mode = #tpu.pipeline_mode<synchronous>, transform_indices = @transform_17, window_bounds = array<i64: 64, 128>}, {pipeline_mode = #tpu.pipeline_mode<synchronous>, transform_indices = @transform_18, window_bounds = array<i64: 1, 128>}, {transform_indices = @transform_19, window_bounds = array<i64: 4000, 128>}, {transform_indices = @transform_20, window_bounds = array<i64: 4000, 1>}]} {
    %get3A = arith.constant 0 : index
    %get3A_0 = arith.constant 0 : index
    %get3A_1 = vector.load %arg1[%get3A, %get3A_0] : memref<4000x128xf32, #tpu.memory_space<vmem>>, vector<4000x128xf32>
    %get3A_2 = arith.constant 0 : index
    %get3A_3 = arith.constant 0 : index
    %get3A_4 = vector.load %arg2[%get3A_2, %get3A_3] : memref<4000x128xf32, #tpu.memory_space<vmem>>, vector<4000x128xf32>
    %convert_element_type3A = arith.truncf %get3A_1 : vector<4000x128xf32> to vector<4000x128xbf16>
    %convert_element_type3A_5 = arith.truncf %get3A_4 : vector<4000x128xf32> to vector<4000x128xbf16>
    %add3A = arith.addf %get3A_1, %get3A_4 : vector<4000x128xf32>
    %mul3A = arith.constant 5.000000e-01 : f32
    %mul3A_6 = vector.broadcast %mul3A : f32 to vector<4000x128xf32>
    %mul3A_7 = arith.mulf %add3A, %mul3A_6 : vector<4000x128xf32>
    %convert_element_type3A_8 = arith.truncf %mul3A_7 : vector<4000x128xf32> to vector<4000x128xbf16>
    %get3A_9 = arith.constant 0 : index
    %get3A_10 = arith.constant 0 : index
    %get3A_11 = vector.load %arg4[%get3A_9, %get3A_10] : memref<128x256xbf16, #tpu.memory_space<vmem>>, vector<128x256xbf16>
    %dot_general3A = arith.constant dense<0.000000e+00> : vector<4000x256xf32>
    %dot_general3A_12 = tpu.matmul %convert_element_type3A_8, %get3A_11, %dot_general3A {dimension_numbers = #tpu.dot_dimension_numbers<[1], [0], [0], [1], [0, 0, 1, 1], [], []>, transpose_lhs_hint = false} : vector<4000x128xbf16>, vector<128x256xbf16>, vector<4000x256xf32> -> vector<4000x256xf32>
    %slice3A = vector.extract_strided_slice %dot_general3A_12 {offsets = [0, 0], sizes = [4000, 128], strides = [1, 1]} : vector<4000x256xf32> to vector<4000x128xf32>
    %get3A_13 = arith.constant 0 : index
    %get3A_14 = arith.constant 0 : index
    %get3A_15 = vector.load %arg5[%get3A_13, %get3A_14] : memref<1x128xf32, #tpu.memory_space<vmem>>, vector<1x128xf32>
    %add3A_16 = vector.broadcast %get3A_15 : vector<1x128xf32> to vector<4000x128xf32>
    %add3A_17 = arith.addf %slice3A, %add3A_16 : vector<4000x128xf32>
    %max3A = arith.constant 0.000000e+00 : f32
    %max3A_18 = vector.broadcast %max3A : f32 to vector<4000x128xf32>
    %max3A_19 = arith.maximumf %add3A_17, %max3A_18 : vector<4000x128xf32>
    %slice3A_20 = vector.extract_strided_slice %dot_general3A_12 {offsets = [0, 128], sizes = [4000, 128], strides = [1, 1]} : vector<4000x256xf32> to vector<4000x128xf32>
    %get3A_21 = arith.constant 0 : index
    %get3A_22 = arith.constant 0 : index
    %get3A_23 = vector.load %arg3[%get3A_21, %get3A_22] : memref<4000x128xf32, #tpu.memory_space<vmem>>, vector<4000x128xf32>
    %add3A_24 = arith.addf %slice3A_20, %get3A_23 : vector<4000x128xf32>
    %get3A_25 = arith.constant 0 : index
    %get3A_26 = arith.constant 0 : index
    %get3A_27 = vector.load %arg6[%get3A_25, %get3A_26] : memref<1x128xf32, #tpu.memory_space<vmem>>, vector<1x128xf32>
    %add3A_28 = vector.broadcast %get3A_27 : vector<1x128xf32> to vector<4000x128xf32>
    %add3A_29 = arith.addf %add3A_24, %add3A_28 : vector<4000x128xf32>
    %max3A_30 = arith.constant 0.000000e+00 : f32
    %max3A_31 = vector.broadcast %max3A_30 : f32 to vector<4000x128xf32>
    %max3A_32 = arith.maximumf %add3A_29, %max3A_31 : vector<4000x128xf32>
    %concatenate3A = tpu.concatenate %max3A_19, %max3A_32 in 1 : vector<4000x128xf32>, vector<4000x128xf32> -> vector<4000x256xf32>
    %convert_element_type3A_33 = arith.truncf %concatenate3A : vector<4000x256xf32> to vector<4000x256xbf16>
    %get3A_34 = arith.constant 0 : index
    %get3A_35 = arith.constant 0 : index
    %get3A_36 = vector.load %arg7[%get3A_34, %get3A_35] : memref<256x128xbf16, #tpu.memory_space<vmem>>, vector<256x128xbf16>
    %dot_general3A_37 = arith.constant dense<0.000000e+00> : vector<4000x128xf32>
    %dot_general3A_38 = tpu.matmul %convert_element_type3A_33, %get3A_36, %dot_general3A_37 {dimension_numbers = #tpu.dot_dimension_numbers<[1], [0], [0], [1], [0, 0, 1, 1], [], []>, transpose_lhs_hint = false} : vector<4000x256xbf16>, vector<256x128xbf16>, vector<4000x128xf32> -> vector<4000x128xf32>
    %get3A_39 = arith.constant 0 : index
    %get3A_40 = arith.constant 0 : index
    %get3A_41 = vector.load %arg8[%get3A_39, %get3A_40] : memref<1x128xf32, #tpu.memory_space<vmem>>, vector<1x128xf32>
    %add3A_42 = vector.broadcast %get3A_41 : vector<1x128xf32> to vector<4000x128xf32>
    %add3A_43 = arith.addf %dot_general3A_38, %add3A_42 : vector<4000x128xf32>
    %max3A_44 = arith.constant 0.000000e+00 : f32
    %max3A_45 = vector.broadcast %max3A_44 : f32 to vector<4000x128xf32>
    %max3A_46 = arith.maximumf %add3A_43, %max3A_45 : vector<4000x128xf32>
    %convert_element_type3A_47 = arith.truncf %max3A_46 : vector<4000x128xf32> to vector<4000x128xbf16>
    %get3A_48 = arith.constant 0 : index
    %get3A_49 = arith.constant 0 : index
    %get3A_50 = vector.load %arg9[%get3A_48, %get3A_49] : memref<128x2xbf16, #tpu.memory_space<vmem>>, vector<128x2xbf16>
    %dot_general3A_51 = arith.constant dense<0.000000e+00> : vector<4000x2xf32>
    %dot_general3A_52 = tpu.matmul %convert_element_type3A_47, %get3A_50, %dot_general3A_51 {dimension_numbers = #tpu.dot_dimension_numbers<[1], [0], [0], [1], [0, 0, 1, 1], [], []>, transpose_lhs_hint = false} : vector<4000x128xbf16>, vector<128x2xbf16>, vector<4000x2xf32> -> vector<4000x2xf32>
    %slice3A_53 = vector.extract_strided_slice %dot_general3A_52 {offsets = [0, 0], sizes = [4000, 1], strides = [1, 1]} : vector<4000x2xf32> to vector<4000x1xf32>
    %get3A_54 = arith.constant 0 : index
    %get3A_55 = arith.constant 0 : index
    %get3A_56 = vector.load %arg10[%get3A_54, %get3A_55] : memref<1x1xf32, #tpu.memory_space<vmem>>, vector<1x1xf32>
    %add3A_57 = vector.broadcast %get3A_56 : vector<1x1xf32> to vector<4000x1xf32>
    %add3A_58 = arith.addf %slice3A_53, %add3A_57 : vector<4000x1xf32>
    %slice3A_59 = vector.extract_strided_slice %dot_general3A_52 {offsets = [0, 1], sizes = [4000, 1], strides = [1, 1]} : vector<4000x2xf32> to vector<4000x1xf32>
    %get3A_60 = arith.constant 0 : index
    %get3A_61 = arith.constant 0 : index
    %get3A_62 = vector.load %arg11[%get3A_60, %get3A_61] : memref<1x1xf32, #tpu.memory_space<vmem>>, vector<1x1xf32>
    %add3A_63 = vector.broadcast %get3A_62 : vector<1x1xf32> to vector<4000x1xf32>
    %add3A_64 = arith.addf %slice3A_59, %add3A_63 : vector<4000x1xf32>
    %exp3A = math.exp %add3A_58 : vector<4000x1xf32>
    %get3A_65 = arith.constant 0 : index
    %get3A_66 = arith.constant 0 : index
    %get3A_67 = vector.load %arg12[%get3A_65, %get3A_66] : memref<128x128xbf16, #tpu.memory_space<vmem>>, vector<128x128xbf16>
    %dot_general3A_68 = arith.constant dense<0.000000e+00> : vector<4000x128xf32>
    %dot_general3A_69 = tpu.matmul %convert_element_type3A, %get3A_67, %dot_general3A_68 {dimension_numbers = #tpu.dot_dimension_numbers<[1], [0], [0], [1], [0, 0, 1, 1], [], []>, transpose_lhs_hint = false} : vector<4000x128xbf16>, vector<128x128xbf16>, vector<4000x128xf32> -> vector<4000x128xf32>
    %get3A_70 = arith.constant 0 : index
    %get3A_71 = arith.constant 0 : index
    %get3A_72 = vector.load %arg13[%get3A_70, %get3A_71] : memref<128x128xbf16, #tpu.memory_space<vmem>>, vector<128x128xbf16>
    %dot_general3A_73 = arith.constant dense<0.000000e+00> : vector<4000x128xf32>
    %dot_general3A_74 = tpu.matmul %convert_element_type3A_5, %get3A_72, %dot_general3A_73 {dimension_numbers = #tpu.dot_dimension_numbers<[1], [0], [0], [1], [0, 0, 1, 1], [], []>, transpose_lhs_hint = false} : vector<4000x128xbf16>, vector<128x128xbf16>, vector<4000x128xf32> -> vector<4000x128xf32>
    %add3A_75 = arith.addf %dot_general3A_69, %dot_general3A_74 : vector<4000x128xf32>
    %get3A_76 = arith.constant 0 : index
    %get3A_77 = arith.constant 0 : index
    %get3A_78 = vector.load %arg14[%get3A_76, %get3A_77] : memref<1x128xf32, #tpu.memory_space<vmem>>, vector<1x128xf32>
    %mul3A_79 = vector.broadcast %add3A_64 : vector<4000x1xf32> to vector<4000x128xf32>
    %mul3A_80 = vector.broadcast %get3A_78 : vector<1x128xf32> to vector<4000x128xf32>
    %mul3A_81 = arith.mulf %mul3A_79, %mul3A_80 : vector<4000x128xf32>
    %add3A_82 = arith.addf %add3A_75, %mul3A_81 : vector<4000x128xf32>
    %get3A_83 = arith.constant 0 : index
    %get3A_84 = arith.constant 0 : index
    %get3A_85 = vector.load %arg15[%get3A_83, %get3A_84] : memref<1x128xf32, #tpu.memory_space<vmem>>, vector<1x128xf32>
    %add3A_86 = vector.broadcast %get3A_85 : vector<1x128xf32> to vector<4000x128xf32>
    %add3A_87 = arith.addf %add3A_82, %add3A_86 : vector<4000x128xf32>
    %max3A_88 = arith.constant 0.000000e+00 : f32
    %max3A_89 = vector.broadcast %max3A_88 : f32 to vector<4000x128xf32>
    %max3A_90 = arith.maximumf %add3A_87, %max3A_89 : vector<4000x128xf32>
    %convert_element_type3A_91 = arith.truncf %max3A_90 : vector<4000x128xf32> to vector<4000x128xbf16>
    %get3A_92 = arith.constant 0 : index
    %get3A_93 = arith.constant 0 : index
    %get3A_94 = vector.load %arg16[%get3A_92, %get3A_93] : memref<128x64xbf16, #tpu.memory_space<vmem>>, vector<128x64xbf16>
    %dot_general3A_95 = arith.constant dense<0.000000e+00> : vector<4000x64xf32>
    %dot_general3A_96 = tpu.matmul %convert_element_type3A_91, %get3A_94, %dot_general3A_95 {dimension_numbers = #tpu.dot_dimension_numbers<[1], [0], [0], [1], [0, 0, 1, 1], [], []>, transpose_lhs_hint = false} : vector<4000x128xbf16>, vector<128x64xbf16>, vector<4000x64xf32> -> vector<4000x64xf32>
    %get3A_97 = arith.constant 0 : index
    %get3A_98 = arith.constant 0 : index
    %get3A_99 = vector.load %arg17[%get3A_97, %get3A_98] : memref<1x64xf32, #tpu.memory_space<vmem>>, vector<1x64xf32>
    %add3A_100 = vector.broadcast %get3A_99 : vector<1x64xf32> to vector<4000x64xf32>
    %add3A_101 = arith.addf %dot_general3A_96, %add3A_100 : vector<4000x64xf32>
    %max3A_102 = arith.constant 0.000000e+00 : f32
    %max3A_103 = vector.broadcast %max3A_102 : f32 to vector<4000x64xf32>
    %max3A_104 = arith.maximumf %add3A_101, %max3A_103 : vector<4000x64xf32>
    %convert_element_type3A_105 = arith.truncf %max3A_104 : vector<4000x64xf32> to vector<4000x64xbf16>
    %get3A_106 = arith.constant 0 : index
    %get3A_107 = arith.constant 0 : index
    %get3A_108 = vector.load %arg18[%get3A_106, %get3A_107] : memref<64x128xbf16, #tpu.memory_space<vmem>>, vector<64x128xbf16>
    %dot_general3A_109 = arith.constant dense<0.000000e+00> : vector<4000x128xf32>
    %dot_general3A_110 = tpu.matmul %convert_element_type3A_105, %get3A_108, %dot_general3A_109 {dimension_numbers = #tpu.dot_dimension_numbers<[1], [0], [0], [1], [0, 0, 1, 1], [], []>, transpose_lhs_hint = false} : vector<4000x64xbf16>, vector<64x128xbf16>, vector<4000x128xf32> -> vector<4000x128xf32>
    %get3A_111 = arith.constant 0 : index
    %get3A_112 = arith.constant 0 : index
    %get3A_113 = vector.load %arg19[%get3A_111, %get3A_112] : memref<1x128xf32, #tpu.memory_space<vmem>>, vector<1x128xf32>
    %add3A_114 = vector.broadcast %get3A_113 : vector<1x128xf32> to vector<4000x128xf32>
    %add3A_115 = arith.addf %dot_general3A_110, %add3A_114 : vector<4000x128xf32>
    %mul3A_116 = vector.broadcast %exp3A : vector<4000x1xf32> to vector<4000x128xf32>
    %mul3A_117 = arith.mulf %mul3A_116, %add3A_115 : vector<4000x128xf32>
    %swap3A = arith.constant 0 : index
    %swap3A_118 = arith.constant 0 : index
    %swap3A_119 = vector.load %arg20[%swap3A, %swap3A_118] : memref<4000x128xf32, #tpu.memory_space<vmem>>, vector<4000x128xf32>
    tpu.vector_store %arg20[%swap3A, %swap3A_118], %mul3A_117 {strides = array<i32>} : memref<4000x128xf32, #tpu.memory_space<vmem>>, vector<4000x128xf32>,
    %swap3A_120 = arith.constant 0 : index
    %swap3A_121 = arith.constant 0 : index
    %swap3A_122 = vector.load %arg21[%swap3A_120, %swap3A_121] : memref<4000x1xf32, #tpu.memory_space<vmem>>, vector<4000x1xf32>
    tpu.vector_store %arg21[%swap3A_120, %swap3A_121], %exp3A {strides = array<i32>} : memref<4000x1xf32, #tpu.memory_space<vmem>>, vector<4000x1xf32>,
    return
  }
  func.func @transform_0(%arg0: i32) -> (i32, i32) {
    %c0_i32 = arith.constant 0 : i32
    %c0_i32_0 = arith.constant 0 : i32
    return %arg0, %c0_i32 : i32, i32
  }
  func.func @transform_1(%arg0: i32) -> (i32, i32) {
    %c0_i32 = arith.constant 0 : i32
    %c0_i32_0 = arith.constant 0 : i32
    return %arg0, %c0_i32 : i32, i32
  }
  func.func @transform_2(%arg0: i32) -> (i32, i32) {
    %c0_i32 = arith.constant 0 : i32
    %c0_i32_0 = arith.constant 0 : i32
    return %arg0, %c0_i32 : i32, i32
  }
  func.func @transform_3(%arg0: i32) -> (i32, i32) {
    %c0_i32 = arith.constant 0 : i32
    %c0_i32_0 = arith.constant 0 : i32
    %c0_i32_1 = arith.constant 0 : i32
    return %c0_i32, %c0_i32_0 : i32, i32
  }
  func.func @transform_4(%arg0: i32) -> (i32, i32) {
    %c0_i32 = arith.constant 0 : i32
    %c0_i32_0 = arith.constant 0 : i32
    %c0_i32_1 = arith.constant 0 : i32
    return %c0_i32, %c0_i32_0 : i32, i32
  }
  func.func @transform_5(%arg0: i32) -> (i32, i32) {
    %c0_i32 = arith.constant 0 : i32
    %c0_i32_0 = arith.constant 0 : i32
    %c0_i32_1 = arith.constant 0 : i32
    return %c0_i32, %c0_i32_0 : i32, i32
  }
  func.func @transform_6(%arg0: i32) -> (i32, i32) {
    %c0_i32 = arith.constant 0 : i32
    %c0_i32_0 = arith.constant 0 : i32
    %c0_i32_1 = arith.constant 0 : i32
    return %c0_i32, %c0_i32_0 : i32, i32
  }
  func.func @transform_7(%arg0: i32) -> (i32, i32) {
    %c0_i32 = arith.constant 0 : i32
    %c0_i32_0 = arith.constant 0 : i32
    %c0_i32_1 = arith.constant 0 : i32
    return %c0_i32, %c0_i32_0 : i32, i32
  }
  func.func @transform_8(%arg0: i32) -> (i32, i32) {
    %c0_i32 = arith.constant 0 : i32
    %c0_i32_0 = arith.constant 0 : i32
    %c0_i32_1 = arith.constant 0 : i32
    return %c0_i32, %c0_i32_0 : i32, i32
  }
  func.func @transform_9(%arg0: i32) -> (i32, i32) {
    %c0_i32 = arith.constant 0 : i32
    %c0_i32_0 = arith.constant 0 : i32
    %c0_i32_1 = arith.constant 0 : i32
    return %c0_i32, %c0_i32_0 : i32, i32
  }
  func.func @transform_10(%arg0: i32) -> (i32, i32) {
    %c0_i32 = arith.constant 0 : i32
    %c0_i32_0 = arith.constant 0 : i32
    %c0_i32_1 = arith.constant 0 : i32
    return %c0_i32, %c0_i32_0 : i32, i32
  }
  func.func @transform_11(%arg0: i32) -> (i32, i32) {
    %c0_i32 = arith.constant 0 : i32
    %c0_i32_0 = arith.constant 0 : i32
    %c0_i32_1 = arith.constant 0 : i32
    return %c0_i32, %c0_i32_0 : i32, i32
  }
  func.func @transform_12(%arg0: i32) -> (i32, i32) {
    %c0_i32 = arith.constant 0 : i32
    %c0_i32_0 = arith.constant 0 : i32
    %c0_i32_1 = arith.constant 0 : i32
    return %c0_i32, %c0_i32_0 : i32, i32
  }
  func.func @transform_13(%arg0: i32) -> (i32, i32) {
    %c0_i32 = arith.constant 0 : i32
    %c0_i32_0 = arith.constant 0 : i32
    %c0_i32_1 = arith.constant 0 : i32
    return %c0_i32, %c0_i32_0 : i32, i32
  }
  func.func @transform_14(%arg0: i32) -> (i32, i32) {
    %c0_i32 = arith.constant 0 : i32
    %c0_i32_0 = arith.constant 0 : i32
    %c0_i32_1 = arith.constant 0 : i32
    return %c0_i32, %c0_i32_0 : i32, i32
  }
  func.func @transform_15(%arg0: i32) -> (i32, i32) {
    %c0_i32 = arith.constant 0 : i32
    %c0_i32_0 = arith.constant 0 : i32
    %c0_i32_1 = arith.constant 0 : i32
    return %c0_i32, %c0_i32_0 : i32, i32
  }
  func.func @transform_16(%arg0: i32) -> (i32, i32) {
    %c0_i32 = arith.constant 0 : i32
    %c0_i32_0 = arith.constant 0 : i32
    %c0_i32_1 = arith.constant 0 : i32
    return %c0_i32, %c0_i32_0 : i32, i32
  }
  func.func @transform_17(%arg0: i32) -> (i32, i32) {
    %c0_i32 = arith.constant 0 : i32
    %c0_i32_0 = arith.constant 0 : i32
    %c0_i32_1 = arith.constant 0 : i32
    return %c0_i32, %c0_i32_0 : i32, i32
  }
  func.func @transform_18(%arg0: i32) -> (i32, i32) {
    %c0_i32 = arith.constant 0 : i32
    %c0_i32_0 = arith.constant 0 : i32
    %c0_i32_1 = arith.constant 0 : i32
    return %c0_i32, %c0_i32_0 : i32, i32
  }
  func.func @transform_19(%arg0: i32) -> (i32, i32) {
    %c0_i32 = arith.constant 0 : i32
    %c0_i32_0 = arith.constant 0 : i32
    return %arg0, %c0_i32 : i32, i32
  }
  func.func @transform_20(%arg0: i32) -> (i32, i32) {
    %c0_i32 = arith.constant 0 : i32
    %c0_i32_0 = arith.constant 0 : i32
    return %arg0, %c0_i32 : i32, i32
  }
}

module attributes {stable_mosaic.version = 14 : i64} {
  func.func @_t3_body(%arg0: i32, %arg1: memref<1000x128xf32, #tpu.memory_space<vmem>>, %arg2: memref<2x1000x128xf32, #tpu.memory_space<vmem>>, %arg3: memref<1000x32xf32, #tpu.memory_space<vmem>>, %arg4: memref<1000x1xf32, #tpu.memory_space<vmem>>, %arg5: memref<1000x128xf32, #tpu.memory_space<vmem>>) attributes {dimension_semantics = [#tpu.dimension_semantics<arbitrary>], iteration_bounds = array<i64: 10>, scalar_prefetch = 0 : i64, scratch_operands = 0 : i64, tpu.core_type = #tpu.core_type<tc>, window_params = [{transform_indices = @transform_0, window_bounds = array<i64: 1000, 128>}, {transform_indices = @transform_1, window_bounds = array<i64: 2, 1000, 128>}, {transform_indices = @transform_2, window_bounds = array<i64: 1000, 32>}, {transform_indices = @transform_3, window_bounds = array<i64: 1000, 1>}, {transform_indices = @transform_4, window_bounds = array<i64: 1000, 128>}]} {
    %get3A = arith.constant 0 : index
    %get3A_0 = arith.constant 0 : index
    %get3A_1 = vector.load %arg3[%get3A, %get3A_0] : memref<1000x32xf32, #tpu.memory_space<vmem>>, vector<1000x32xf32>
    %reduce_sum3A = arith.constant dense<0.000000e+00> : vector<1000xf32>
    %reduce_sum3A_2 = vector.multi_reduction <add>, %get3A_1, %reduce_sum3A [1] : vector<1000x32xf32> to vector<1000xf32>
    %broadcast_in_dim3A = vector.shape_cast %reduce_sum3A_2 : vector<1000xf32> to vector<1000x1xf32>
    %get3A_3 = arith.constant 0 : index
    %get3A_4 = arith.constant 0 : index
    %get3A_5 = vector.load %arg4[%get3A_3, %get3A_4] : memref<1000x1xf32, #tpu.memory_space<vmem>>, vector<1000x1xf32>
    %max3A = arith.constant 1.000000e+00 : f32
    %max3A_6 = vector.broadcast %max3A : f32 to vector<1000x1xf32>
    %max3A_7 = arith.maximumf %get3A_5, %max3A_6 : vector<1000x1xf32>
    %get3A_8 = arith.constant 0 : index
    %get3A_9 = arith.constant 0 : index
    %get3A_10 = arith.constant 0 : index
    %get3A_11 = vector.load %arg2[%get3A_8, %get3A_9, %get3A_10] : memref<2x1000x128xf32, #tpu.memory_space<vmem>>, vector<1x1000x128xf32>
    %get3A_12 = vector.shape_cast %get3A_11 : vector<1x1000x128xf32> to vector<1000x128xf32>
    %get3A_13 = arith.constant 1 : index
    %get3A_14 = arith.constant 0 : index
    %get3A_15 = arith.constant 0 : index
    %get3A_16 = vector.load %arg2[%get3A_13, %get3A_14, %get3A_15] : memref<2x1000x128xf32, #tpu.memory_space<vmem>>, vector<1x1000x128xf32>
    %get3A_17 = vector.shape_cast %get3A_16 : vector<1x1000x128xf32> to vector<1000x128xf32>
    %add3A = arith.addf %get3A_12, %get3A_17 : vector<1000x128xf32>
    %add3A_18 = arith.constant 9.99999971E-10 : f32
    %add3A_19 = vector.broadcast %add3A_18 : f32 to vector<1000x1xf32>
    %add3A_20 = arith.addf %broadcast_in_dim3A, %add3A_19 : vector<1000x1xf32>
    %mul3A = arith.mulf %add3A_20, %max3A_7 : vector<1000x1xf32>
    %div3A = vector.broadcast %mul3A : vector<1000x1xf32> to vector<1000x128xf32>
    %div3A_21 = arith.divf %add3A, %div3A : vector<1000x128xf32>
    %get3A_22 = arith.constant 0 : index
    %get3A_23 = arith.constant 0 : index
    %get3A_24 = vector.load %arg1[%get3A_22, %get3A_23] : memref<1000x128xf32, #tpu.memory_space<vmem>>, vector<1000x128xf32>
    %add3A_25 = arith.addf %get3A_24, %div3A_21 : vector<1000x128xf32>
    %max3A_26 = arith.constant 0.000000e+00 : f32
    %max3A_27 = vector.broadcast %max3A_26 : f32 to vector<1000x128xf32>
    %max3A_28 = arith.maximumf %add3A_25, %max3A_27 : vector<1000x128xf32>
    %swap3A = arith.constant 0 : index
    %swap3A_29 = arith.constant 0 : index
    %swap3A_30 = vector.load %arg5[%swap3A, %swap3A_29] : memref<1000x128xf32, #tpu.memory_space<vmem>>, vector<1000x128xf32>
    tpu.vector_store %arg5[%swap3A, %swap3A_29], %max3A_28 {strides = array<i32>} : memref<1000x128xf32, #tpu.memory_space<vmem>>, vector<1000x128xf32>,
    return
  }
  func.func @transform_0(%arg0: i32) -> (i32, i32) {
    %c0_i32 = arith.constant 0 : i32
    %c0_i32_0 = arith.constant 0 : i32
    return %arg0, %c0_i32 : i32, i32
  }
  func.func @transform_1(%arg0: i32) -> (i32, i32, i32) {
    %c0_i32 = arith.constant 0 : i32
    %c0_i32_0 = arith.constant 0 : i32
    %c0_i32_1 = arith.constant 0 : i32
    return %c0_i32, %arg0, %c0_i32_0 : i32, i32, i32
  }
  func.func @transform_2(%arg0: i32) -> (i32, i32) {
    %c0_i32 = arith.constant 0 : i32
    %c0_i32_0 = arith.constant 0 : i32
    return %arg0, %c0_i32 : i32, i32
  }
  func.func @transform_3(%arg0: i32) -> (i32, i32) {
    %c0_i32 = arith.constant 0 : i32
    %c0_i32_0 = arith.constant 0 : i32
    return %arg0, %c0_i32 : i32, i32
  }
  func.func @transform_4(%arg0: i32) -> (i32, i32) {
    %c0_i32 = arith.constant 0 : i32
    %c0_i32_0 = arith.constant 0 : i32
    return %arg0, %c0_i32 : i32, i32
  }
}

</mosaic_0001>

<sc_bundles>
// kernel: kernel.11.cloned.1.call-start
scs
__scs_entry_jumppad:
0x0: {  	(pc) =	sbr.rel $0x88, $3  }
0x1: {  	(tag) =	ssettag $0x0;
	lr =	simm.s32 $0x1  }
0x2: {  	[smem:$0x3F8D] =	sst lr;
	_ =	strace $0xD0000000  }
0x3: {  	_ = 	snop  }
0x4: {  	_ = 	snop  }
0x5: {  	_ = 	snop  }
0x6: {  	_ = 	snop  }
0x7: {  	_ = 	snop  }
__scs_overlays_trampoline_lowered:
0x8: {  	[smem:$0x3F9C] =	sst s0  }
0x9: {  	[smem:$0x3F9D] =	sst s1  }
0xa: {  	[smem:$0x3F9E] =	sst s2  }
0xb: {  	[smem:$0x3F9F] =	sst s3  }
0xc: {  	[smem:$0x3FA0] =	sst s4  }
0xd: {  	[smem:$0x3FA1] =	sst s5  }
0xe: {  	[smem:$0x3FA2] =	sst s6  }
0xf: {  	[smem:$0x3FA3] =	sst s7  }
0x10: {  	[smem:$0x3FA4] =	sst s8  }
0x11: {  	[smem:$0x3FA5] =	sst s9;
	s0 =	simm.s32 @!p0 $0x0  }
0x12: {  	s1 =	sld [smem:$0x3F8B];
	s0 =	simm.s32 @p0 $0x1  }
0x13: {  	[smem:$0x3FA6] =	sst s0;
	s0 =	simm.s32 @!p1 $0x0  }
0x14: {  	s2 =	sld [smem:$0x3F8A];
	s0 =	simm.s32 @p1 $0x1  }
0x15: {  	[smem:$0x3FA7] =	sst s0;
	s0 =	simm.s32 @!p2 $0x0  }
0x16: {  	s3 =	sld [smem:$0x3FDB];
	s0 =	simm.s32 @p2 $0x1  }
0x17: {  	s4 =	simm.s32 $0x1BF5;
	[smem:$0x3FA9] =	sst s0  }
0x18: {  	s0 =	sld [smem:$0x3F8C];
	_ =	swait.ge [sflag:s4], $0x0  }
0x19: {  	s7 =	sld [smem:$0x3F8D]  }
0x1a: {  	s8 =	sadd.s32 $0xFFFFE003, lr  }
0x1b: {  	s9 =	sadd.s32 $0xFFFFFEF7, lr;
	s5 =	simm.s32 $0xFFFFFFFF;
	p2 =	slt.u32 s8, $0xFFFFF086  }
0x1c: {  	p1 =	slt.u32 s9, $0xF7A;
	s5 =	simm.s32 @!p2 $0x0  }
0x1d: {  	s5 =	simm.s32 @p1 $0x1;
	p0 =	seq.s32 s7, s2  }
0x1e: {  	s7 =	smul.u32 @!p0 $0xF7A, s2;
	p2 =	seq.s32 @!p0 s5, $0x0  }
0x1f: {  	s9 =	smul.u32 $0xF7A, s1;
	s8 =	simm.s32 @!p0 $0x1BF5;
	p2 =	por !p2, p0  }
0x20: {  	[sflag:s8] =	ssyncset.s32 @!p0 $0xFFFFF086;
	s6 =	sadd.s32 @!p0 s3, s7;
	s7 =	simm.s32 @!p0 $0x108  }
0x21: {  	s3 =	sadd.s32 s3, s9;
	s6 =	sadd.s32 @!p0 $0x88, s6;
	s7 =	simm.s32 @p2 $0x1082  }
0x22: {  	[simem:s7], [sflag:s8] =	dma.local @!p0 [hbm:s6], $0xF7A  }
0x23: {  	s9 =	sor.u32 $0xD0000000, s2;
	s6 =	simm.s32 $0x108;
	_ =	swait.ge @!p0 [sflag:s8], $0x0  }
0x24: {  	s3 =	sadd.s32 $0x88, s3;
	s6 =	simm.s32 @!p1 $0x1082;
	[sflag:s4] =	ssyncset.s32 $0xFFFFF086  }
0x25: {  	[simem:s6], [sflag:s4] =	dma.local [hbm:s3], $0xF7A  }
0x26: {  	[smem:$0x3F8D] =	sst s1;
	(tag) =	ssettag s2;
	_ =	strace s9  }
0x27: {  	s1 =	sld [smem:$0x3F9D]  }
0x28: {  	s2 =	sld [smem:$0x3F9E]  }
0x29: {  	s4 =	sld [smem:$0x3FA0]  }
0x2a: {  	p0 =	seq.s32 s5, $0x0;
	s5 =	sld [smem:$0x3FA1]  }
0x2b: {  	s6 =	sld [smem:$0x3FA2]  }
0x2c: {  	s7 =	sld [smem:$0x3FA3]  }
0x2d: {  	s3 =	simm.s32 $0x108;
	s8 =	sld [smem:$0x3FA4]  }
0x2e: {  	s3 =	simm.s32 @!p0 $0x1082;
	s9 =	sld [smem:$0x3FA5]  }
0x2f: {  	lr =	sadd.s32 s0, s3;
	s0 =	sld [smem:$0x3F9C]  }
0x30: {  	s3 =	sld [smem:$0x3F9F]  }
0x31: {  	[smem:$0x3FA8] =	sst s10  }
0x32: {  	s10 =	sld [smem:$0x3FA6];
	_ =	sdelay $0x3  }
0x33: {  	p0 =	seq.s32 s10, $0x1;
	s10 =	sld [smem:$0x3FA8];
	_ =	sdelay $0x3  }
0x34: {  	[smem:$0x3FA8] =	sst s10  }
0x35: {  	s10 =	sld [smem:$0x3FA7];
	_ =	sdelay $0x3  }
0x36: {  	p1 =	seq.s32 s10, $0x1;
	s10 =	sld [smem:$0x3FA8];
	_ =	sdelay $0x3  }
0x37: {  	[smem:$0x3FA8] =	sst s10  }
0x38: {  	s10 =	sld [smem:$0x3FA9]  }
0x39: {  	_ = 	snop;
	(pc) =	sbr.ind lr, $3  }
0x3a: {  	_ = 	snop  }
0x3b: {  	_ = 	snop  }
0x3c: {  	p2 =	seq.s32 s10, $0x1;
	s10 =	sld [smem:$0x3FA8]  }
0x3d: {  	_ =	shalt  }
0x3e: {  	_ =	shalt  }
0x3f: {  	_ =	shalt  }
0x40: {  	_ =	shalt  }
0x41: {  	_ =	shalt  }
0x42: {  	_ =	shalt  }
0x43: {  	_ =	shalt  }
0x44: {  	_ =	shalt  }
0x45: {  	_ =	shalt  }
0x46: {  	_ =	shalt  }
0x47: {  	_ =	shalt  }
0x48: {  	_ =	shalt  }
0x49: {  	_ =	shalt  }
0x4a: {  	_ =	shalt  }
0x4b: {  	_ =	shalt  }
0x4c: {  	_ =	shalt  }
0x4d: {  	_ =	shalt  }
0x4e: {  	_ =	shalt  }
0x4f: {  	_ =	shalt  }
0x50: {  	_ =	shalt  }
0x51: {  	_ =	shalt  }
0x52: {  	_ =	shalt  }
0x53: {  	_ =	shalt  }
0x54: {  	_ =	shalt  }
0x55: {  	_ =	shalt  }
0x56: {  	_ =	shalt  }
0x57: {  	_ =	shalt  }
0x58: {  	_ =	shalt  }
0x59: {  	_ =	shalt  }
0x5a: {  	_ =	shalt  }
0x5b: {  	_ =	shalt  }
0x5c: {  	_ =	shalt  }
0x5d: {  	_ =	shalt  }
0x5e: {  	_ =	shalt  }
0x5f: {  	_ =	shalt  }
0x60: {  	_ =	shalt  }
0x61: {  	_ =	shalt  }
0x62: {  	_ =	shalt  }
0x63: {  	_ =	shalt  }
0x64: {  	_ =	shalt  }
0x65: {  	_ =	shalt  }
0x66: {  	_ =	shalt  }
0x67: {  	_ =	shalt  }
0x68: {  	_ =	shalt  }
0x69: {  	_ =	shalt  }
0x6a: {  	_ =	shalt  }
0x6b: {  	_ =	shalt  }
0x6c: {  	_ =	shalt  }
0x6d: {  	_ =	shalt  }
0x6e: {  	_ =	shalt  }
0x6f: {  	_ =	shalt  }
0x70: {  	_ =	shalt  }
0x71: {  	_ =	shalt  }
0x72: {  	_ =	shalt  }
0x73: {  	_ =	shalt  }
0x74: {  	_ =	shalt  }
0x75: {  	_ =	shalt  }
0x76: {  	_ =	shalt  }
0x77: {  	_ =	shalt  }
0x78: {  	_ =	shalt  }
0x79: {  	_ =	shalt  }
0x7a: {  	_ =	shalt  }
0x7b: {  	_ =	shalt  }
0x7c: {  	_ =	shalt  }
0x7d: {  	_ =	shalt  }
0x7e: {  	_ =	shalt  }
0x7f: {  	_ =	shalt  }
0x80: {  	_ =	shalt  }
0x81: {  	_ =	shalt  }
0x82: {  	_ =	shalt  }
0x83: {  	_ =	shalt  }
0x84: {  	_ =	shalt  }
0x85: {  	_ =	shalt  }
0x86: {  	_ =	shalt  }
0x87: {  	_ =	shalt  }
.Lfunc_end0:
.L_simem_size_0:
called_computation.1_lowered:
.L_overlay_start_0:
0x88: {  	s2 =	sld [smem:$0x3FD9]  }
0x89: {  	s3 =	sld [smem:$0x3FFE];
	_ =	sdelay $0x1  }
0x8a: {  	s1 =	srdreg.scid  }
0x8b: {  	s0 =	sand.u32 $0x1, s1  }
0x8c: {  	s17 =	sshll.u32 s0, $0xA;
	s2 =	sadd.s32 s3, s2  }
0x8d: {  	s2 =	sadd.s32 s2, s17  }
0x8e: {  	[smem:$0x3FB4] =	sst s2  }
0x8f: {  	_ = 	snop  }
0x90: {  	s2 =	sld [smem:$0x3FC9];
	(tm) =	ssettm $0x1  }
0x91: {  	s18 =	sld [smem:$0x3FFB];
	_ =	sdelay $0x3  }
0x92: {  	_ =	strace s18  }
0x93: {  	s3 =	sld [smem:$0x3FFC];
	_ =	sdelay $0x3  }
0x94: {  	_ =	strace s3  }
0x95: {  	s3 =	sld [smem:$0x3FFD];
	_ =	sdelay $0x3  }
0x96: {  	_ =	strace s3  }
0x97: {  	_ =	strace $0x8FFFFFFF  }
0x98: {  	s19 =	sld [smem:$0x3FDB];
	_ =	sdelay $0x1  }
0x99: {  	s4 =	simm.s32 $_scs_section_size  }
0x9a: {  	s5 =	simm.s32 $_size__tile_overlayer_lowered;
	s6 =	simm.s32 $_tile_overlayer_lowered  }
0x9b: {  	s22 =	simm.s32 $0x1BFF;
	s21 =	sshll.u32 s6, $0x1;
	s3 =	sadd.s32 s4, s19  }
0x9c: {  	s7 =	simm.s32 $0x0;
	s20 =	sshll.u32 s5, $0x1;
	s5 =	sadd.s32 s21, s3  }
0x9d: {  	[timem:s7], [sflag:s22] =	dma.local [hbm:s5], s20  }
0x9e: {  	_ =	swait.ge [sflag:s22], s20  }
0x9f: {  	s4 =	ssub.s32 $0x0, s20;
	[sflag:s22] =	ssyncset.done $0x0  }
0xa0: {  	[sflag:s22] =	ssyncadd.s32 s4;
	_ =	sdelay $0x1  }
0xa1: {  	s23 =	simm.s32 $0x1B8B  }
0xa2: {  	_ =	swait.ge [sflag:s23], $0x1  }
0xa3: {  	[sflag:s23] =	ssyncset.done $0x0  }
0xa4: {  	s25 =	simm.s32 $0x1B8E;
	s24 =	sld [smem:$0x3FFE];
	[sflag:s23] =	ssyncadd.s32 $0xFFFFFFFF  }
0xa5: {  	s26 =	simm.s32 $execute0_lowered;
	[smem:$0x3FD2] =	sst s25  }
0xa6: {  	s5 =	sshll.u32 s26, $0x1;
	_ =	strace $0x80000049;
	[dreg:$0x1] =	wrdreg $0xFFFFFFFF  }
0xa7: {  	s28 =	simm.s32 $_size_execute0_lowered;
	s3 =	sadd.s32 s3, s5;
	[dreg:$0x0] =	wrdreg $0x0  }
0xa8: {  	s5 =	sshll.u32 s28, $0x1;
	[dreg:$0x2] =	wrdreg s3  }
0xa9: {  	[dreg:$0x3] =	wrdreg s5  }
0xaa: {  	[dreg:$0x4] =	wrdreg $0xC0  }
0xab: {  	_ =	task [dreg:s7], $0x5FFFF  }
0xac: {  	[dreg:$0x1] =	wrdreg $0xFFFFFFFF  }
0xad: {  	[dreg:$0x0] =	wrdreg $0x60  }
0xae: {  	[dreg:$0x2] =	wrdreg s2  }
0xaf: {  	[dreg:$0x3] =	wrdreg s24  }
0xb0: {  	[dreg:$0x4] =	wrdreg $0x9  }
0xb1: {  	_ =	task.clear_ibuf [dreg:s7], $0x5FFFF;
	_ =	strace $0x90000049  }
0xb2: {  	s29 =	simm.s32 $0x9;
	_ =	strace $0x8000004B  }
0xb3: {  	_ =	swait.ge [sflag:s29], $0x1  }
0xb4: {  	[sflag:s29] =	ssyncadd.s32 $0xFFFFFFFF  }
0xb5: {  	_ =	strace $0x9000004B  }
0xb6: {  	_ =	sfence  }
0xb7: {  	s30 =	sld [smem:$0x0];
	_ =	sdelay $0x2  }
0xb8: {  	s31 =	sshll.u32 s1, $0xD;
	s1 =	sshrl.u32 s1, $0x2  }
0xb9: {  	s3 =	sand.u32 $0x4000, s31;
	s1 =	sadd.s32 s1, s30  }
0xba: {  	s0 =	sor.u32 s3, s0;
	s1 =	sshll.u32 s1, $0x11  }
0xbb: {  	s0 =	sor.u32 s1, s0  }
0xbc: {  	s0 =	sadd.s32 $0x8F2B, s0  }
0xbd: {  	[sflag:s0] =	ssyncadd.remote.s32 $0x1  }
0xbe: {  	_ =	sfence.sel $0xFFFF  }
0xbf: {  	[dreg:$0x0] =	wrdreg $0xFFFFFFFF;
	(pc) =	sbr.abs _section_cstart, $3  }
0xc0: {  	[dreg:$0x1] =	wrdreg $0xFFFFFFFF  }
0xc1: {  	_ =	task.clear_ibuf [dreg:s7], $0x2FFFF;
	_ =	strace $0x9FFFFFFF  }
0xc2: {  	(tm) =	ssettm $0x7FFFFFFF  }
0xc3: {  	_ =	shalt  }
tec
execute0_lowered:
.L_overlay_start_1:
0x0: {  	(tag) =	ssettag $0x1  }
0x1: {  	s1 =	rddreg [dreg:$0x0]  }
0x2: {  	s5 =	rddreg [dreg:$0x1]  }
0x3: {  	s2 =	simm.s32 $0x0;
	s0 =	stileid.u32;
	s6 =	srdreg.scid  }
0x4: {  	s14 =	simm.s32 $0x80;
	s16 =	simm.s32 $0x8100;
	s17 =	simm.s32 $0x4100  }
0x5: {  	s18 =	simm.s32 $0xC100;
	s19 =	simm.s32 $0x0;
	[smem:$0x7FF] =	sst s2  }
0x6: {  	s4 =	sadd.s32 $0x18E00, s5;
	s7 =	sadd.s32 $0xEA00, s5;
	s8 =	sshll.u32 s0, $0xC  }
0x7: {  	s10 =	sand.u32 $0x1, s6;
	s29 =	sshll.u32 s0, $0x1;
	s11 =	sshll.u32 s0, $0x5  }
0x8: {  	_ =	strace $0x8000004A;
	s12 =	sadd.s32 s8, s5;
	s30 =	ssub.s32 $0x2, s10  }
0x9: {  	s5 =	sor.u32 s10, s29;
	s11 =	sadd.s32 s11, s7;
	s13 =	sshll.u32 s10, $0x4  }
0xa: {  	s10 =	sshll.u32 s10, $0xB;
	s9 =	sshrl.u32 s30, $0x1;
	s6 =	sshll.u32 s5, $0x4  }
0xb: {  	s31 =	sadd.s32 s13, s11;
	s11 =	sadd.s32 $0xA34E00, s12;
	s12 =	sadd.s32 $0x552E00, s12  }
0xc: {  	s13 =	simm.s32 $0x5;
	s6 =	sadd.s32 s7, s6;
	s8 =	ssub.s32 s30, s9  }
0xd: {  	s9 =	sadd.s32 $0x600, s31;
	s7 =	sadd.s32 $0x200, s6;
	s8 =	smax.u32 s8, $0x1  }
.LBB2_1:
0xe: {  	[tilespmem:s2], [sflag:$0x5] =	stream.linear.gather [hbm4b:s6+s2], $0x80, $0x38;
	[tilespmem:$0x10100] =	vst v63  }
0xf: {  	_ =	swait.ge [sflag:s13], $0x80  }
0x10: {  	[sflag:s13] =	ssyncset.done $0x0  }
0x11: {  	s0 =	simm.s32 $0x100;
	[sflag:s13] =	ssyncadd.s32 $0xFFFFFF80  }
0x12: {  	[tilespmem:s0], [sflag:$0x1] =	stream.indirect.gather [hbm4b:s1+s14], $0x80, s2, s14, $0xb8;
	[tilespmem:$0x10100] =	vst v63  }
0x13: {  	_ = 	snop  }
0x14: {  	[tilespmem:s16], [sflag:$0x3] =	stream.indirect.gather [hbm4b:s4+s14], $0x80, s2, s14, $0xb8;
	[tilespmem:$0x10100] =	vst v63  }
0x15: {  	_ = 	snop  }
0x16: {  	[tilespmem:s14], [sflag:$0x5] =	stream.linear.gather [hbm4b:s7+s2], $0x80, $0x38;
	[tilespmem:$0x10100] =	vst v63  }
0x17: {  	_ =	swait.ge [sflag:s13], $0x80  }
0x18: {  	s20 =	sadd.s32 $0x0, s5;
	[sflag:s13] =	ssyncset.done $0x0  }
0x19: {  	p0 =	sgt.u32 s20, $0x9C3;
	[sflag:s13] =	ssyncadd.s32 $0xFFFFFF80  }
0x1a: {  	[tilespmem:s17], [sflag:$0x2] =	stream.indirect.gather [hbm4b:s1+s14], $0x80, s14, s14, $0xb8;
	[tilespmem:$0x10100] =	vst v63  }
0x1b: {  	s21 =	simm.s32 @!p0 $0x1  }
0x1c: {  	[tilespmem:s18], [sflag:$0x4] =	stream.indirect.gather [hbm4b:s4+s14], $0x80, s14, s14, $0xb8;
	[tilespmem:$0x10100] =	vst v63  }
0x1d: {  	_ =	swait.ge @!p0 [sflag:s21], $0x4000  }
0x1e: {  	[sflag:s21] =	ssyncset.done @!p0 $0x0  }
0x1f: {  	s22 =	simm.s32 @!p0 $0x3;
	[sflag:s21] =	ssyncadd.s32 @!p0 $0xFFFFC000  }
0x20: {  	_ =	swait.ge @!p0 [sflag:s22], $0x4000  }
0x21: {  	s23 =	simm.s32 @!p0 $0x5;
	s24 =	sadd.s32 @!p0 s12, s10;
	[sflag:s22] =	ssyncset.done @!p0 $0x0  }
0x22: {  	s25 =	simm.s32 @!p0 $0x0;
	s21 =	simm.s32 @!p0 $0x100;
	[sflag:s22] =	ssyncadd.s32 @!p0 $0xFFFFC000  }
0x23: {  	[hbm4b:s24+s25] =	stream.linear.scatter @!p0 [tilespmem:s21], [sflag:$0x5], $0x4000, $0x38;
	[tilespmem:$0x10100] =	vst v63  }
0x24: {  	_ =	swait.ge @!p0 [sflag:s23], $0x4000  }
0x25: {  	s28 =	sadd.s32 $0x40, s20;
	[sflag:s23] =	ssyncset.done @!p0 $0x0  }
0x26: {  	s22 =	simm.s32 @!p0 $0x8100;
	s21 =	sadd.s32 @!p0 s11, s10;
	[sflag:s23] =	ssyncadd.s32 @!p0 $0xFFFFC000  }
0x27: {  	[hbm4b:s21+s25] =	stream.linear.scatter @!p0 [tilespmem:s22], [sflag:$0x5], $0x4000, $0x38;
	[tilespmem:$0x10100] =	vst v63  }
0x28: {  	p1 =	sgt.u32 s28, $0x9C3;
	_ =	swait.ge @!p0 [sflag:s23], $0x4000  }
0x29: {  	s21 =	sadd.s32 @!p1 $0xFFFFFE00, s9;
	[sflag:s23] =	ssyncset.done @!p0 $0x0  }
0x2a: {  	s22 =	simm.s32 @!p1 $0x0;
	[sflag:s23] =	ssyncadd.s32 @!p0 $0xFFFFC000;
	s23 =	simm.s32 @!p1 $0x5  }
0x2b: {  	[tilespmem:s22], [sflag:$0x5] =	stream.linear.gather @!p1 [hbm4b:s21+s22], $0x80, $0x38;
	[tilespmem:$0x10100] =	vst v63  }
0x2c: {  	_ =	swait.ge @!p1 [sflag:s23], $0x80  }
0x2d: {  	s29 =	sadd.s32 $0x20, s20;
	s24 =	simm.s32 @!p1 $0x100;
	[sflag:s23] =	ssyncset.done @!p1 $0x0  }
0x2e: {  	p0 =	sgt.u32 s29, $0x9C3;
	[sflag:s23] =	ssyncadd.s32 @!p1 $0xFFFFFF80;
	s23 =	simm.s32 @!p1 $0x80  }
0x2f: {  	[tilespmem:s24], [sflag:$0x1] =	stream.indirect.gather @!p1 [hbm4b:s1+s23], $0x80, s22, s23, $0xb8;
	[tilespmem:$0x10100] =	vst v63  }
0x30: {  	s21 =	simm.s32 @!p0 $0x2;
	s24 =	simm.s32 @!p1 $0x8100  }
0x31: {  	[tilespmem:s24], [sflag:$0x3] =	stream.indirect.gather @!p1 [hbm4b:s4+s23], $0x80, s22, s23, $0xb8;
	[tilespmem:$0x10100] =	vst v63  }
0x32: {  	_ =	swait.ge @!p0 [sflag:s21], $0x4000  }
0x33: {  	[sflag:s21] =	ssyncset.done @!p0 $0x0  }
0x34: {  	s22 =	simm.s32 @!p0 $0x4;
	[sflag:s21] =	ssyncadd.s32 @!p0 $0xFFFFC000  }
0x35: {  	s20 =	sadd.s32 $0x60, s20;
	s25 =	simm.s32 @!p0 $0x5;
	_ =	swait.ge @!p0 [sflag:s22], $0x4000  }
0x36: {  	s24 =	simm.s32 @!p0 $0x0;
	s21 =	sadd.s32 @!p0 s12, s10;
	[sflag:s22] =	ssyncset.done @!p0 $0x0  }
0x37: {  	s23 =	simm.s32 @!p0 $0x4100;
	s21 =	sadd.s32 @!p0 $0x10000, s21;
	[sflag:s22] =	ssyncadd.s32 @!p0 $0xFFFFC000  }
0x38: {  	[hbm4b:s21+s24] =	stream.linear.scatter @!p0 [tilespmem:s23], [sflag:$0x5], $0x4000, $0x38;
	[tilespmem:$0x10100] =	vst v63  }
0x39: {  	p2 =	sgt.u32 s20, $0x9C3;
	_ =	swait.ge @!p0 [sflag:s25], $0x4000  }
0x3a: {  	s20 =	sadd.s32 $0x400, s9;
	s21 =	sadd.s32 @!p0 s11, s10;
	[sflag:s25] =	ssyncset.done @!p0 $0x0  }
0x3b: {  	s26 =	simm.s32 @!p0 $0xC100;
	s21 =	sadd.s32 @!p0 $0x10000, s21;
	[sflag:s25] =	ssyncadd.s32 @!p0 $0xFFFFC000  }
0x3c: {  	[hbm4b:s21+s24] =	stream.linear.scatter @!p0 [tilespmem:s26], [sflag:$0x5], $0x4000, $0x38;
	[tilespmem:$0x10100] =	vst v63  }
0x3d: {  	s30 =	simm.s32 @!p2 $0x80;
	s31 =	simm.s32 @!p2 $0x5;
	_ =	swait.ge @!p0 [sflag:s25], $0x4000  }
0x3e: {  	s22 =	sadd.s32 $0x20000, s12;
	s23 =	simm.s32 $0x80;
	[sflag:s25] =	ssyncset.done @!p0 $0x0  }
0x3f: {  	s21 =	sadd.s32 $0x20000, s11;
	s24 =	simm.s32 @!p2 $0x0;
	[sflag:s25] =	ssyncadd.s32 @!p0 $0xFFFFC000  }
0x40: {  	[tilespmem:s30], [sflag:$0x5] =	stream.linear.gather @!p2 [hbm4b:s9+s24], $0x80, $0x38;
	[tilespmem:$0x10100] =	vst v63  }
0x41: {  	s26 =	simm.s32 @!p2 $0x4100;
	s25 =	sadd.s32 $0x40, s5;
	_ =	swait.ge @!p2 [sflag:s31], $0x80  }
0x42: {  	p1 =	sgt.u32 s25, $0x9C3;
	s24 =	sadd.s32 $0x20, s25;
	[sflag:s31] =	ssyncset.done @!p2 $0x0  }
.LBB2_2:
0x43: {  	s28 =	sadd.s32 $0x60, s25;
	[sflag:s31] =	ssyncadd.s32 @!p2 $0xFFFFFF80;
	s29 =	simm.s32 @!p2 $0xC100  }
0x44: {  	[tilespmem:s26], [sflag:$0x2] =	stream.indirect.gather @!p2 [hbm4b:s1+s30], $0x80, s30, s30, $0xb8;
	[tilespmem:$0x10100] =	vst v63  }
0x45: {  	s31 =	simm.s32 @!p1 $0x1;
	s26 =	smov.u32 s23;
	s23 =	sadd.s32 $0x40, s23  }
0x46: {  	[tilespmem:s29], [sflag:$0x4] =	stream.indirect.gather @!p2 [hbm4b:s4+s30], $0x80, s30, s30, $0xb8;
	[tilespmem:$0x10100] =	vst v63  }
0x47: {  	p0 =	sne.s32 s23, $0xA00;
	s29 =	smov.u32 s20;
	_ =	swait.ge @!p1 [sflag:s31], $0x4000  }
0x48: {  	s30 =	simm.s32 @!p1 $0x3;
	[sflag:s31] =	ssyncset.done @!p1 $0x0  }
0x49: {  	[sflag:s31] =	ssyncadd.s32 @!p1 $0xFFFFC000  }
0x4a: {  	s0 =	simm.s32 @!p1 $0x5;
	s31 =	simm.s32 @!p1 $0x100;
	_ =	swait.ge @!p1 [sflag:s30], $0x4000  }
0x4b: {  	s3 =	sadd.s32 @!p1 s22, s10;
	s15 =	simm.s32 @!p1 $0x0;
	[sflag:s30] =	ssyncset.done @!p1 $0x0  }
0x4c: {  	[sflag:s30] =	ssyncadd.s32 @!p1 $0xFFFFC000  }
0x4d: {  	[hbm4b:s3+s15] =	stream.linear.scatter @!p1 [tilespmem:s31], [sflag:$0x5], $0x4000, $0x38;
	[tilespmem:$0x10100] =	vst v63  }
0x4e: {  	_ =	swait.ge @!p1 [sflag:s0], $0x4000  }
0x4f: {  	s30 =	simm.s32 @!p1 $0x8100;
	s3 =	sadd.s32 @!p1 s21, s10;
	[sflag:s0] =	ssyncset.done @!p1 $0x0  }
0x50: {  	s25 =	sadd.s32 $0x40, s25;
	[sflag:s0] =	ssyncadd.s32 @!p1 $0xFFFFC000  }
0x51: {  	[hbm4b:s3+s15] =	stream.linear.scatter @!p1 [tilespmem:s30], [sflag:$0x5], $0x4000, $0x38;
	[tilespmem:$0x10100] =	vst v63  }
0x52: {  	p2 =	sgt.u32 s25, $0x9C3;
	_ =	swait.ge @!p1 [sflag:s0], $0x4000  }
0x53: {  	s3 =	sadd.s32 @!p2 $0xFFFFFE00, s20;
	s15 =	simm.s32 @!p2 $0x0;
	[sflag:s0] =	ssyncset.done @!p1 $0x0  }
0x54: {  	[sflag:s0] =	ssyncadd.s32 @!p1 $0xFFFFC000;
	s0 =	simm.s32 @!p2 $0x5  }
0x55: {  	[tilespmem:s15], [sflag:$0x5] =	stream.linear.gather @!p2 [hbm4b:s3+s15], $0x80, $0x38;
	[tilespmem:$0x10100] =	vst v63  }
0x56: {  	_ =	swait.ge @!p2 [sflag:s0], $0x80  }
0x57: {  	[sflag:s0] =	ssyncset.done @!p2 $0x0  }
0x58: {  	s3 =	simm.s32 @!p2 $0x100;
	[sflag:s0] =	ssyncadd.s32 @!p2 $0xFFFFFF80;
	s0 =	simm.s32 @!p2 $0x80  }
0x59: {  	[tilespmem:s3], [sflag:$0x1] =	stream.indirect.gather @!p2 [hbm4b:s1+s0], $0x80, s15, s0, $0xb8;
	[tilespmem:$0x10100] =	vst v63  }
0x5a: {  	p1 =	sgt.u32 s24, $0x9C3;
	s3 =	simm.s32 @!p2 $0x8100  }
0x5b: {  	[tilespmem:s3], [sflag:$0x3] =	stream.indirect.gather @!p2 [hbm4b:s4+s0], $0x80, s15, s0, $0xb8;
	[tilespmem:$0x10100] =	vst v63  }
0x5c: {  	s0 =	simm.s32 @!p1 $0x2;
	s3 =	sadd.s32 @!p1 s22, s10;
	s15 =	sadd.s32 @!p1 s21, s10  }
0x5d: {  	s3 =	sadd.s32 @!p1 $0x10000, s3;
	s15 =	sadd.s32 @!p1 $0x10000, s15;
	_ =	swait.ge @!p1 [sflag:s0], $0x4000  }
0x5e: {  	s24 =	simm.s32 @!p1 $0x4;
	[sflag:s0] =	ssyncset.done @!p1 $0x0  }
0x5f: {  	[sflag:s0] =	ssyncadd.s32 @!p1 $0xFFFFC000  }
0x60: {  	_ =	swait.ge @!p1 [sflag:s24], $0x4000  }
0x61: {  	s25 =	simm.s32 @!p1 $0x4100;
	s0 =	simm.s32 @!p1 $0x0;
	[sflag:s24] =	ssyncset.done @!p1 $0x0  }
0x62: {  	[sflag:s24] =	ssyncadd.s32 @!p1 $0xFFFFC000;
	s24 =	simm.s32 @!p1 $0x5  }
0x63: {  	[hbm4b:s3+s0] =	stream.linear.scatter @!p1 [tilespmem:s25], [sflag:$0x5], $0x4000, $0x38;
	[tilespmem:$0x10100] =	vst v63  }
0x64: {  	_ =	swait.ge @!p1 [sflag:s24], $0x4000  }
0x65: {  	s3 =	simm.s32 @!p1 $0xC100;
	[sflag:s24] =	ssyncset.done @!p1 $0x0  }
0x66: {  	s22 =	sadd.s32 $0x20000, s22;
	p2 =	sgt.u32 s28, $0x9C3;
	[sflag:s24] =	ssyncadd.s32 @!p1 $0xFFFFC000  }
0x67: {  	[hbm4b:s15+s0] =	stream.linear.scatter @!p1 [tilespmem:s3], [sflag:$0x5], $0x4000, $0x38;
	[tilespmem:$0x10100] =	vst v63  }
0x68: {  	s21 =	sadd.s32 $0x20000, s21;
	s30 =	simm.s32 @!p2 $0x80;
	_ =	swait.ge @!p1 [sflag:s24], $0x4000  }
.Ltmp0:
0x69: {  	s0 =	simm.s32 @!p2 $0x0;
	[sflag:s24] =	ssyncset.done @!p1 $0x0;
	(pc) =	sbr.rel @p0 .LBB2_2-.Ltmp0, $4  }
0x6a: {  	s20 =	sadd.s32 $0x400, s20;
	s31 =	simm.s32 @!p2 $0x5;
	[sflag:s24] =	ssyncadd.s32 @!p1 $0xFFFFC000  }
0x6b: {  	[tilespmem:s30], [sflag:$0x5] =	stream.linear.gather @!p2 [hbm4b:s29+s0], $0x80, $0x38;
	[tilespmem:$0x10100] =	vst v63  }
0x6c: {  	s25 =	sadd.s32 s26, s5;
	s26 =	simm.s32 @!p2 $0x4100;
	_ =	swait.ge @!p2 [sflag:s31], $0x80  }
0x6d: {  	p1 =	sgt.u32 s25, $0x9C3;
	s24 =	sadd.s32 $0x20, s25;
	[sflag:s31] =	ssyncset.done @!p2 $0x0  }
0x6e: {  	[sflag:s31] =	ssyncadd.s32 @!p2 $0xFFFFFF80  }
0x6f: {  	[tilespmem:s26], [sflag:$0x2] =	stream.indirect.gather @!p2 [hbm4b:s1+s30], $0x80, s30, s30, $0xb8;
	[tilespmem:$0x10100] =	vst v63  }
0x70: {  	s0 =	simm.s32 @!p2 $0xC100;
	s3 =	simm.s32 @!p1 $0x1  }
0x71: {  	[tilespmem:s0], [sflag:$0x4] =	stream.indirect.gather @!p2 [hbm4b:s4+s30], $0x80, s30, s30, $0xb8;
	[tilespmem:$0x10100] =	vst v63  }
0x72: {  	_ =	swait.ge @!p1 [sflag:s3], $0x4000  }
0x73: {  	[sflag:s3] =	ssyncset.done @!p1 $0x0  }
0x74: {  	s0 =	simm.s32 @!p1 $0x3;
	[sflag:s3] =	ssyncadd.s32 @!p1 $0xFFFFC000  }
0x75: {  	_ =	swait.ge @!p1 [sflag:s0], $0x4000  }
0x76: {  	s15 =	simm.s32 @!p1 $0x5;
	s23 =	sadd.s32 @!p1 s22, s10;
	[sflag:s0] =	ssyncset.done @!p1 $0x0  }
0x77: {  	s26 =	simm.s32 @!p1 $0x0;
	s3 =	simm.s32 @!p1 $0x100;
	[sflag:s0] =	ssyncadd.s32 @!p1 $0xFFFFC000  }
0x78: {  	[hbm4b:s23+s26] =	stream.linear.scatter @!p1 [tilespmem:s3], [sflag:$0x5], $0x4000, $0x38;
	[tilespmem:$0x10100] =	vst v63  }
0x79: {  	_ =	swait.ge @!p1 [sflag:s15], $0x4000  }
0x7a: {  	s30 =	sadd.s32 $0x40, s25;
	[sflag:s15] =	ssyncset.done @!p1 $0x0  }
0x7b: {  	s0 =	sadd.s32 @!p1 s21, s10;
	s3 =	simm.s32 @!p1 $0x8100;
	[sflag:s15] =	ssyncadd.s32 @!p1 $0xFFFFC000  }
0x7c: {  	[hbm4b:s0+s26] =	stream.linear.scatter @!p1 [tilespmem:s3], [sflag:$0x5], $0x4000, $0x38;
	[tilespmem:$0x10100] =	vst v63  }
0x7d: {  	p2 =	sgt.u32 s30, $0x9C3;
	_ =	swait.ge @!p1 [sflag:s15], $0x4000  }
0x7e: {  	s0 =	sadd.s32 @!p2 $0xFFFFFE00, s20;
	[sflag:s15] =	ssyncset.done @!p1 $0x0  }
0x7f: {  	s3 =	simm.s32 @!p2 $0x0;
	[sflag:s15] =	ssyncadd.s32 @!p1 $0xFFFFC000;
	s15 =	simm.s32 @!p2 $0x5  }
0x80: {  	[tilespmem:s3], [sflag:$0x5] =	stream.linear.gather @!p2 [hbm4b:s0+s3], $0x80, $0x38;
	[tilespmem:$0x10100] =	vst v63  }
0x81: {  	_ =	swait.ge @!p2 [sflag:s15], $0x80  }
0x82: {  	[sflag:s15] =	ssyncset.done @!p2 $0x0  }
0x83: {  	s0 =	simm.s32 @!p2 $0x80;
	[sflag:s15] =	ssyncadd.s32 @!p2 $0xFFFFFF80;
	s15 =	simm.s32 @!p2 $0x100  }
0x84: {  	[tilespmem:s15], [sflag:$0x1] =	stream.indirect.gather @!p2 [hbm4b:s1+s0], $0x80, s3, s0, $0xb8;
	[tilespmem:$0x10100] =	vst v63  }
0x85: {  	p0 =	sgt.u32 s24, $0x9C3;
	s15 =	simm.s32 @!p2 $0x8100  }
0x86: {  	[tilespmem:s15], [sflag:$0x3] =	stream.indirect.gather @!p2 [hbm4b:s4+s0], $0x80, s3, s0, $0xb8;
	[tilespmem:$0x10100] =	vst v63  }
0x87: {  	s0 =	simm.s32 @!p0 $0x2  }
0x88: {  	_ =	swait.ge @!p0 [sflag:s0], $0x4000  }
0x89: {  	[sflag:s0] =	ssyncset.done @!p0 $0x0  }
0x8a: {  	s3 =	simm.s32 @!p0 $0x4;
	[sflag:s0] =	ssyncadd.s32 @!p0 $0xFFFFC000  }
0x8b: {  	s15 =	simm.s32 @!p0 $0x0;
	_ =	swait.ge @!p0 [sflag:s3], $0x4000  }
0x8c: {  	s0 =	sadd.s32 @!p0 s22, s10;
	s22 =	simm.s32 @!p0 $0x4100;
	[sflag:s3] =	ssyncset.done @!p0 $0x0  }
0x8d: {  	s0 =	sadd.s32 @!p0 $0x10000, s0;
	[sflag:s3] =	ssyncadd.s32 @!p0 $0xFFFFC000;
	s3 =	simm.s32 @!p0 $0x5  }
0x8e: {  	[hbm4b:s0+s15] =	stream.linear.scatter @!p0 [tilespmem:s22], [sflag:$0x5], $0x4000, $0x38;
	[tilespmem:$0x10100] =	vst v63  }
0x8f: {  	_ =	swait.ge @!p0 [sflag:s3], $0x4000  }
0x90: {  	s31 =	sadd.s32 $0x60, s25;
	s21 =	sadd.s32 @!p0 s21, s10;
	[sflag:s3] =	ssyncset.done @!p0 $0x0  }
0x91: {  	s21 =	sadd.s32 @!p0 $0x10000, s21;
	s22 =	simm.s32 @!p0 $0xC100;
	[sflag:s3] =	ssyncadd.s32 @!p0 $0xFFFFC000  }
0x92: {  	[hbm4b:s21+s15] =	stream.linear.scatter @!p0 [tilespmem:s22], [sflag:$0x5], $0x4000, $0x38;
	[tilespmem:$0x10100] =	vst v63  }
0x93: {  	p1 =	sgt.u32 s31, $0x9C3;
	_ =	swait.ge @!p0 [sflag:s3], $0x4000  }
0x94: {  	s19 =	sadd.s32 $0x1, s19;
	s0 =	simm.s32 @!p1 $0x0;
	[sflag:s3] =	ssyncset.done @!p0 $0x0  }
0x95: {  	s15 =	simm.s32 @!p1 $0x80;
	[sflag:s3] =	ssyncadd.s32 @!p0 $0xFFFFC000;
	s3 =	simm.s32 @!p1 $0x5  }
0x96: {  	[tilespmem:s15], [sflag:$0x5] =	stream.linear.gather @!p1 [hbm4b:s20+s0], $0x80, $0x38;
	[tilespmem:$0x10100] =	vst v63  }
0x97: {  	p0 =	sne.s32 s19, s8;
	_ =	swait.ge @!p1 [sflag:s3], $0x80  }
.Ltmp1:
0x98: {  	[sflag:s3] =	ssyncset.done @!p1 $0x0;
	(pc) =	sbr.rel @p0 .LBB2_1-.Ltmp1, $4  }
0x99: {  	s0 =	simm.s32 @!p1 $0x4100;
	[sflag:s3] =	ssyncadd.s32 @!p1 $0xFFFFFF80  }
0x9a: {  	[tilespmem:s0], [sflag:$0x2] =	stream.indirect.gather @!p1 [hbm4b:s1+s15], $0x80, s15, s15, $0xb8;
	[tilespmem:$0x10100] =	vst v63  }
0x9b: {  	s0 =	simm.s32 @!p1 $0xC100  }
0x9c: {  	[tilespmem:s0], [sflag:$0x4] =	stream.indirect.gather @!p1 [hbm4b:s4+s15], $0x80, s15, s15, $0xb8;
	[tilespmem:$0x10100] =	vst v63  }
0x9d: {  	_ =	sfence.sel $0x180000  }
0x9e: {  	[bflag:$0x0] =	sbarrier.arrive $0xFFFF  }
0x9f: {  	_ =	strace $0x9000004A  }
0xa0: {  	s0 =	stileid.u32;
	[bflag:$0x2] =	sbarrier.arrive $0xFFFF  }
0xa1: {  	p0 =	sne.s32 s0, $0x0;
	s0 =	rddreg [dreg:$0x2]  }
0xa2: {  	s0 =	sadd.s32 @!p0 $0x100000, s0  }
0xa3: {  	[sflag:s0] =	ssyncadd.tile.s32 @!p0 $0x1;
	_ =	shalt  }
.Lfunc_end2:
_tile_overlayer_lowered:
.L_overlay_start_2:
0xa4: {  	(tag) =	ssettag $0x2  }
0xa5: {  	s0 =	rddreg [dreg:$0x0];
	s2 =	stileid.u32  }
0xa6: {  	s1 =	rddreg [dreg:$0x1];
	p0 =	sne.s32 s2, $0x0  }
0xa7: {  	s3 =	rddreg [dreg:$0x2];
	[bflag:$0x3] =	sbarrier.arrive $0xFFFF;
	s2 =	simm.s32 @!p0 $0x1C05  }
0xa8: {  	[timem:s3], [sflag:s2] =	dma.local @!p0 [hbm:s0], s1  }
0xa9: {  	s0 =	simm.s32 @!p0 $0x5  }
0xaa: {  	_ =	swait.ge @!p0 [sflag:s0], s1  }
0xab: {  	s1 =	ssub.s32 @!p0 $0x0, s1;
	[sflag:s0] =	ssyncset.done @!p0 $0x0  }
0xac: {  	[sflag:s0] =	ssyncadd.s32 @!p0 s1  }
0xad: {  	[bflag:$0x3] =	sbarrier.arrive $0xFFFF  }
0xae: {  	_ =	shalt  }

// kernel: kernel.14.cloned.1.call-start
scs
__scs_entry_jumppad:
0x0: {  	(pc) =	sbr.rel $0x88, $3  }
0x1: {  	(tag) =	ssettag $0x0;
	lr =	simm.s32 $0x1  }
0x2: {  	[smem:$0x3F8D] =	sst lr;
	_ =	strace $0xD0000000  }
0x3: {  	_ = 	snop  }
0x4: {  	_ = 	snop  }
0x5: {  	_ = 	snop  }
0x6: {  	_ = 	snop  }
0x7: {  	_ = 	snop  }
__scs_overlays_trampoline_lowered:
0x8: {  	[smem:$0x3F9C] =	sst s0  }
0x9: {  	[smem:$0x3F9D] =	sst s1  }
0xa: {  	[smem:$0x3F9E] =	sst s2  }
0xb: {  	[smem:$0x3F9F] =	sst s3  }
0xc: {  	[smem:$0x3FA0] =	sst s4  }
0xd: {  	[smem:$0x3FA1] =	sst s5  }
0xe: {  	[smem:$0x3FA2] =	sst s6  }
0xf: {  	[smem:$0x3FA3] =	sst s7  }
0x10: {  	[smem:$0x3FA4] =	sst s8  }
0x11: {  	[smem:$0x3FA5] =	sst s9;
	s0 =	simm.s32 @!p0 $0x0  }
0x12: {  	s1 =	sld [smem:$0x3F8B];
	s0 =	simm.s32 @p0 $0x1  }
0x13: {  	[smem:$0x3FA6] =	sst s0;
	s0 =	simm.s32 @!p1 $0x0  }
0x14: {  	s2 =	sld [smem:$0x3F8A];
	s0 =	simm.s32 @p1 $0x1  }
0x15: {  	[smem:$0x3FA7] =	sst s0;
	s0 =	simm.s32 @!p2 $0x0  }
0x16: {  	s3 =	sld [smem:$0x3FDB];
	s0 =	simm.s32 @p2 $0x1  }
0x17: {  	s4 =	simm.s32 $0x1BF5;
	[smem:$0x3FA9] =	sst s0  }
0x18: {  	s0 =	sld [smem:$0x3F8C];
	_ =	swait.ge [sflag:s4], $0x0  }
0x19: {  	s7 =	sld [smem:$0x3F8D]  }
0x1a: {  	s8 =	sadd.s32 $0xFFFFE003, lr  }
0x1b: {  	s9 =	sadd.s32 $0xFFFFFEF7, lr;
	s5 =	simm.s32 $0xFFFFFFFF;
	p2 =	slt.u32 s8, $0xFFFFF086  }
0x1c: {  	p1 =	slt.u32 s9, $0xF7A;
	s5 =	simm.s32 @!p2 $0x0  }
0x1d: {  	s5 =	simm.s32 @p1 $0x1;
	p0 =	seq.s32 s7, s2  }
0x1e: {  	s7 =	smul.u32 @!p0 $0xF7A, s2;
	p2 =	seq.s32 @!p0 s5, $0x0  }
0x1f: {  	s9 =	smul.u32 $0xF7A, s1;
	s8 =	simm.s32 @!p0 $0x1BF5;
	p2 =	por !p2, p0  }
0x20: {  	[sflag:s8] =	ssyncset.s32 @!p0 $0xFFFFF086;
	s6 =	sadd.s32 @!p0 s3, s7;
	s7 =	simm.s32 @!p0 $0x108  }
0x21: {  	s3 =	sadd.s32 s3, s9;
	s6 =	sadd.s32 @!p0 $0x88, s6;
	s7 =	simm.s32 @p2 $0x1082  }
0x22: {  	[simem:s7], [sflag:s8] =	dma.local @!p0 [hbm:s6], $0xF7A  }
0x23: {  	s9 =	sor.u32 $0xD0000000, s2;
	s6 =	simm.s32 $0x108;
	_ =	swait.ge @!p0 [sflag:s8], $0x0  }
0x24: {  	s3 =	sadd.s32 $0x88, s3;
	s6 =	simm.s32 @!p1 $0x1082;
	[sflag:s4] =	ssyncset.s32 $0xFFFFF086  }
0x25: {  	[simem:s6], [sflag:s4] =	dma.local [hbm:s3], $0xF7A  }
0x26: {  	[smem:$0x3F8D] =	sst s1;
	(tag) =	ssettag s2;
	_ =	strace s9  }
0x27: {  	s1 =	sld [smem:$0x3F9D]  }
0x28: {  	s2 =	sld [smem:$0x3F9E]  }
0x29: {  	s4 =	sld [smem:$0x3FA0]  }
0x2a: {  	p0 =	seq.s32 s5, $0x0;
	s5 =	sld [smem:$0x3FA1]  }
0x2b: {  	s6 =	sld [smem:$0x3FA2]  }
0x2c: {  	s7 =	sld [smem:$0x3FA3]  }
0x2d: {  	s3 =	simm.s32 $0x108;
	s8 =	sld [smem:$0x3FA4]  }
0x2e: {  	s3 =	simm.s32 @!p0 $0x1082;
	s9 =	sld [smem:$0x3FA5]  }
0x2f: {  	lr =	sadd.s32 s0, s3;
	s0 =	sld [smem:$0x3F9C]  }
0x30: {  	s3 =	sld [smem:$0x3F9F]  }
0x31: {  	[smem:$0x3FA8] =	sst s10  }
0x32: {  	s10 =	sld [smem:$0x3FA6];
	_ =	sdelay $0x3  }
0x33: {  	p0 =	seq.s32 s10, $0x1;
	s10 =	sld [smem:$0x3FA8];
	_ =	sdelay $0x3  }
0x34: {  	[smem:$0x3FA8] =	sst s10  }
0x35: {  	s10 =	sld [smem:$0x3FA7];
	_ =	sdelay $0x3  }
0x36: {  	p1 =	seq.s32 s10, $0x1;
	s10 =	sld [smem:$0x3FA8];
	_ =	sdelay $0x3  }
0x37: {  	[smem:$0x3FA8] =	sst s10  }
0x38: {  	s10 =	sld [smem:$0x3FA9]  }
0x39: {  	_ = 	snop;
	(pc) =	sbr.ind lr, $3  }
0x3a: {  	_ = 	snop  }
0x3b: {  	_ = 	snop  }
0x3c: {  	p2 =	seq.s32 s10, $0x1;
	s10 =	sld [smem:$0x3FA8]  }
0x3d: {  	_ =	shalt  }
0x3e: {  	_ =	shalt  }
0x3f: {  	_ =	shalt  }
0x40: {  	_ =	shalt  }
0x41: {  	_ =	shalt  }
0x42: {  	_ =	shalt  }
0x43: {  	_ =	shalt  }
0x44: {  	_ =	shalt  }
0x45: {  	_ =	shalt  }
0x46: {  	_ =	shalt  }
0x47: {  	_ =	shalt  }
0x48: {  	_ =	shalt  }
0x49: {  	_ =	shalt  }
0x4a: {  	_ =	shalt  }
0x4b: {  	_ =	shalt  }
0x4c: {  	_ =	shalt  }
0x4d: {  	_ =	shalt  }
0x4e: {  	_ =	shalt  }
0x4f: {  	_ =	shalt  }
0x50: {  	_ =	shalt  }
0x51: {  	_ =	shalt  }
0x52: {  	_ =	shalt  }
0x53: {  	_ =	shalt  }
0x54: {  	_ =	shalt  }
0x55: {  	_ =	shalt  }
0x56: {  	_ =	shalt  }
0x57: {  	_ =	shalt  }
0x58: {  	_ =	shalt  }
0x59: {  	_ =	shalt  }
0x5a: {  	_ =	shalt  }
0x5b: {  	_ =	shalt  }
0x5c: {  	_ =	shalt  }
0x5d: {  	_ =	shalt  }
0x5e: {  	_ =	shalt  }
0x5f: {  	_ =	shalt  }
0x60: {  	_ =	shalt  }
0x61: {  	_ =	shalt  }
0x62: {  	_ =	shalt  }
0x63: {  	_ =	shalt  }
0x64: {  	_ =	shalt  }
0x65: {  	_ =	shalt  }
0x66: {  	_ =	shalt  }
0x67: {  	_ =	shalt  }
0x68: {  	_ =	shalt  }
0x69: {  	_ =	shalt  }
0x6a: {  	_ =	shalt  }
0x6b: {  	_ =	shalt  }
0x6c: {  	_ =	shalt  }
0x6d: {  	_ =	shalt  }
0x6e: {  	_ =	shalt  }
0x6f: {  	_ =	shalt  }
0x70: {  	_ =	shalt  }
0x71: {  	_ =	shalt  }
0x72: {  	_ =	shalt  }
0x73: {  	_ =	shalt  }
0x74: {  	_ =	shalt  }
0x75: {  	_ =	shalt  }
0x76: {  	_ =	shalt  }
0x77: {  	_ =	shalt  }
0x78: {  	_ =	shalt  }
0x79: {  	_ =	shalt  }
0x7a: {  	_ =	shalt  }
0x7b: {  	_ =	shalt  }
0x7c: {  	_ =	shalt  }
0x7d: {  	_ =	shalt  }
0x7e: {  	_ =	shalt  }
0x7f: {  	_ =	shalt  }
0x80: {  	_ =	shalt  }
0x81: {  	_ =	shalt  }
0x82: {  	_ =	shalt  }
0x83: {  	_ =	shalt  }
0x84: {  	_ =	shalt  }
0x85: {  	_ =	shalt  }
0x86: {  	_ =	shalt  }
0x87: {  	_ =	shalt  }
.Lfunc_end0:
.L_simem_size_0:
called_computation.2_lowered:
.L_overlay_start_0:
0x88: {  	s2 =	sld [smem:$0x3FD9]  }
0x89: {  	s3 =	sld [smem:$0x3FFE];
	_ =	sdelay $0x1  }
0x8a: {  	s1 =	srdreg.scid  }
0x8b: {  	s0 =	sand.u32 $0x1, s1  }
0x8c: {  	s17 =	sshll.u32 s0, $0xA;
	s2 =	sadd.s32 s3, s2  }
0x8d: {  	s2 =	sadd.s32 s2, s17  }
0x8e: {  	[smem:$0x3FB4] =	sst s2  }
0x8f: {  	_ = 	snop  }
0x90: {  	s2 =	sld [smem:$0x3FD0];
	(tm) =	ssettm $0x1  }
0x91: {  	s18 =	sld [smem:$0x3FFB];
	_ =	sdelay $0x3  }
0x92: {  	_ =	strace s18  }
0x93: {  	s3 =	sld [smem:$0x3FFC];
	_ =	sdelay $0x3  }
0x94: {  	_ =	strace s3  }
0x95: {  	s3 =	sld [smem:$0x3FFD];
	_ =	sdelay $0x3  }
0x96: {  	_ =	strace s3  }
0x97: {  	_ =	strace $0x8FFFFFFF  }
0x98: {  	s19 =	sld [smem:$0x3FDB];
	_ =	sdelay $0x1  }
0x99: {  	s4 =	simm.s32 $_scs_section_size  }
0x9a: {  	s5 =	simm.s32 $_size__tile_overlayer_lowered;
	s6 =	simm.s32 $_tile_overlayer_lowered  }
0x9b: {  	s22 =	simm.s32 $0x1BFF;
	s21 =	sshll.u32 s6, $0x1;
	s3 =	sadd.s32 s4, s19  }
0x9c: {  	s7 =	simm.s32 $0x0;
	s20 =	sshll.u32 s5, $0x1;
	s5 =	sadd.s32 s21, s3  }
0x9d: {  	[timem:s7], [sflag:s22] =	dma.local [hbm:s5], s20  }
0x9e: {  	_ =	swait.ge [sflag:s22], s20  }
0x9f: {  	s4 =	ssub.s32 $0x0, s20;
	[sflag:s22] =	ssyncset.done $0x0  }
0xa0: {  	[sflag:s22] =	ssyncadd.s32 s4;
	_ =	sdelay $0x1  }
0xa1: {  	s23 =	simm.s32 $0x1B8B  }
0xa2: {  	_ =	swait.ge [sflag:s23], $0x1  }
0xa3: {  	[sflag:s23] =	ssyncset.done $0x0  }
0xa4: {  	s25 =	simm.s32 $0x1B8E;
	s24 =	sld [smem:$0x3FFE];
	[sflag:s23] =	ssyncadd.s32 $0xFFFFFFFF  }
0xa5: {  	s26 =	simm.s32 $execute0_lowered;
	[smem:$0x3FD2] =	sst s25  }
0xa6: {  	s5 =	sshll.u32 s26, $0x1;
	_ =	strace $0x8000004C;
	[dreg:$0x1] =	wrdreg $0xFFFFFFFF  }
0xa7: {  	s28 =	simm.s32 $_size_execute0_lowered;
	s3 =	sadd.s32 s3, s5;
	[dreg:$0x0] =	wrdreg $0x0  }
0xa8: {  	s5 =	sshll.u32 s28, $0x1;
	[dreg:$0x2] =	wrdreg s3  }
0xa9: {  	[dreg:$0x3] =	wrdreg s5  }
0xaa: {  	[dreg:$0x4] =	wrdreg $0xC0  }
0xab: {  	_ =	task [dreg:s7], $0x5FFFF  }
0xac: {  	[dreg:$0x1] =	wrdreg $0xFFFFFFFF  }
0xad: {  	[dreg:$0x0] =	wrdreg $0x60  }
0xae: {  	[dreg:$0x2] =	wrdreg s24  }
0xaf: {  	[dreg:$0x3] =	wrdreg s2  }
0xb0: {  	[dreg:$0x4] =	wrdreg $0xA9800  }
0xb1: {  	[dreg:$0x5] =	wrdreg $0x9  }
0xb2: {  	_ =	task.clear_ibuf [dreg:s7], $0x6FFFF;
	_ =	strace $0x9000004C  }
0xb3: {  	s29 =	simm.s32 $0x9;
	_ =	strace $0x8000004E  }
0xb4: {  	_ =	swait.ge [sflag:s29], $0x1  }
0xb5: {  	[sflag:s29] =	ssyncadd.s32 $0xFFFFFFFF  }
0xb6: {  	_ =	strace $0x9000004E  }
0xb7: {  	_ =	sfence  }
0xb8: {  	s30 =	sld [smem:$0x0];
	_ =	sdelay $0x2  }
0xb9: {  	s31 =	sshll.u32 s1, $0xD;
	s1 =	sshrl.u32 s1, $0x2  }
0xba: {  	s3 =	sand.u32 $0x4000, s31;
	s1 =	sadd.s32 s1, s30  }
0xbb: {  	s0 =	sor.u32 s3, s0;
	s1 =	sshll.u32 s1, $0x11  }
0xbc: {  	s0 =	sor.u32 s1, s0  }
0xbd: {  	s0 =	sadd.s32 $0x8F2B, s0  }
0xbe: {  	[sflag:s0] =	ssyncadd.remote.s32 $0x1  }
0xbf: {  	_ =	sfence.sel $0xFFFF  }
0xc0: {  	[dreg:$0x0] =	wrdreg $0xFFFFFFFF;
	(pc) =	sbr.abs _section_cstart, $3  }
0xc1: {  	[dreg:$0x1] =	wrdreg $0xFFFFFFFF  }
0xc2: {  	_ =	task.clear_ibuf [dreg:s7], $0x2FFFF;
	_ =	strace $0x9FFFFFFF  }
0xc3: {  	(tm) =	ssettm $0x7FFFFFFF  }
tec
execute0_lowered:
.L_overlay_start_1:
0x0: {  	(tag) =	ssettag $0x1  }
0x1: {  	s6 =	rddreg [dreg:$0x0]  }
0x2: {  	s2 =	rddreg [dreg:$0x2]  }
0x3: {  	s3 =	simm.s32 $0x0;
	s4 =	srdreg.scid;
	s18 =	stileid.u32  }
0x4: {  	[smem:$0x7FF] =	sst s3;
	s15 =	sand.u32 $0x1, s4;
	s10 =	sshll.u32 s18, $0x1  }
0x5: {  	s5 =	sshrl.u32 s18, $0x2;
	s16 =	sadd.s32 $0x13F8E00, s6;
	s17 =	sadd.s32 $0x4C00, s6  }
0x6: {  	s19 =	sadd.s32 $0xEA00, s6;
	s26 =	sshll.u32 s18, $0x5;
	s28 =	sshll.u32 s18, $0xC  }
0x7: {  	p0 =	sne.s32 s18, $0x0;
	s18 =	simm.s32 $0x8200;
	s7 =	smul.u32 $0x13C00, s5  }
0x8: {  	_ =	strace $0x8000004D;
	s4 =	sor.u32 s15, s10;
	s8 =	smul.u32 $0x27100, s15  }
0x9: {  	s5 =	sadd.s32 $0x18800, s6;
	s21 =	ssub.s32 $0x2, s15;
	s25 =	ssub.s32 $0x9A4, s10  }
0xa: {  	s29 =	sshll.u32 s15, $0xB;
	s30 =	sadd.s32 s26, s19;
	s20 =	sshll.u32 s4, $0x7  }
0xb: {  	s22 =	sshrl.u32 s21, $0x1;
	s23 =	sshll.u32 s4, $0x4;
	s11 =	sor.u32 $0x20, s4  }
0xc: {  	s24 =	sshll.u32 s4, $0xB;
	[dreg:$0x5] =	wrdreg s25;
	s25 =	simm.s32 $0x400  }
0xd: {  	s9 =	sand.u32 $0x380, s20;
	s13 =	sadd.s32 s8, s6;
	s14 =	ssub.s32 s21, s22  }
0xe: {  	s20 =	sshll.u32 s11, $0x4;
	s8 =	sadd.s32 s16, s24;
	s21 =	ssub.s32 $0x9C4, s10  }
0xf: {  	s11 =	sshll.u32 s11, $0xB;
	s22 =	sshll.u32 s15, $0x4;
	s24 =	simm.s32 $0x4100  }
0x10: {  	s7 =	sor.u32 s7, s9;
	s9 =	sadd.s32 s19, s20;
	[dreg:$0x4] =	wrdreg s21  }
0x11: {  	s10 =	sadd.s32 s17, s20;
	s11 =	sadd.s32 s16, s11;
	s13 =	sadd.s32 $0x67200, s13  }
0x12: {  	s14 =	smax.u32 s14, $0x1;
	s16 =	sadd.s32 s28, s16;
	s7 =	sshrl.u32 s7, $0x3  }
0x13: {  	s31 =	sadd.s32 s29, s16;
	s16 =	sadd.s32 s22, s30;
	s12 =	sadd.s32 s7, s6  }
0x14: {  	s6 =	sadd.s32 s19, s23;
	s7 =	sadd.s32 s17, s23;
	s17 =	sadd.s32 s26, s17  }
0x15: {  	s19 =	simm.s32 $0x3;
	s26 =	simm.s32 $0x0;
	s12 =	sadd.s32 $0x18E00, s12  }
0x16: {  	s15 =	sadd.s32 s22, s17;
	s17 =	sadd.s32 $0x30000, s31;
	s22 =	simm.s32 $0x80  }
.LBB2_1:
0x17: {  	s28 =	sshrl.u32 @!p0 s2, $0x3;
	s29 =	simm.s32 @!p0 $0x1C03;
	s0 =	rddreg [dreg:$0x1]  }
0x18: {  	[spmem:s28], [sflag:s29] =	dma.local @!p0 [hbm:s0], $0x27100  }
0x19: {  	s29 =	simm.s32 @!p0 $0x3  }
0x1a: {  	_ =	swait.ge @!p0 [sflag:s29], $0x27100  }
0x1b: {  	[sflag:s29] =	ssyncset.done @!p0 $0x0  }
0x1c: {  	[sflag:s29] =	ssyncadd.s32 @!p0 $0xFFFD8F00  }
0x1d: {  	[tilespmem:s18], [sflag:$0x3] =	stream.linear.gather [hbm4b:s5+s3], $0x2780, $0x38;
	[tilespmem:$0x1E200] =	vst v63  }
0x1e: {  	_ =	swait.ge [sflag:s19], $0x2780  }
0x1f: {  	[sflag:s19] =	ssyncset.done $0x0  }
0x20: {  	[sflag:s19] =	ssyncadd.s32 $0xFFFFD880  }
0x21: {  	[bflag:$0x0] =	sbarrier.arrive $0xFFFF  }
0x22: {  	[tilespmem:s3], [sflag:$0x3] =	stream.linear.gather [hbm4b:s6+s3], $0x80, $0x38;
	[tilespmem:$0x1E200] =	vst v63  }
0x23: {  	_ =	swait.ge [sflag:s19], $0x80  }
0x24: {  	[sflag:s19] =	ssyncset.done $0x0  }
0x25: {  	s20 =	simm.s32 $0x8100;
	[sflag:s19] =	ssyncadd.s32 $0xFFFFFF80  }
0x26: {  	[tilespmem:s20], [sflag:$0x3] =	stream.linear.gather [hbm4b:s7+s3], $0x80, $0x38;
	[tilespmem:$0x1E200] =	vst v63  }
0x27: {  	_ =	swait.ge [sflag:s19], $0x80  }
0x28: {  	[sflag:s19] =	ssyncset.done $0x0  }
0x29: {  	s21 =	simm.s32 $0x100;
	[sflag:s19] =	ssyncadd.s32 $0xFFFFFF80  }
0x2a: {  	[tilespmem:s21], [sflag:$0x1] =	stream.linear.gather [hbm4b:s8+s3], $0x4000, $0x38;
	[tilespmem:$0x1E200] =	vst v63  }
0x2b: {  	_ = 	snop  }
0x2c: {  	[tilespmem:s22], [sflag:$0x3] =	stream.linear.gather [hbm4b:s9+s3], $0x80, $0x38;
	[tilespmem:$0x1E200] =	vst v63  }
0x2d: {  	_ =	swait.ge [sflag:s19], $0x80  }
0x2e: {  	[sflag:s19] =	ssyncset.done $0x0  }
0x2f: {  	s23 =	simm.s32 $0x8180;
	[sflag:s19] =	ssyncadd.s32 $0xFFFFFF80  }
0x30: {  	[tilespmem:s23], [sflag:$0x3] =	stream.linear.gather [hbm4b:s10+s3], $0x80, $0x38;
	[tilespmem:$0x1E200] =	vst v63  }
0x31: {  	_ =	swait.ge [sflag:s19], $0x80  }
0x32: {  	s30 =	simm.s32 $0x0;
	[sflag:s19] =	ssyncset.done $0x0  }
0x33: {  	s31 =	simm.s32 $0x0;
	s29 =	smov.u32 s17;
	[sflag:s19] =	ssyncadd.s32 $0xFFFFFF80  }
0x34: {  	[tilespmem:s24], [sflag:$0x2] =	stream.linear.gather [hbm4b:s11+s3], $0x4000, $0x38;
	[tilespmem:$0x1E200] =	vst v63  }
.LBB2_2:
0x35: {  	s0 =	rddreg [dreg:$0x4]  }
0x36: {  	p1 =	sge.u32 s30, s0  }
0x37: {  	s0 =	simm.s32 @!p1 $0x1  }
0x38: {  	_ =	swait.ge @!p1 [sflag:s0], $0x4000  }
0x39: {  	s1 =	simm.s32 @!p1 $0x0;
	[sflag:s0] =	ssyncset.done @!p1 $0x0  }
0x3a: {  	s20 =	simm.s32 @!p1 $0x100;
	[sflag:s0] =	ssyncadd.s32 @!p1 $0xFFFFC000;
	s0 =	simm.s32 @!p1 $0x80  }
0x3b: {  	[spmem:s2] =	stream.indirect.scatter.add.f32 @!p1 [tilespmem:s20], [sflag:$0x3], $0x80, s1, s0, $0xb8;
	[tilespmem:$0x1E200] =	vst v63  }
0x3c: {  	s0 =	simm.s32 @!p1 $0x3  }
0x3d: {  	_ =	swait.ge @!p1 [sflag:s0], $0x4000  }
0x3e: {  	[sflag:s0] =	ssyncset.done @!p1 $0x0  }
0x3f: {  	[sflag:s0] =	ssyncadd.s32 @!p1 $0xFFFFC000  }
0x40: {  	v0 =	vld @!p1 [tilespmem:$0x0];
	_ =	sdelay $0x2  }
0x41: {  	v1 =	vld @!p1 [tilespmem:$0x8100];
	_ =	sdelay $0x3  }
0x42: {  	s0 =	simm.s32 @!p1 $0x8200  }
0x43: {  	[tilespmem:v0+s0+$0x0] =	vst.idx.add.f32.msk @!p1 $0xffff, v1  }
0x44: {  	v0 =	vld @!p1 [tilespmem:$0x10];
	_ =	sdelay $0x2  }
0x45: {  	v1 =	vld @!p1 [tilespmem:$0x8110];
	_ =	sdelay $0x4  }
0x46: {  	[tilespmem:v0+s0+$0x0] =	vst.idx.add.f32.msk @!p1 $0xffff, v1  }
0x47: {  	v0 =	vld @!p1 [tilespmem:$0x20];
	_ =	sdelay $0x2  }
0x48: {  	v1 =	vld @!p1 [tilespmem:$0x8120];
	_ =	sdelay $0x4  }
0x49: {  	[tilespmem:v0+s0+$0x0] =	vst.idx.add.f32.msk @!p1 $0xffff, v1  }
0x4a: {  	v0 =	vld @!p1 [tilespmem:$0x30];
	_ =	sdelay $0x2  }
0x4b: {  	v1 =	vld @!p1 [tilespmem:$0x8130];
	_ =	sdelay $0x4  }
0x4c: {  	[tilespmem:v0+s0+$0x0] =	vst.idx.add.f32.msk @!p1 $0xffff, v1  }
0x4d: {  	v0 =	vld @!p1 [tilespmem:$0x40];
	_ =	sdelay $0x2  }
0x4e: {  	v1 =	vld @!p1 [tilespmem:$0x8140];
	_ =	sdelay $0x4  }
0x4f: {  	[tilespmem:v0+s0+$0x0] =	vst.idx.add.f32.msk @!p1 $0xffff, v1  }
0x50: {  	v0 =	vld @!p1 [tilespmem:$0x50];
	_ =	sdelay $0x2  }
0x51: {  	v1 =	vld @!p1 [tilespmem:$0x8150];
	_ =	sdelay $0x4  }
0x52: {  	[tilespmem:v0+s0+$0x0] =	vst.idx.add.f32.msk @!p1 $0xffff, v1  }
0x53: {  	v0 =	vld @!p1 [tilespmem:$0x60];
	_ =	sdelay $0x2  }
0x54: {  	v1 =	vld @!p1 [tilespmem:$0x8160];
	_ =	sdelay $0x4  }
0x55: {  	[tilespmem:v0+s0+$0x0] =	vst.idx.add.f32.msk @!p1 $0xffff, v1  }
0x56: {  	v0 =	vld @!p1 [tilespmem:$0x70];
	_ =	sdelay $0x2  }
0x57: {  	v1 =	vld @!p1 [tilespmem:$0x8170]  }
0x58: {  	s1 =	sadd.s32 s30, s4  }
0x59: {  	s23 =	sadd.s32 $0x40, s1  }
0x5a: {  	p2 =	sgt.u32 s23, $0x9C3  }
0x5b: {  	s20 =	sadd.s32 @!p2 s31, s16  }
0x5c: {  	[tilespmem:v0+s0+$0x0] =	vst.idx.add.f32.msk @!p1 $0xffff, v1;
	s0 =	sadd.s32 @!p2 $0x400, s20;
	s20 =	simm.s32 @!p2 $0x0  }
0x5d: {  	[tilespmem:s20], [sflag:$0x3] =	stream.linear.gather @!p2 [hbm4b:s0+s20], $0x80, $0x38;
	[tilespmem:$0x1E200] =	vst v63  }
0x5e: {  	s0 =	simm.s32 @!p2 $0x3  }
0x5f: {  	_ =	swait.ge @!p2 [sflag:s0], $0x80  }
0x60: {  	s21 =	sadd.s32 @!p2 s31, s15;
	[sflag:s0] =	ssyncset.done @!p2 $0x0  }
0x61: {  	s23 =	simm.s32 @!p2 $0x8100;
	s21 =	sadd.s32 @!p2 $0x400, s21;
	[sflag:s0] =	ssyncadd.s32 @!p2 $0xFFFFFF80  }
0x62: {  	[tilespmem:s23], [sflag:$0x3] =	stream.linear.gather @!p2 [hbm4b:s21+s20], $0x80, $0x38;
	[tilespmem:$0x1E200] =	vst v63  }
0x63: {  	_ =	swait.ge @!p2 [sflag:s0], $0x80  }
0x64: {  	s23 =	simm.s32 @!p2 $0x100;
	[sflag:s0] =	ssyncset.done @!p2 $0x0;
	s21 =	rddreg [dreg:$0x5]  }
0x65: {  	[sflag:s0] =	ssyncadd.s32 @!p2 $0xFFFFFF80;
	s0 =	sadd.s32 @!p2 $0xFFFF0000, s29;
	p1 =	sge.u32 s30, s21  }
0x66: {  	[tilespmem:s23], [sflag:$0x1] =	stream.linear.gather @!p2 [hbm4b:s0+s20], $0x4000, $0x38;
	[tilespmem:$0x1E200] =	vst v63  }
0x67: {  	s0 =	simm.s32 @!p1 $0x2  }
0x68: {  	_ =	swait.ge @!p1 [sflag:s0], $0x4000  }
0x69: {  	[sflag:s0] =	ssyncset.done @!p1 $0x0  }
0x6a: {  	s20 =	simm.s32 @!p1 $0x4100;
	[sflag:s0] =	ssyncadd.s32 @!p1 $0xFFFFC000;
	s0 =	simm.s32 @!p1 $0x80  }
0x6b: {  	[spmem:s2] =	stream.indirect.scatter.add.f32 @!p1 [tilespmem:s20], [sflag:$0x3], $0x80, s0, s0, $0xb8;
	[tilespmem:$0x1E200] =	vst v63  }
0x6c: {  	s0 =	simm.s32 @!p1 $0x3  }
0x6d: {  	_ =	swait.ge @!p1 [sflag:s0], $0x4000  }
0x6e: {  	[sflag:s0] =	ssyncset.done @!p1 $0x0  }
0x6f: {  	[sflag:s0] =	ssyncadd.s32 @!p1 $0xFFFFC000  }
0x70: {  	v0 =	vld @!p1 [tilespmem:$0x80];
	_ =	sdelay $0x2  }
0x71: {  	v1 =	vld @!p1 [tilespmem:$0x8180];
	_ =	sdelay $0x3  }
0x72: {  	s0 =	simm.s32 @!p1 $0x8200  }
0x73: {  	[tilespmem:v0+s0+$0x0] =	vst.idx.add.f32.msk @!p1 $0xffff, v1  }
0x74: {  	v0 =	vld @!p1 [tilespmem:$0x90];
	_ =	sdelay $0x2  }
0x75: {  	v1 =	vld @!p1 [tilespmem:$0x8190];
	_ =	sdelay $0x4  }
0x76: {  	[tilespmem:v0+s0+$0x0] =	vst.idx.add.f32.msk @!p1 $0xffff, v1  }
0x77: {  	v0 =	vld @!p1 [tilespmem:$0xA0];
	_ =	sdelay $0x2  }
0x78: {  	v1 =	vld @!p1 [tilespmem:$0x81A0];
	_ =	sdelay $0x4  }
0x79: {  	[tilespmem:v0+s0+$0x0] =	vst.idx.add.f32.msk @!p1 $0xffff, v1  }
0x7a: {  	v0 =	vld @!p1 [tilespmem:$0xB0];
	_ =	sdelay $0x2  }
0x7b: {  	v1 =	vld @!p1 [tilespmem:$0x81B0];
	_ =	sdelay $0x4  }
0x7c: {  	[tilespmem:v0+s0+$0x0] =	vst.idx.add.f32.msk @!p1 $0xffff, v1  }
0x7d: {  	v0 =	vld @!p1 [tilespmem:$0xC0];
	_ =	sdelay $0x2  }
0x7e: {  	v1 =	vld @!p1 [tilespmem:$0x81C0];
	_ =	sdelay $0x4  }
0x7f: {  	[tilespmem:v0+s0+$0x0] =	vst.idx.add.f32.msk @!p1 $0xffff, v1  }
0x80: {  	v0 =	vld @!p1 [tilespmem:$0xD0];
	_ =	sdelay $0x2  }
0x81: {  	v1 =	vld @!p1 [tilespmem:$0x81D0];
	_ =	sdelay $0x4  }
0x82: {  	[tilespmem:v0+s0+$0x0] =	vst.idx.add.f32.msk @!p1 $0xffff, v1  }
0x83: {  	v0 =	vld @!p1 [tilespmem:$0xE0];
	_ =	sdelay $0x2  }
0x84: {  	v1 =	vld @!p1 [tilespmem:$0x81E0];
	_ =	sdelay $0x4  }
0x85: {  	[tilespmem:v0+s0+$0x0] =	vst.idx.add.f32.msk @!p1 $0xffff, v1  }
0x86: {  	v0 =	vld @!p1 [tilespmem:$0xF0];
	_ =	sdelay $0x2  }
0x87: {  	v1 =	vld @!p1 [tilespmem:$0x81F0];
	_ =	sdelay $0x1  }
0x88: {  	s1 =	sadd.s32 $0x60, s1  }
0x89: {  	p2 =	sgt.u32 s1, $0x9C3  }
0x8a: {  	s1 =	sadd.s32 @!p2 s31, s16  }
0x8b: {  	s20 =	simm.s32 @!p2 $0x80;
	[tilespmem:v0+s0+$0x0] =	vst.idx.add.f32.msk @!p1 $0xffff, v1;
	s0 =	sadd.s32 @!p2 $0x600, s1;
	s1 =	simm.s32 @!p2 $0x0  }
0x8c: {  	[tilespmem:s20], [sflag:$0x3] =	stream.linear.gather @!p2 [hbm4b:s0+s1], $0x80, $0x38;
	[tilespmem:$0x1E200] =	vst v63  }
0x8d: {  	s0 =	simm.s32 @!p2 $0x3  }
0x8e: {  	s21 =	simm.s32 @!p2 $0x8180;
	_ =	swait.ge @!p2 [sflag:s0], $0x80  }
0x8f: {  	s20 =	sadd.s32 @!p2 s31, s15;
	s31 =	sadd.s32 $0x400, s31;
	[sflag:s0] =	ssyncset.done @!p2 $0x0  }
0x90: {  	s20 =	sadd.s32 @!p2 $0x600, s20;
	p1 =	sne.s32 s31, $0xA000;
	[sflag:s0] =	ssyncadd.s32 @!p2 $0xFFFFFF80  }
0x91: {  	[tilespmem:s21], [sflag:$0x3] =	stream.linear.gather @!p2 [hbm4b:s20+s1], $0x80, $0x38;
	[tilespmem:$0x1E200] =	vst v63  }
.Ltmp0:
0x92: {  	_ =	swait.ge @!p2 [sflag:s0], $0x80;
	(pc) =	sbr.rel @p1 .LBB2_2-.Ltmp0, $4  }
0x93: {  	[sflag:s0] =	ssyncset.done @!p2 $0x0  }
0x94: {  	[sflag:s0] =	ssyncadd.s32 @!p2 $0xFFFFFF80;
	s0 =	simm.s32 @!p2 $0x4100  }
0x95: {  	[tilespmem:s0], [sflag:$0x2] =	stream.linear.gather @!p2 [hbm4b:s29+s1], $0x4000, $0x38;
	[tilespmem:$0x1E200] =	vst v63  }
0x96: {  	s30 =	sadd.s32 $0x40, s30;
	s29 =	sadd.s32 $0x20000, s29  }
0x97: {  	[hbm4b:s12+s22] =	stream.strided.scatter [tilespmem:s18], [sflag:$0x3], $0x2780, s25, s22, $0x38;
	[tilespmem:$0x1E200] =	vst v63  }
0x98: {  	_ =	swait.ge [sflag:s19], $0x2780  }
0x99: {  	[sflag:s19] =	ssyncset.done $0x0  }
0x9a: {  	s26 =	sadd.s32 $0x1, s26;
	[sflag:s19] =	ssyncadd.s32 $0xFFFFD880  }
0x9b: {  	s0 =	simm.s32 @!p0 $0x1C03;
	p1 =	sne.s32 s26, s14;
	[bflag:$0x0] =	sbarrier.arrive $0xFFFF  }
0x9c: {  	[hbm:s13], [sflag:s0] =	dma.local @!p0 [spmem:s28], $0x27100  }
.Ltmp1:
0x9d: {  	_ = 	snop;
	(pc) =	sbr.rel @p1 .LBB2_1-.Ltmp1, $4  }
0x9e: {  	s0 =	simm.s32 @!p0 $0x3  }
0x9f: {  	_ =	swait.ge @!p0 [sflag:s0], $0x27100  }
0xa0: {  	[sflag:s0] =	ssyncset.done @!p0 $0x0  }
0xa1: {  	[sflag:s0] =	ssyncadd.s32 @!p0 $0xFFFD8F00  }
0xa2: {  	_ =	sfence.sel $0x180000  }
0xa3: {  	[bflag:$0x0] =	sbarrier.arrive $0xFFFF  }
0xa4: {  	_ =	strace $0x9000004D  }
0xa5: {  	[bflag:$0x2] =	sbarrier.arrive $0xFFFF  }
0xa6: {  	s0 =	rddreg [dreg:$0x3]  }
0xa7: {  	s0 =	sadd.s32 @!p0 $0x100000, s0  }
0xa8: {  	[sflag:s0] =	ssyncadd.tile.s32 @!p0 $0x1;
	_ =	shalt  }
.Lfunc_end2:
_tile_overlayer_lowered:
.L_overlay_start_2:
0xa9: {  	(tag) =	ssettag $0x2  }
0xaa: {  	s0 =	rddreg [dreg:$0x0];
	s2 =	stileid.u32  }
0xab: {  	s1 =	rddreg [dreg:$0x1];
	p0 =	sne.s32 s2, $0x0  }
0xac: {  	s3 =	rddreg [dreg:$0x2];
	[bflag:$0x3] =	sbarrier.arrive $0xFFFF;
	s2 =	simm.s32 @!p0 $0x1C03  }
0xad: {  	[timem:s3], [sflag:s2] =	dma.local @!p0 [hbm:s0], s1  }
0xae: {  	s0 =	simm.s32 @!p0 $0x3  }
0xaf: {  	_ =	swait.ge @!p0 [sflag:s0], s1  }
0xb0: {  	s1 =	ssub.s32 @!p0 $0x0, s1;
	[sflag:s0] =	ssyncset.done @!p0 $0x0  }
0xb1: {  	[sflag:s0] =	ssyncadd.s32 @!p0 s1  }
0xb2: {  	[bflag:$0x3] =	sbarrier.arrive $0xFFFF  }
0xb3: {  	_ =	shalt  }

// kernel: kernel.8.cloned.1.call-start
scs
__scs_entry_jumppad:
0x0: {  	(pc) =	sbr.rel $0x88, $3  }
0x1: {  	(tag) =	ssettag $0x0;
	lr =	simm.s32 $0x1  }
0x2: {  	[smem:$0x3F8D] =	sst lr;
	_ =	strace $0xD0000000  }
0x3: {  	_ = 	snop  }
0x4: {  	_ = 	snop  }
0x5: {  	_ = 	snop  }
0x6: {  	_ = 	snop  }
0x7: {  	_ = 	snop  }
__scs_overlays_trampoline_lowered:
0x8: {  	[smem:$0x3F9C] =	sst s0  }
0x9: {  	[smem:$0x3F9D] =	sst s1  }
0xa: {  	[smem:$0x3F9E] =	sst s2  }
0xb: {  	[smem:$0x3F9F] =	sst s3  }
0xc: {  	[smem:$0x3FA0] =	sst s4  }
0xd: {  	[smem:$0x3FA1] =	sst s5  }
0xe: {  	[smem:$0x3FA2] =	sst s6  }
0xf: {  	[smem:$0x3FA3] =	sst s7  }
0x10: {  	[smem:$0x3FA4] =	sst s8  }
0x11: {  	[smem:$0x3FA5] =	sst s9;
	s0 =	simm.s32 @!p0 $0x0  }
0x12: {  	s1 =	sld [smem:$0x3F8B];
	s0 =	simm.s32 @p0 $0x1  }
0x13: {  	[smem:$0x3FA6] =	sst s0;
	s0 =	simm.s32 @!p1 $0x0  }
0x14: {  	s2 =	sld [smem:$0x3F8A];
	s0 =	simm.s32 @p1 $0x1  }
0x15: {  	[smem:$0x3FA7] =	sst s0;
	s0 =	simm.s32 @!p2 $0x0  }
0x16: {  	s3 =	sld [smem:$0x3FDB];
	s0 =	simm.s32 @p2 $0x1  }
0x17: {  	s4 =	simm.s32 $0x1BF5;
	[smem:$0x3FA9] =	sst s0  }
0x18: {  	s0 =	sld [smem:$0x3F8C];
	_ =	swait.ge [sflag:s4], $0x0  }
0x19: {  	s7 =	sld [smem:$0x3F8D]  }
0x1a: {  	s8 =	sadd.s32 $0xFFFFE003, lr  }
0x1b: {  	s9 =	sadd.s32 $0xFFFFFEF7, lr;
	s5 =	simm.s32 $0xFFFFFFFF;
	p2 =	slt.u32 s8, $0xFFFFF086  }
0x1c: {  	p1 =	slt.u32 s9, $0xF7A;
	s5 =	simm.s32 @!p2 $0x0  }
0x1d: {  	s5 =	simm.s32 @p1 $0x1;
	p0 =	seq.s32 s7, s2  }
0x1e: {  	s7 =	smul.u32 @!p0 $0xF7A, s2;
	p2 =	seq.s32 @!p0 s5, $0x0  }
0x1f: {  	s9 =	smul.u32 $0xF7A, s1;
	s8 =	simm.s32 @!p0 $0x1BF5;
	p2 =	por !p2, p0  }
0x20: {  	[sflag:s8] =	ssyncset.s32 @!p0 $0xFFFFF086;
	s6 =	sadd.s32 @!p0 s3, s7;
	s7 =	simm.s32 @!p0 $0x108  }
0x21: {  	s3 =	sadd.s32 s3, s9;
	s6 =	sadd.s32 @!p0 $0x88, s6;
	s7 =	simm.s32 @p2 $0x1082  }
0x22: {  	[simem:s7], [sflag:s8] =	dma.local @!p0 [hbm:s6], $0xF7A  }
0x23: {  	s9 =	sor.u32 $0xD0000000, s2;
	s6 =	simm.s32 $0x108;
	_ =	swait.ge @!p0 [sflag:s8], $0x0  }
0x24: {  	s3 =	sadd.s32 $0x88, s3;
	s6 =	simm.s32 @!p1 $0x1082;
	[sflag:s4] =	ssyncset.s32 $0xFFFFF086  }
0x25: {  	[simem:s6], [sflag:s4] =	dma.local [hbm:s3], $0xF7A  }
0x26: {  	[smem:$0x3F8D] =	sst s1;
	(tag) =	ssettag s2;
	_ =	strace s9  }
0x27: {  	s1 =	sld [smem:$0x3F9D]  }
0x28: {  	s2 =	sld [smem:$0x3F9E]  }
0x29: {  	s4 =	sld [smem:$0x3FA0]  }
0x2a: {  	p0 =	seq.s32 s5, $0x0;
	s5 =	sld [smem:$0x3FA1]  }
0x2b: {  	s6 =	sld [smem:$0x3FA2]  }
0x2c: {  	s7 =	sld [smem:$0x3FA3]  }
0x2d: {  	s3 =	simm.s32 $0x108;
	s8 =	sld [smem:$0x3FA4]  }
0x2e: {  	s3 =	simm.s32 @!p0 $0x1082;
	s9 =	sld [smem:$0x3FA5]  }
0x2f: {  	lr =	sadd.s32 s0, s3;
	s0 =	sld [smem:$0x3F9C]  }
0x30: {  	s3 =	sld [smem:$0x3F9F]  }
0x31: {  	[smem:$0x3FA8] =	sst s10  }
0x32: {  	s10 =	sld [smem:$0x3FA6];
	_ =	sdelay $0x3  }
0x33: {  	p0 =	seq.s32 s10, $0x1;
	s10 =	sld [smem:$0x3FA8];
	_ =	sdelay $0x3  }
0x34: {  	[smem:$0x3FA8] =	sst s10  }
0x35: {  	s10 =	sld [smem:$0x3FA7];
	_ =	sdelay $0x3  }
0x36: {  	p1 =	seq.s32 s10, $0x1;
	s10 =	sld [smem:$0x3FA8];
	_ =	sdelay $0x3  }
0x37: {  	[smem:$0x3FA8] =	sst s10  }
0x38: {  	s10 =	sld [smem:$0x3FA9]  }
0x39: {  	_ = 	snop;
	(pc) =	sbr.ind lr, $3  }
0x3a: {  	_ = 	snop  }
0x3b: {  	_ = 	snop  }
0x3c: {  	p2 =	seq.s32 s10, $0x1;
	s10 =	sld [smem:$0x3FA8]  }
0x3d: {  	_ =	shalt  }
0x3e: {  	_ =	shalt  }
0x3f: {  	_ =	shalt  }
0x40: {  	_ =	shalt  }
0x41: {  	_ =	shalt  }
0x42: {  	_ =	shalt  }
0x43: {  	_ =	shalt  }
0x44: {  	_ =	shalt  }
0x45: {  	_ =	shalt  }
0x46: {  	_ =	shalt  }
0x47: {  	_ =	shalt  }
0x48: {  	_ =	shalt  }
0x49: {  	_ =	shalt  }
0x4a: {  	_ =	shalt  }
0x4b: {  	_ =	shalt  }
0x4c: {  	_ =	shalt  }
0x4d: {  	_ =	shalt  }
0x4e: {  	_ =	shalt  }
0x4f: {  	_ =	shalt  }
0x50: {  	_ =	shalt  }
0x51: {  	_ =	shalt  }
0x52: {  	_ =	shalt  }
0x53: {  	_ =	shalt  }
0x54: {  	_ =	shalt  }
0x55: {  	_ =	shalt  }
0x56: {  	_ =	shalt  }
0x57: {  	_ =	shalt  }
0x58: {  	_ =	shalt  }
0x59: {  	_ =	shalt  }
0x5a: {  	_ =	shalt  }
0x5b: {  	_ =	shalt  }
0x5c: {  	_ =	shalt  }
0x5d: {  	_ =	shalt  }
0x5e: {  	_ =	shalt  }
0x5f: {  	_ =	shalt  }
0x60: {  	_ =	shalt  }
0x61: {  	_ =	shalt  }
0x62: {  	_ =	shalt  }
0x63: {  	_ =	shalt  }
0x64: {  	_ =	shalt  }
0x65: {  	_ =	shalt  }
0x66: {  	_ =	shalt  }
0x67: {  	_ =	shalt  }
0x68: {  	_ =	shalt  }
0x69: {  	_ =	shalt  }
0x6a: {  	_ =	shalt  }
0x6b: {  	_ =	shalt  }
0x6c: {  	_ =	shalt  }
0x6d: {  	_ =	shalt  }
0x6e: {  	_ =	shalt  }
0x6f: {  	_ =	shalt  }
0x70: {  	_ =	shalt  }
0x71: {  	_ =	shalt  }
0x72: {  	_ =	shalt  }
0x73: {  	_ =	shalt  }
0x74: {  	_ =	shalt  }
0x75: {  	_ =	shalt  }
0x76: {  	_ =	shalt  }
0x77: {  	_ =	shalt  }
0x78: {  	_ =	shalt  }
0x79: {  	_ =	shalt  }
0x7a: {  	_ =	shalt  }
0x7b: {  	_ =	shalt  }
0x7c: {  	_ =	shalt  }
0x7d: {  	_ =	shalt  }
0x7e: {  	_ =	shalt  }
0x7f: {  	_ =	shalt  }
0x80: {  	_ =	shalt  }
0x81: {  	_ =	shalt  }
0x82: {  	_ =	shalt  }
0x83: {  	_ =	shalt  }
0x84: {  	_ =	shalt  }
0x85: {  	_ =	shalt  }
0x86: {  	_ =	shalt  }
0x87: {  	_ =	shalt  }
.Lfunc_end0:
.L_simem_size_0:
called_computation_lowered:
.L_overlay_start_0:
0x88: {  	s2 =	sld [smem:$0x3FD9]  }
0x89: {  	s3 =	sld [smem:$0x3FFE];
	_ =	sdelay $0x1  }
0x8a: {  	s1 =	srdreg.scid  }
0x8b: {  	s0 =	sand.u32 $0x1, s1  }
0x8c: {  	s17 =	sshll.u32 s0, $0xA;
	s2 =	sadd.s32 s3, s2  }
0x8d: {  	s2 =	sadd.s32 s2, s17  }
0x8e: {  	[smem:$0x3FB4] =	sst s2  }
0x8f: {  	_ = 	snop  }
0x90: {  	s2 =	sld [smem:$0x3FC9]  }
0x91: {  	s18 =	sld [smem:$0x3FD0];
	(tm) =	ssettm $0x1  }
0x92: {  	s4 =	sld [smem:$0x3FFB];
	_ =	sdelay $0x3  }
0x93: {  	_ =	strace s4  }
0x94: {  	s4 =	sld [smem:$0x3FFC];
	_ =	sdelay $0x3  }
0x95: {  	_ =	strace s4  }
0x96: {  	s4 =	sld [smem:$0x3FFD];
	_ =	sdelay $0x3  }
0x97: {  	_ =	strace s4  }
0x98: {  	_ =	strace $0x8FFFFFFF  }
0x99: {  	s19 =	sld [smem:$0x3FDB];
	_ =	sdelay $0x1  }
0x9a: {  	s5 =	simm.s32 $_scs_section_size  }
0x9b: {  	s6 =	simm.s32 $_size__tile_overlayer_lowered;
	s7 =	simm.s32 $_tile_overlayer_lowered  }
0x9c: {  	s22 =	simm.s32 $0x1BFF;
	s21 =	sshll.u32 s7, $0x1;
	s4 =	sadd.s32 s5, s19  }
0x9d: {  	s8 =	simm.s32 $0x0;
	s20 =	sshll.u32 s6, $0x1;
	s6 =	sadd.s32 s21, s4  }
0x9e: {  	[timem:s8], [sflag:s22] =	dma.local [hbm:s6], s20  }
0x9f: {  	_ =	swait.ge [sflag:s22], s20  }
0xa0: {  	s5 =	ssub.s32 $0x0, s20;
	[sflag:s22] =	ssyncset.done $0x0  }
0xa1: {  	[sflag:s22] =	ssyncadd.s32 s5;
	_ =	sdelay $0x1  }
0xa2: {  	s23 =	simm.s32 $0x1B8B  }
0xa3: {  	_ =	swait.ge [sflag:s23], $0x1  }
0xa4: {  	[sflag:s23] =	ssyncset.done $0x0  }
0xa5: {  	s25 =	simm.s32 $0x1B8E;
	s24 =	sld [smem:$0x3FFE];
	[sflag:s23] =	ssyncadd.s32 $0xFFFFFFFF  }
0xa6: {  	s26 =	simm.s32 $execute0_lowered;
	[smem:$0x3FD2] =	sst s25  }
0xa7: {  	s6 =	sshll.u32 s26, $0x1;
	_ =	strace $0x80000046;
	[dreg:$0x1] =	wrdreg $0xFFFFFFFF  }
0xa8: {  	s28 =	simm.s32 $_size_execute0_lowered;
	s4 =	sadd.s32 s4, s6;
	[dreg:$0x0] =	wrdreg $0x0  }
0xa9: {  	s6 =	sshll.u32 s28, $0x1;
	[dreg:$0x2] =	wrdreg s4  }
0xaa: {  	[dreg:$0x3] =	wrdreg s6  }
0xab: {  	[dreg:$0x4] =	wrdreg $0xC0  }
0xac: {  	_ =	task [dreg:s8], $0x5FFFF  }
0xad: {  	[dreg:$0x1] =	wrdreg $0xFFFFFFFF  }
0xae: {  	[dreg:$0x0] =	wrdreg $0x60  }
0xaf: {  	[dreg:$0x2] =	wrdreg s2  }
0xb0: {  	[dreg:$0x3] =	wrdreg s24  }
0xb1: {  	[dreg:$0x4] =	wrdreg s18  }
0xb2: {  	[dreg:$0x5] =	wrdreg $0xA9800  }
0xb3: {  	[dreg:$0x6] =	wrdreg $0x9  }
0xb4: {  	_ =	task.clear_ibuf [dreg:s8], $0x7FFFF;
	_ =	strace $0x90000046  }
0xb5: {  	s29 =	simm.s32 $0x9;
	_ =	strace $0x80000048  }
0xb6: {  	_ =	swait.ge [sflag:s29], $0x1  }
0xb7: {  	[sflag:s29] =	ssyncadd.s32 $0xFFFFFFFF  }
0xb8: {  	_ =	strace $0x90000048  }
0xb9: {  	_ =	sfence  }
0xba: {  	s30 =	sld [smem:$0x0];
	_ =	sdelay $0x2  }
0xbb: {  	s31 =	sshll.u32 s1, $0xD;
	s1 =	sshrl.u32 s1, $0x2  }
0xbc: {  	s3 =	sand.u32 $0x4000, s31;
	s1 =	sadd.s32 s1, s30  }
0xbd: {  	s0 =	sor.u32 s3, s0;
	s1 =	sshll.u32 s1, $0x11  }
0xbe: {  	s0 =	sor.u32 s1, s0  }
0xbf: {  	s0 =	sadd.s32 $0x8F2B, s0  }
0xc0: {  	[sflag:s0] =	ssyncadd.remote.s32 $0x1  }
0xc1: {  	_ =	sfence.sel $0xFFFF  }
0xc2: {  	[dreg:$0x0] =	wrdreg $0xFFFFFFFF;
	(pc) =	sbr.abs _section_cstart, $3  }
0xc3: {  	[dreg:$0x1] =	wrdreg $0xFFFFFFFF  }
0xc4: {  	_ =	task.clear_ibuf [dreg:s8], $0x2FFFF;
	_ =	strace $0x9FFFFFFF  }
0xc5: {  	(tm) =	ssettm $0x7FFFFFFF  }
tec
execute0_lowered:
.L_overlay_start_1:
0x0: {  	(tag) =	ssettag $0x1  }
0x1: {  	s1 =	rddreg [dreg:$0x0]  }
0x2: {  	s6 =	rddreg [dreg:$0x1]  }
0x3: {  	s3 =	rddreg [dreg:$0x3];
	s4 =	simm.s32 $0x0;
	s5 =	srdreg.scid  }
0x4: {  	s15 =	stileid.u32;
	[smem:$0x7FF] =	sst s4;
	s14 =	sand.u32 $0x1, s5  }
0x5: {  	s21 =	sshll.u32 s15, $0x1;
	s16 =	sadd.s32 $0xEA00, s6;
	s22 =	sshrl.u32 s15, $0x2  }
0x6: {  	s13 =	sadd.s32 $0x4C00, s6;
	s8 =	sshll.u32 s15, $0xC;
	s5 =	sadd.s32 $0x18800, s6  }
0x7: {  	s19 =	sshll.u32 s15, $0x5;
	p0 =	sne.s32 s15, $0x0;
	s7 =	smul.u32 $0x13C00, s22  }
0x8: {  	_ =	strace $0x80000047;
	s17 =	sor.u32 s14, s21;
	s9 =	smul.u32 $0x27100, s14  }
0x9: {  	s18 =	sadd.s32 s8, s6;
	s24 =	ssub.s32 $0x2, s14;
	s20 =	sshll.u32 s14, $0x4  }
0xa: {  	s30 =	sshll.u32 s14, $0xB;
	s21 =	simm.s32 $0x80;
	s23 =	sshll.u32 s17, $0x7  }
0xb: {  	s26 =	sshrl.u32 s24, $0x1;
	s28 =	sshll.u32 s17, $0x4;
	s31 =	sadd.s32 s30, s18  }
0xc: {  	s15 =	sor.u32 $0x60, s17;
	s17 =	sshrl.u32 @!p0 s3, $0x3;
	s18 =	simm.s32 $0x8200  }
0xd: {  	s10 =	sand.u32 $0x380, s23;
	s11 =	sadd.s32 s9, s6;
	s12 =	ssub.s32 s24, s26  }
0xe: {  	s29 =	sor.u32 $0x200, s28;
	s23 =	simm.s32 $0x180;
	s26 =	simm.s32 $0x0  }
0xf: {  	s7 =	sor.u32 s7, s10;
	s8 =	sadd.s32 s16, s29;
	s9 =	sadd.s32 s13, s29  }
0x10: {  	s11 =	sadd.s32 $0x22C00, s11;
	s12 =	smax.u32 s12, $0x1;
	s7 =	sshrl.u32 s7, $0x3  }
0x11: {  	s25 =	sadd.s32 s7, s6;
	s6 =	sadd.s32 s16, s28;
	s7 =	sadd.s32 s13, s28  }
0x12: {  	s13 =	sadd.s32 s19, s13;
	s16 =	sadd.s32 s19, s16;
	s19 =	simm.s32 $0x3  }
0x13: {  	s10 =	sadd.s32 $0x18E00, s25;
	s13 =	sadd.s32 s20, s13;
	s14 =	sadd.s32 s20, s16  }
0x14: {  	s16 =	sadd.s32 $0x70E00, s31;
	s20 =	simm.s32 $0x100;
	s25 =	simm.s32 $0x400  }
.LBB2_1:
0x15: {  	s28 =	simm.s32 @!p0 $0x1C03;
	s0 =	rddreg [dreg:$0x2]  }
0x16: {  	[spmem:s17], [sflag:s28] =	dma.local @!p0 [hbm:s0], $0x27100  }
0x17: {  	s28 =	simm.s32 @!p0 $0x3  }
0x18: {  	_ =	swait.ge @!p0 [sflag:s28], $0x27100  }
0x19: {  	[sflag:s28] =	ssyncset.done @!p0 $0x0  }
0x1a: {  	[sflag:s28] =	ssyncadd.s32 @!p0 $0xFFFD8F00  }
0x1b: {  	[tilespmem:s18], [sflag:$0x3] =	stream.linear.gather [hbm4b:s5+s4], $0x2780, $0x38;
	[tilespmem:$0x1E200] =	vst v63  }
0x1c: {  	_ =	swait.ge [sflag:s19], $0x2780  }
0x1d: {  	[sflag:s19] =	ssyncset.done $0x0  }
0x1e: {  	[sflag:s19] =	ssyncadd.s32 $0xFFFFD880  }
0x1f: {  	[bflag:$0x0] =	sbarrier.arrive $0xFFFF  }
0x20: {  	[tilespmem:s4], [sflag:$0x3] =	stream.linear.gather [hbm4b:s6+s4], $0x80, $0x38;
	[tilespmem:$0x1E200] =	vst v63  }
0x21: {  	_ =	swait.ge [sflag:s19], $0x80  }
0x22: {  	[sflag:s19] =	ssyncset.done $0x0  }
0x23: {  	[sflag:s19] =	ssyncadd.s32 $0xFFFFFF80  }
0x24: {  	[tilespmem:s20], [sflag:$0x3] =	stream.linear.gather [hbm4b:s7+s4], $0x80, $0x38;
	[tilespmem:$0x1E200] =	vst v63  }
0x25: {  	_ =	swait.ge [sflag:s19], $0x80  }
0x26: {  	[sflag:s19] =	ssyncset.done $0x0  }
0x27: {  	s24 =	simm.s32 $0x200;
	[sflag:s19] =	ssyncadd.s32 $0xFFFFFF80  }
0x28: {  	[tilespmem:s24], [sflag:$0x1] =	stream.indirect.gather [hbm4b:s1+s21], $0x80, s20, s21, $0xb8;
	[tilespmem:$0x1E200] =	vst v63  }
0x29: {  	_ = 	snop  }
0x2a: {  	[tilespmem:s21], [sflag:$0x3] =	stream.linear.gather [hbm4b:s8+s4], $0x80, $0x38;
	[tilespmem:$0x1E200] =	vst v63  }
0x2b: {  	_ =	swait.ge [sflag:s19], $0x80  }
0x2c: {  	[sflag:s19] =	ssyncset.done $0x0  }
0x2d: {  	[sflag:s19] =	ssyncadd.s32 $0xFFFFFF80  }
0x2e: {  	[tilespmem:s23], [sflag:$0x3] =	stream.linear.gather [hbm4b:s9+s4], $0x80, $0x38;
	[tilespmem:$0x1E200] =	vst v63  }
0x2f: {  	_ =	swait.ge [sflag:s19], $0x80  }
0x30: {  	s31 =	simm.s32 $0x4200;
	s29 =	smov.u32 s15;
	[sflag:s19] =	ssyncset.done $0x0  }
0x31: {  	s30 =	simm.s32 $0x0;
	s28 =	smov.u32 s16;
	[sflag:s19] =	ssyncadd.s32 $0xFFFFFF80  }
0x32: {  	[tilespmem:s31], [sflag:$0x2] =	stream.indirect.gather [hbm4b:s1+s21], $0x80, s23, s21, $0xb8;
	[tilespmem:$0x1E200] =	vst v63  }
.LBB2_2:
0x33: {  	s31 =	sadd.s32 $0xFFFFFFA0, s29  }
0x34: {  	p1 =	sgt.u32 s31, $0x9C3  }
0x35: {  	s31 =	simm.s32 @!p1 $0x1  }
0x36: {  	_ =	swait.ge @!p1 [sflag:s31], $0x4000  }
0x37: {  	s0 =	simm.s32 @!p1 $0x200;
	[sflag:s31] =	ssyncset.done @!p1 $0x0  }
0x38: {  	s2 =	simm.s32 @!p1 $0x3;
	[sflag:s31] =	ssyncadd.s32 @!p1 $0xFFFFC000;
	s31 =	simm.s32 @!p1 $0x0  }
0x39: {  	[hbm4b:s28+s31] =	stream.linear.scatter @!p1 [tilespmem:s0], [sflag:$0x3], $0x4000, $0x38;
	[tilespmem:$0x1E200] =	vst v63  }
0x3a: {  	_ =	swait.ge @!p1 [sflag:s2], $0x4000  }
0x3b: {  	[sflag:s2] =	ssyncset.done @!p1 $0x0  }
0x3c: {  	s22 =	simm.s32 @!p1 $0x80;
	[sflag:s2] =	ssyncadd.s32 @!p1 $0xFFFFC000  }
0x3d: {  	[spmem:s3] =	stream.indirect.scatter.add.f32 @!p1 [tilespmem:s0], [sflag:$0x3], $0x80, s31, s22, $0xb8;
	[tilespmem:$0x1E200] =	vst v63  }
0x3e: {  	_ =	swait.ge @!p1 [sflag:s2], $0x4000  }
0x3f: {  	[sflag:s2] =	ssyncset.done @!p1 $0x0  }
0x40: {  	[sflag:s2] =	ssyncadd.s32 @!p1 $0xFFFFC000  }
0x41: {  	v0 =	vld @!p1 [tilespmem:$0x0];
	_ =	sdelay $0x6  }
0x42: {  	v1 =	vimm.f32 @!p1 $1.000000000e+00;
	s0 =	simm.s32 @!p1 $0x8200  }
0x43: {  	[tilespmem:v0+s0+$0x0] =	vst.idx.add.f32.msk @!p1 $0xffff, v1  }
0x44: {  	v0 =	vld @!p1 [tilespmem:$0x10];
	_ =	sdelay $0x7  }
0x45: {  	[tilespmem:v0+s0+$0x0] =	vst.idx.add.f32.msk @!p1 $0xffff, v1  }
0x46: {  	v0 =	vld @!p1 [tilespmem:$0x20];
	_ =	sdelay $0x7  }
0x47: {  	[tilespmem:v0+s0+$0x0] =	vst.idx.add.f32.msk @!p1 $0xffff, v1  }
0x48: {  	v0 =	vld @!p1 [tilespmem:$0x30];
	_ =	sdelay $0x7  }
0x49: {  	[tilespmem:v0+s0+$0x0] =	vst.idx.add.f32.msk @!p1 $0xffff, v1  }
0x4a: {  	v0 =	vld @!p1 [tilespmem:$0x40];
	_ =	sdelay $0x7  }
0x4b: {  	[tilespmem:v0+s0+$0x0] =	vst.idx.add.f32.msk @!p1 $0xffff, v1  }
0x4c: {  	v0 =	vld @!p1 [tilespmem:$0x50];
	_ =	sdelay $0x7  }
0x4d: {  	[tilespmem:v0+s0+$0x0] =	vst.idx.add.f32.msk @!p1 $0xffff, v1  }
0x4e: {  	v0 =	vld @!p1 [tilespmem:$0x60];
	_ =	sdelay $0x7  }
0x4f: {  	[tilespmem:v0+s0+$0x0] =	vst.idx.add.f32.msk @!p1 $0xffff, v1  }
0x50: {  	v0 =	vld @!p1 [tilespmem:$0x70];
	_ =	sdelay $0x4  }
0x51: {  	s24 =	sadd.s32 $0xFFFFFFE0, s29  }
0x52: {  	p2 =	sgt.u32 s24, $0x9C3  }
0x53: {  	s2 =	sadd.s32 @!p2 s30, s14  }
0x54: {  	[tilespmem:v0+s0+$0x0] =	vst.idx.add.f32.msk @!p1 $0xffff, v1;
	s0 =	sadd.s32 @!p2 $0x400, s2;
	s2 =	simm.s32 @!p2 $0x0  }
0x55: {  	[tilespmem:s2], [sflag:$0x3] =	stream.linear.gather @!p2 [hbm4b:s0+s2], $0x80, $0x38;
	[tilespmem:$0x1E200] =	vst v63  }
0x56: {  	s0 =	simm.s32 @!p2 $0x3  }
0x57: {  	_ =	swait.ge @!p2 [sflag:s0], $0x80  }
0x58: {  	s22 =	sadd.s32 @!p2 s30, s13;
	[sflag:s0] =	ssyncset.done @!p2 $0x0  }
0x59: {  	s31 =	simm.s32 @!p2 $0x100;
	s22 =	sadd.s32 @!p2 $0x400, s22;
	[sflag:s0] =	ssyncadd.s32 @!p2 $0xFFFFFF80  }
0x5a: {  	[tilespmem:s31], [sflag:$0x3] =	stream.linear.gather @!p2 [hbm4b:s22+s2], $0x80, $0x38;
	[tilespmem:$0x1E200] =	vst v63  }
0x5b: {  	_ =	swait.ge @!p2 [sflag:s0], $0x80  }
0x5c: {  	[sflag:s0] =	ssyncset.done @!p2 $0x0  }
0x5d: {  	s2 =	simm.s32 @!p2 $0x200;
	[sflag:s0] =	ssyncadd.s32 @!p2 $0xFFFFFF80;
	s0 =	simm.s32 @!p2 $0x80  }
0x5e: {  	[tilespmem:s2], [sflag:$0x1] =	stream.indirect.gather @!p2 [hbm4b:s1+s0], $0x80, s31, s0, $0xb8;
	[tilespmem:$0x1E200] =	vst v63  }
0x5f: {  	s31 =	sadd.s32 $0xFFFFFFC0, s29  }
0x60: {  	p1 =	sgt.u32 s31, $0x9C3  }
0x61: {  	s0 =	simm.s32 @!p1 $0x2  }
0x62: {  	_ =	swait.ge @!p1 [sflag:s0], $0x4000  }
0x63: {  	s2 =	simm.s32 @!p1 $0x0;
	[sflag:s0] =	ssyncset.done @!p1 $0x0  }
0x64: {  	s22 =	simm.s32 @!p1 $0x4200;
	[sflag:s0] =	ssyncadd.s32 @!p1 $0xFFFFC000;
	s0 =	sadd.s32 @!p1 $0x10000, s28  }
0x65: {  	[hbm4b:s0+s2] =	stream.linear.scatter @!p1 [tilespmem:s22], [sflag:$0x3], $0x4000, $0x38;
	[tilespmem:$0x1E200] =	vst v63  }
0x66: {  	s0 =	simm.s32 @!p1 $0x3  }
0x67: {  	_ =	swait.ge @!p1 [sflag:s0], $0x4000  }
0x68: {  	[sflag:s0] =	ssyncset.done @!p1 $0x0  }
0x69: {  	s2 =	simm.s32 @!p1 $0x80;
	[sflag:s0] =	ssyncadd.s32 @!p1 $0xFFFFC000  }
0x6a: {  	[spmem:s3] =	stream.indirect.scatter.add.f32 @!p1 [tilespmem:s22], [sflag:$0x3], $0x80, s2, s2, $0xb8;
	[tilespmem:$0x1E200] =	vst v63  }
0x6b: {  	_ =	swait.ge @!p1 [sflag:s0], $0x4000  }
0x6c: {  	[sflag:s0] =	ssyncset.done @!p1 $0x0  }
0x6d: {  	[sflag:s0] =	ssyncadd.s32 @!p1 $0xFFFFC000  }
0x6e: {  	v0 =	vld @!p1 [tilespmem:$0x80];
	_ =	sdelay $0x6  }
0x6f: {  	v1 =	vimm.f32 @!p1 $1.000000000e+00;
	s0 =	simm.s32 @!p1 $0x8200  }
0x70: {  	[tilespmem:v0+s0+$0x0] =	vst.idx.add.f32.msk @!p1 $0xffff, v1  }
0x71: {  	v0 =	vld @!p1 [tilespmem:$0x90];
	_ =	sdelay $0x7  }
0x72: {  	[tilespmem:v0+s0+$0x0] =	vst.idx.add.f32.msk @!p1 $0xffff, v1  }
0x73: {  	v0 =	vld @!p1 [tilespmem:$0xA0];
	_ =	sdelay $0x7  }
0x74: {  	[tilespmem:v0+s0+$0x0] =	vst.idx.add.f32.msk @!p1 $0xffff, v1  }
0x75: {  	v0 =	vld @!p1 [tilespmem:$0xB0];
	_ =	sdelay $0x7  }
0x76: {  	[tilespmem:v0+s0+$0x0] =	vst.idx.add.f32.msk @!p1 $0xffff, v1  }
0x77: {  	v0 =	vld @!p1 [tilespmem:$0xC0];
	_ =	sdelay $0x7  }
0x78: {  	[tilespmem:v0+s0+$0x0] =	vst.idx.add.f32.msk @!p1 $0xffff, v1  }
0x79: {  	v0 =	vld @!p1 [tilespmem:$0xD0];
	_ =	sdelay $0x7  }
0x7a: {  	[tilespmem:v0+s0+$0x0] =	vst.idx.add.f32.msk @!p1 $0xffff, v1  }
0x7b: {  	v0 =	vld @!p1 [tilespmem:$0xE0];
	_ =	sdelay $0x7  }
0x7c: {  	[tilespmem:v0+s0+$0x0] =	vst.idx.add.f32.msk @!p1 $0xffff, v1  }
0x7d: {  	v0 =	vld @!p1 [tilespmem:$0xF0];
	_ =	sdelay $0x5  }
0x7e: {  	p2 =	sgt.u32 s29, $0x9C3  }
0x7f: {  	s2 =	sadd.s32 @!p2 s30, s14  }
0x80: {  	s22 =	simm.s32 @!p2 $0x80;
	[tilespmem:v0+s0+$0x0] =	vst.idx.add.f32.msk @!p1 $0xffff, v1;
	s0 =	sadd.s32 @!p2 $0x600, s2;
	s2 =	simm.s32 @!p2 $0x0  }
0x81: {  	[tilespmem:s22], [sflag:$0x3] =	stream.linear.gather @!p2 [hbm4b:s0+s2], $0x80, $0x38;
	[tilespmem:$0x1E200] =	vst v63  }
0x82: {  	s0 =	simm.s32 @!p2 $0x3  }
0x83: {  	s31 =	sadd.s32 @!p2 s30, s13;
	_ =	swait.ge @!p2 [sflag:s0], $0x80  }
0x84: {  	s24 =	simm.s32 @!p2 $0x180;
	s30 =	sadd.s32 $0x400, s30;
	[sflag:s0] =	ssyncset.done @!p2 $0x0  }
0x85: {  	s31 =	sadd.s32 @!p2 $0x600, s31;
	p1 =	sne.s32 s30, $0xA000;
	[sflag:s0] =	ssyncadd.s32 @!p2 $0xFFFFFF80  }
0x86: {  	[tilespmem:s24], [sflag:$0x3] =	stream.linear.gather @!p2 [hbm4b:s31+s2], $0x80, $0x38;
	[tilespmem:$0x1E200] =	vst v63  }
.Ltmp0:
0x87: {  	_ = 	snop;
	(pc) =	sbr.rel @p1 .LBB2_2-.Ltmp0, $4  }
0x88: {  	_ =	swait.ge @!p2 [sflag:s0], $0x80  }
0x89: {  	s29 =	sadd.s32 $0x40, s29;
	[sflag:s0] =	ssyncset.done @!p2 $0x0  }
0x8a: {  	s28 =	sadd.s32 $0x20000, s28;
	[sflag:s0] =	ssyncadd.s32 @!p2 $0xFFFFFF80;
	s0 =	simm.s32 @!p2 $0x4200  }
0x8b: {  	[tilespmem:s0], [sflag:$0x2] =	stream.indirect.gather @!p2 [hbm4b:s1+s22], $0x80, s24, s22, $0xb8;
	[tilespmem:$0x1E200] =	vst v63  }
0x8c: {  	[hbm4b:s10+s21] =	stream.strided.scatter [tilespmem:s18], [sflag:$0x3], $0x2780, s25, s21, $0x38;
	[tilespmem:$0x1E200] =	vst v63  }
0x8d: {  	_ =	swait.ge [sflag:s19], $0x2780  }
0x8e: {  	[sflag:s19] =	ssyncset.done $0x0  }
0x8f: {  	s26 =	sadd.s32 $0x1, s26;
	[sflag:s19] =	ssyncadd.s32 $0xFFFFD880  }
0x90: {  	s0 =	simm.s32 @!p0 $0x1C03;
	p1 =	sne.s32 s26, s12;
	[bflag:$0x0] =	sbarrier.arrive $0xFFFF  }
0x91: {  	[hbm:s11], [sflag:s0] =	dma.local @!p0 [spmem:s17], $0x27100  }
.Ltmp1:
0x92: {  	_ = 	snop;
	(pc) =	sbr.rel @p1 .LBB2_1-.Ltmp1, $4  }
0x93: {  	s0 =	simm.s32 @!p0 $0x3  }
0x94: {  	_ =	swait.ge @!p0 [sflag:s0], $0x27100  }
0x95: {  	[sflag:s0] =	ssyncset.done @!p0 $0x0  }
0x96: {  	[sflag:s0] =	ssyncadd.s32 @!p0 $0xFFFD8F00  }
0x97: {  	_ =	sfence.sel $0x180000  }
0x98: {  	[bflag:$0x0] =	sbarrier.arrive $0xFFFF  }
0x99: {  	_ =	strace $0x90000047  }
0x9a: {  	[bflag:$0x2] =	sbarrier.arrive $0xFFFF  }
0x9b: {  	s0 =	rddreg [dreg:$0x4]  }
0x9c: {  	s0 =	sadd.s32 @!p0 $0x100000, s0  }
0x9d: {  	[sflag:s0] =	ssyncadd.tile.s32 @!p0 $0x1;
	_ =	shalt  }
.Lfunc_end2:
_tile_overlayer_lowered:
.L_overlay_start_2:
0x9e: {  	(tag) =	ssettag $0x2  }
0x9f: {  	s0 =	rddreg [dreg:$0x0];
	s2 =	stileid.u32  }
0xa0: {  	s1 =	rddreg [dreg:$0x1];
	p0 =	sne.s32 s2, $0x0  }
0xa1: {  	s3 =	rddreg [dreg:$0x2];
	[bflag:$0x3] =	sbarrier.arrive $0xFFFF;
	s2 =	simm.s32 @!p0 $0x1C03  }
0xa2: {  	[timem:s3], [sflag:s2] =	dma.local @!p0 [hbm:s0], s1  }
0xa3: {  	s0 =	simm.s32 @!p0 $0x3  }
0xa4: {  	_ =	swait.ge @!p0 [sflag:s0], s1  }
0xa5: {  	s1 =	ssub.s32 @!p0 $0x0, s1;
	[sflag:s0] =	ssyncset.done @!p0 $0x0  }
0xa6: {  	[sflag:s0] =	ssyncadd.s32 @!p0 s1  }
0xa7: {  	[bflag:$0x3] =	sbarrier.arrive $0xFFFF  }
0xa8: {  	_ =	shalt  }

</sc_bundles>
